<compile_context>
chip_gen: v7x
topology: tpu7x:2x2x1
jax: 0.10.2.dev20260603
libtpu: 0.0.44.dev20260713+nightly
codegen_flags: <defaults>
</compile_context>

<pallas_src>
import functools

import jax
import jax.numpy as jnp
from jax import lax
from jax.experimental import pallas as pl
from jax.experimental.pallas import tpu as pltpu
from jax.experimental.pallas import tpu_sc as plsc

VOCAB = 1000000
D = 64
B = 4096
L = 200
PK = 2 * D
PBLK = 8192
H = 62 * PBLK

NC = 2
NS = 16
LANES = 16
NW = NC * NS
NB = B // NW
ND = D // LANES
CHUNKS = ((0, 56), (56, 48), (104, 48), (152, 48))
NCH = len(CHUNKS)


def _bag_kernel(table_hbm, batch_hbm, len_hbm, inv_hbm, out_hbm,
                idx_v, woff_v, len_v, inv_v, pooled_v, *bufsem):
    rows = bufsem[:2 * NCH]
    sems = bufsem[2 * NCH:]
    bufs = tuple(
        tuple((rows[p * NCH + k], sems[p * NCH + k]) for k in range(NCH))
        for p in range(2))

    wid = lax.axis_index("s") * NC + lax.axis_index("c")
    base = wid * NB

    pltpu.sync_copy(batch_hbm.at[pl.ds(base * L, NB * L)],
                    idx_v.at[pl.ds(0, NB * L)])
    pltpu.sync_copy(len_hbm.at[pl.ds(base, NB)], len_v.at[pl.ds(0, NB)])
    pltpu.sync_copy(inv_hbm.at[pl.ds(base, NB)], inv_v.at[pl.ds(0, NB)])

    def transform(t, carry):
        v = idx_v[pl.ds(t * LANES, LANES)]
        hi = v >= H
        idx_v[pl.ds(t * LANES, LANES)] = jnp.where(hi, v - H, v)
        woff_v[pl.ds(t * LANES, LANES)] = jnp.where(hi, D, 0)
        return carry

    lax.fori_loop(0, L // LANES + 1, transform, 0)

    def length_of(i):
        return len_v[pl.ds(i, LANES)][0]

    def issue(i, pbufs):
        length = length_of(i)
        for k, (off, sz) in enumerate(CHUNKS):
            r, s = pbufs[k]

            def start(i=i, off=off, sz=sz, r=r, s=s):
                pltpu.async_copy(
                    table_hbm.at[idx_v.at[pl.ds(i * L + off, sz)]], r, s)

            if off == 0:
                start()
            else:
                pl.when(length > off)(start)

    def drain(i, pbufs):
        length = length_of(i)
        for k, (off, sz) in enumerate(CHUNKS):
            r, s = pbufs[k]

            def wait(i=i, off=off, sz=sz, r=r, s=s):
                pltpu.make_async_copy(
                    table_hbm.at[idx_v.at[pl.ds(i * L + off, sz)]],
                    r, s).wait()

            if off == 0:
                wait()
            else:
                pl.when(length > off)(wait)

    issue(0, bufs[0])
    lax.fori_loop(L // LANES + 1, NB * L // LANES, transform, 0)

    def group_body(g, carry):
        for p in range(2):
            i = 2 * g + p
            pbufs = bufs[p]

            @pl.when(i + 1 < NB)
            def _():
                issue(i + 1, bufs[1 - p])

            drain(i, pbufs)

            length = length_of(i)
            acc = tuple(jnp.zeros((LANES,), jnp.float32)
                        for _ in range(ND))
            for k, (off, sz) in enumerate(CHUNKS):
                r = pbufs[k][0]
                nk = jnp.clip(length - off, 0, sz)

                def body(j, a, r=r, i=i, off=off):
                    w = woff_v[pl.ds(i * L + off + j, LANES)][0]
                    return tuple(a[d] + r[j, pl.ds(w + d * LANES, LANES)]
                                 for d in range(ND))

                acc = lax.fori_loop(0, nk, body, acc)

            inv = inv_v[pl.ds(i, LANES)][0]
            for d in range(ND):
                pooled_v[pl.ds(i * D + d * LANES, LANES)] = acc[d] * inv
        return carry

    lax.fori_loop(0, NB // 2, group_body, 0)
    pltpu.sync_copy(pooled_v, out_hbm.at[pl.ds(base * D, NB * D)])


def _embedding_bag(table_pk, batch_flat, lengths, inv):
    mesh = plsc.VectorSubcoreMesh(core_axis_name="c", subcore_axis_name="s")
    row_bufs = [pltpu.VMEM((sz, PK), jnp.float32)
                for _ in range(2) for (_, sz) in CHUNKS]
    dma_sems = [pltpu.SemaphoreType.DMA] * (2 * NCH)
    f = functools.partial(
        pl.kernel,
        mesh=mesh,
        out_type=jax.ShapeDtypeStruct((B * D,), jnp.float32),
        compiler_params=pltpu.CompilerParams(use_tc_tiling_on_sc=True),
        scratch_types=[
            pltpu.VMEM((NB * L,), jnp.int32),
            pltpu.VMEM((NB * L + LANES,), jnp.int32),
            pltpu.VMEM((NB + LANES,), jnp.int32),
            pltpu.VMEM((NB + LANES,), jnp.float32),
            pltpu.VMEM((NB * D,), jnp.float32),
        ] + row_bufs + dma_sems,
    )(_bag_kernel)
    return f(table_pk, batch_flat, lengths, inv)


def _pack_kernel(ta_ref, tb_ref, o_ref):
    eye = (lax.broadcasted_iota(jnp.int32, (D, D), 0)
           == lax.broadcasted_iota(jnp.int32, (D, D), 1)).astype(jnp.float32)
    ta = lax.dot_general(ta_ref[...], eye, (((0,), (0,)), ((), ())),
                         preferred_element_type=jnp.float32)
    tb = lax.dot_general(tb_ref[...], eye, (((0,), (0,)), ((), ())),
                         preferred_element_type=jnp.float32)
    o_ref[...] = jnp.concatenate([ta, tb], axis=1)


def _pack_table(tableT):
    return pl.pallas_call(
        _pack_kernel,
        grid=(H // PBLK,),
        in_specs=[
            pl.BlockSpec((D, PBLK), lambda i: (0, i)),
            pl.BlockSpec((D, PBLK),
                         lambda i: (0, jnp.minimum(i + H // PBLK,
                                                   VOCAB // PBLK))),
        ],
        out_specs=pl.BlockSpec((PBLK, PK), lambda i: (i, 0)),
        out_shape=jax.ShapeDtypeStruct((H, PK), jnp.float32),
        compiler_params=pltpu.CompilerParams(
            dimension_semantics=("parallel",)),
    )(tableT, tableT)


def _mlp_kernel(x_ref, w1_ref, b1_ref, w2_ref, b2_ref, o_ref):
    x = x_ref[...]
    h = lax.dot_general(x, w1_ref[...], (((1,), (1,)), ((), ())),
                        preferred_element_type=jnp.float32)
    h = jnp.maximum(h + b1_ref[...], 0.0)
    o = lax.dot_general(h, w2_ref[...], (((1,), (1,)), ((), ())),
                        preferred_element_type=jnp.float32)
    o_ref[...] = o + b2_ref[...]


def _mlp(pooled, W1, b1, W2, b2):
    return pl.pallas_call(
        _mlp_kernel,
        out_shape=jax.ShapeDtypeStruct((B, 2), jnp.float32),
    )(pooled, W1, b1.reshape(1, -1), W2, b2.reshape(1, -1))


@jax.jit
def kernel(table, batch, lengths, W1, b1, W2, b2):
    inv = 1.0 / jnp.clip(lengths, 1, None).astype(jnp.float32)
    table_pk = _pack_table(table.T)
    pooled = _embedding_bag(table_pk, batch.reshape(-1), lengths, inv)
    return _mlp(pooled.reshape(B, D), W1, b1, W2, b2)

# --- scband reference (transcript-rebuilt; emitter-appended) ---
"""Pipeline reference for scband-baseline-model-94489280902 (READ-ONLY COPY).

The authoritative reference and input builder live on the scoring server;
editing this copy changes nothing except your own understanding.
"""

import jax, jax.numpy as jnp
import numpy as np

VOCAB = 1000000
D = 64
B = 4096
L = 200


def setup_inputs(seed: int = 0) -> dict:
    key = jax.random.key(seed)
    k1, k2, k3, k4, k5 = jax.random.split(key, 5)
    table = jax.random.normal(k1, (VOCAB, D), dtype=jnp.float32) * 0.02
    batch = jax.random.randint(k2, (B, L), 0, VOCAB, dtype=jnp.int32)
    lengths = jax.random.randint(k3, (B,), 0, L, dtype=jnp.int32)
    W1 = jax.random.normal(k4, (D // 2, D), dtype=jnp.float32) * (1.0 / np.sqrt(D))
    b1 = jnp.zeros((D // 2,), dtype=jnp.float32)
    W2 = jax.random.normal(k5, (2, D // 2), dtype=jnp.float32) * (1.0 / np.sqrt(D // 2))
    b2 = jnp.zeros((2,), dtype=jnp.float32)
    return {"table": table, "batch": batch, "lengths": lengths,
            "W1": W1, "b1": b1, "W2": W2, "b2": b2}


def reference(table, batch, lengths, W1, b1, W2, b2):
    # EmbeddingBag(mode='mean') over per-row prefixes batch[i, :lengths[i]].
    emb = jnp.take(table, batch, axis=0)                      # [B, L, D] gather
    mask = (jnp.arange(L)[None, :] < lengths[:, None]).astype(table.dtype)  # [B, L]
    summed = jnp.einsum('bld,bl->bd', emb, mask)              # masked bag-sum
    denom = jnp.clip(lengths, 1, None).astype(table.dtype)[:, None]
    pooled = summed / denom                                   # mean; empty bag -> zeros (matches torch)
    h = jax.nn.relu(pooled @ W1.T + b1)
    out = h @ W2.T + b2                                       # [B, 2]
    return out

if __name__ == "__main__":
    import jax
    _d = setup_inputs()
    print(jax.jit(kernel)(*tuple(_d.values())))

</pallas_src>

<mosaic_0001>
#map = affine_map<(d0, d1) -> (0, 0)>
#map1 = affine_map<(d0, d1) -> (0)>
module attributes {stable_mosaic.version = 14 : i64} {
  func.func @_bag_kernel(%arg0: i32, %arg1: i32, %arg2: memref<507904x128xf32, #tpu.memory_space<hbm>>, %arg3: memref<819200xi32, #tpu.memory_space<hbm>>, %arg4: memref<4096xi32, #tpu.memory_space<hbm>>, %arg5: memref<4096xf32, #tpu.memory_space<hbm>>, %arg6: memref<262144xf32, #tpu.memory_space<hbm>>, %arg7: memref<25600xi32, #tpu.memory_space<vmem>>, %arg8: memref<25616xi32, #tpu.memory_space<vmem>>, %arg9: memref<144xi32, #tpu.memory_space<vmem>>, %arg10: memref<144xf32, #tpu.memory_space<vmem>>, %arg11: memref<8192xf32, #tpu.memory_space<vmem>>, %arg12: memref<56x128xf32, #tpu.memory_space<vmem>>, %arg13: memref<48x128xf32, #tpu.memory_space<vmem>>, %arg14: memref<48x128xf32, #tpu.memory_space<vmem>>, %arg15: memref<48x128xf32, #tpu.memory_space<vmem>>, %arg16: memref<56x128xf32, #tpu.memory_space<vmem>>, %arg17: memref<48x128xf32, #tpu.memory_space<vmem>>, %arg18: memref<48x128xf32, #tpu.memory_space<vmem>>, %arg19: memref<48x128xf32, #tpu.memory_space<vmem>>, %arg20: memref<!tpu.dma_semaphore, #tpu.memory_space<semaphore_mem>>, %arg21: memref<!tpu.dma_semaphore, #tpu.memory_space<semaphore_mem>>, %arg22: memref<!tpu.dma_semaphore, #tpu.memory_space<semaphore_mem>>, %arg23: memref<!tpu.dma_semaphore, #tpu.memory_space<semaphore_mem>>, %arg24: memref<!tpu.dma_semaphore, #tpu.memory_space<semaphore_mem>>, %arg25: memref<!tpu.dma_semaphore, #tpu.memory_space<semaphore_mem>>, %arg26: memref<!tpu.dma_semaphore, #tpu.memory_space<semaphore_mem>>, %arg27: memref<!tpu.dma_semaphore, #tpu.memory_space<semaphore_mem>>) attributes {dimension_semantics = [#tpu.dimension_semantics<core_parallel>, #tpu.dimension_semantics<subcore_parallel>], iteration_bounds = array<i64: 2, 16>, scalar_prefetch = 0 : i64, scratch_operands = 21 : i64, tpu.core_type = #tpu.core_type<sc_vector_subcore>, window_params = [{transform_indices = #map}, {transform_indices = #map1}, {transform_indices = #map1}, {transform_indices = #map1}, {transform_indices = #map1}]} {
    %mul3A = arith.constant 2 : i32
    %mul3A_0 = arith.muli %arg1, %mul3A : i32
    %add3A = arith.addi %mul3A_0, %arg0 : i32
    %mul3A_1 = arith.constant 128 : i32
    %mul3A_2 = arith.muli %add3A, %mul3A_1 : i32
    %mul3A_3 = arith.constant 200 : i32
    %mul3A_4 = arith.muli %mul3A_2, %mul3A_3 : i32
    "tpu.region"() ({
      %run_scoped3A = tpu.sem_alloc : memref<!tpu.dma_semaphore, #tpu.memory_space<semaphore_mem>>
      %dma_start3A_42 = arith.constant 0 : i32
      %dma_start3A_43 = tpu.memref_slice %arg7[%dma_start3A_42] : memref<25600xi32, #tpu.memory_space<vmem>> -> memref<25600xi32, #tpu.memory_space<vmem>>
      %dma_start3A_44 = tpu.memref_slice %arg3[%mul3A_4] : memref<819200xi32, #tpu.memory_space<hbm>> -> memref<25600xi32, #tpu.memory_space<hbm>>
      %dma_start3A_45 = arith.constant 0 : i32
      %dma_start3A_46 = tpu.memref_slice %arg7[%dma_start3A_45] : memref<25600xi32, #tpu.memory_space<vmem>> -> memref<25600xi32, #tpu.memory_space<vmem>>
      %dma_start3A_47 = tpu.memref_slice %arg3[%mul3A_4] : memref<819200xi32, #tpu.memory_space<hbm>> -> memref<25600xi32, #tpu.memory_space<hbm>>
      tpu.enqueue_dma source(%dma_start3A_47 : memref<25600xi32, #tpu.memory_space<hbm>>) target(%dma_start3A_46 : memref<25600xi32, #tpu.memory_space<vmem>>) target_semaphore(%run_scoped3A : memref<!tpu.dma_semaphore, #tpu.memory_space<semaphore_mem>>)
      %dma_wait3A = arith.constant 0 : i32
      %dma_wait3A_48 = tpu.memref_slice %arg7[%dma_wait3A] : memref<25600xi32, #tpu.memory_space<vmem>> -> memref<25600xi32, #tpu.memory_space<vmem>>
      %dma_wait3A_49 = tpu.memref_slice %arg3[%mul3A_4] : memref<819200xi32, #tpu.memory_space<hbm>> -> memref<25600xi32, #tpu.memory_space<hbm>>
      %dma_wait3A_50 = arith.constant 0 : i32
      %dma_wait3A_51 = tpu.memref_slice %arg7[%dma_wait3A_50] : memref<25600xi32, #tpu.memory_space<vmem>> -> memref<25600xi32, #tpu.memory_space<vmem>>
      %dma_wait3A_52 = tpu.memref_slice %arg3[%mul3A_4] : memref<819200xi32, #tpu.memory_space<hbm>> -> memref<25600xi32, #tpu.memory_space<hbm>>
      tpu.wait_dma2 semaphore(%run_scoped3A : memref<!tpu.dma_semaphore, #tpu.memory_space<semaphore_mem>>) src(%dma_wait3A_52 : memref<25600xi32, #tpu.memory_space<hbm>>) dst(%dma_wait3A_51 : memref<25600xi32, #tpu.memory_space<vmem>>)
      tpu.yield
    }) : () -> ()
    "tpu.region"() ({
      %run_scoped3A = tpu.sem_alloc : memref<!tpu.dma_semaphore, #tpu.memory_space<semaphore_mem>>
      %dma_start3A_42 = arith.constant 0 : i32
      %dma_start3A_43 = tpu.memref_slice %arg9[%dma_start3A_42] : memref<144xi32, #tpu.memory_space<vmem>> -> memref<128xi32, #tpu.memory_space<vmem>>
      %dma_start3A_44 = tpu.memref_slice %arg4[%mul3A_2] : memref<4096xi32, #tpu.memory_space<hbm>> -> memref<128xi32, #tpu.memory_space<hbm>>
      %dma_start3A_45 = arith.constant 0 : i32
      %dma_start3A_46 = tpu.memref_slice %arg9[%dma_start3A_45] : memref<144xi32, #tpu.memory_space<vmem>> -> memref<128xi32, #tpu.memory_space<vmem>>
      %dma_start3A_47 = tpu.memref_slice %arg4[%mul3A_2] : memref<4096xi32, #tpu.memory_space<hbm>> -> memref<128xi32, #tpu.memory_space<hbm>>
      tpu.enqueue_dma source(%dma_start3A_47 : memref<128xi32, #tpu.memory_space<hbm>>) target(%dma_start3A_46 : memref<128xi32, #tpu.memory_space<vmem>>) target_semaphore(%run_scoped3A : memref<!tpu.dma_semaphore, #tpu.memory_space<semaphore_mem>>)
      %dma_wait3A = arith.constant 0 : i32
      %dma_wait3A_48 = tpu.memref_slice %arg9[%dma_wait3A] : memref<144xi32, #tpu.memory_space<vmem>> -> memref<128xi32, #tpu.memory_space<vmem>>
      %dma_wait3A_49 = tpu.memref_slice %arg4[%mul3A_2] : memref<4096xi32, #tpu.memory_space<hbm>> -> memref<128xi32, #tpu.memory_space<hbm>>
      %dma_wait3A_50 = arith.constant 0 : i32
      %dma_wait3A_51 = tpu.memref_slice %arg9[%dma_wait3A_50] : memref<144xi32, #tpu.memory_space<vmem>> -> memref<128xi32, #tpu.memory_space<vmem>>
      %dma_wait3A_52 = tpu.memref_slice %arg4[%mul3A_2] : memref<4096xi32, #tpu.memory_space<hbm>> -> memref<128xi32, #tpu.memory_space<hbm>>
      tpu.wait_dma2 semaphore(%run_scoped3A : memref<!tpu.dma_semaphore, #tpu.memory_space<semaphore_mem>>) src(%dma_wait3A_52 : memref<128xi32, #tpu.memory_space<hbm>>) dst(%dma_wait3A_51 : memref<128xi32, #tpu.memory_space<vmem>>)
      tpu.yield
    }) : () -> ()
    "tpu.region"() ({
      %run_scoped3A = tpu.sem_alloc : memref<!tpu.dma_semaphore, #tpu.memory_space<semaphore_mem>>
      %dma_start3A_42 = arith.constant 0 : i32
      %dma_start3A_43 = tpu.memref_slice %arg10[%dma_start3A_42] : memref<144xf32, #tpu.memory_space<vmem>> -> memref<128xf32, #tpu.memory_space<vmem>>
      %dma_start3A_44 = tpu.memref_slice %arg5[%mul3A_2] : memref<4096xf32, #tpu.memory_space<hbm>> -> memref<128xf32, #tpu.memory_space<hbm>>
      %dma_start3A_45 = arith.constant 0 : i32
      %dma_start3A_46 = tpu.memref_slice %arg10[%dma_start3A_45] : memref<144xf32, #tpu.memory_space<vmem>> -> memref<128xf32, #tpu.memory_space<vmem>>
      %dma_start3A_47 = tpu.memref_slice %arg5[%mul3A_2] : memref<4096xf32, #tpu.memory_space<hbm>> -> memref<128xf32, #tpu.memory_space<hbm>>
      tpu.enqueue_dma source(%dma_start3A_47 : memref<128xf32, #tpu.memory_space<hbm>>) target(%dma_start3A_46 : memref<128xf32, #tpu.memory_space<vmem>>) target_semaphore(%run_scoped3A : memref<!tpu.dma_semaphore, #tpu.memory_space<semaphore_mem>>)
      %dma_wait3A = arith.constant 0 : i32
      %dma_wait3A_48 = tpu.memref_slice %arg10[%dma_wait3A] : memref<144xf32, #tpu.memory_space<vmem>> -> memref<128xf32, #tpu.memory_space<vmem>>
      %dma_wait3A_49 = tpu.memref_slice %arg5[%mul3A_2] : memref<4096xf32, #tpu.memory_space<hbm>> -> memref<128xf32, #tpu.memory_space<hbm>>
      %dma_wait3A_50 = arith.constant 0 : i32
      %dma_wait3A_51 = tpu.memref_slice %arg10[%dma_wait3A_50] : memref<144xf32, #tpu.memory_space<vmem>> -> memref<128xf32, #tpu.memory_space<vmem>>
      %dma_wait3A_52 = tpu.memref_slice %arg5[%mul3A_2] : memref<4096xf32, #tpu.memory_space<hbm>> -> memref<128xf32, #tpu.memory_space<hbm>>
      tpu.wait_dma2 semaphore(%run_scoped3A : memref<!tpu.dma_semaphore, #tpu.memory_space<semaphore_mem>>) src(%dma_wait3A_52 : memref<128xf32, #tpu.memory_space<hbm>>) dst(%dma_wait3A_51 : memref<128xf32, #tpu.memory_space<vmem>>)
      tpu.yield
    }) : () -> ()
    %scan3A = arith.constant 0 : i32
    %scan3A_5 = arith.constant 0 : i32
    %scan3A_6 = arith.constant 13 : i32
    %scan3A_7 = arith.addi %scan3A_5, %scan3A_6 : i32
    %scan3A_8 = arith.constant 1 : i32
    scf.for %scan3A_42 = %scan3A_5 to %scan3A_7 step %scan3A_8  : i32 {
      %mul3A_43 = arith.constant 16 : i32
      %mul3A_44 = arith.muli %scan3A_42, %mul3A_43 : i32
      %get3A_45 = arith.index_cast %mul3A_44 : i32 to index
      %get3A_46 = tpu.vector_load %arg7[%get3A_45] {strides = array<i32>} : memref<25600xi32, #tpu.memory_space<vmem>>, vector<16xi32>,
      %get3A_47 = vector.shape_cast %get3A_46 : vector<16xi32> to vector<16xi32>
      %ge3A = arith.constant 507904 : i32
      %ge3A_48 = vector.broadcast %ge3A : i32 to vector<16xi32>
      %ge3A_49 = arith.cmpi sge, %get3A_47, %ge3A_48 : vector<16xi32>
      %sub3A = arith.constant 507904 : i32
      %sub3A_50 = vector.broadcast %sub3A : i32 to vector<16xi32>
      %sub3A_51 = arith.subi %get3A_47, %sub3A_50 : vector<16xi32>
      %select_n3A = arith.select %ge3A_49, %sub3A_51, %get3A_47 : vector<16xi1>, vector<16xi32>
      %mul3A_52 = arith.constant 16 : i32
      %mul3A_53 = arith.muli %scan3A_42, %mul3A_52 : i32
      %swap3A = arith.index_cast %mul3A_53 : i32 to index
      %swap3A_54 = tpu.vector_load %arg7[%swap3A] {strides = array<i32>} : memref<25600xi32, #tpu.memory_space<vmem>>, vector<16xi32>,
      %swap3A_55 = vector.shape_cast %swap3A_54 : vector<16xi32> to vector<16xi32>
      %swap3A_56 = vector.shape_cast %select_n3A : vector<16xi32> to vector<16xi32>
      tpu.vector_store %arg7[%swap3A], %swap3A_56 {strides = array<i32>} : memref<25600xi32, #tpu.memory_space<vmem>>, vector<16xi32>,
      %jit3A = arith.constant 64 : i32
      %jit3A_57 = arith.constant 0 : i32
      %broadcast_in_dim3A = vector.broadcast %jit3A : i32 to vector<16xi32>
      %broadcast_in_dim3A_58 = vector.broadcast %jit3A_57 : i32 to vector<16xi32>
      %select_n3A_59 = arith.select %ge3A_49, %broadcast_in_dim3A, %broadcast_in_dim3A_58 : vector<16xi1>, vector<16xi32>
      %mul3A_60 = arith.constant 16 : i32
      %mul3A_61 = arith.muli %scan3A_42, %mul3A_60 : i32
      %swap3A_62 = arith.index_cast %mul3A_61 : i32 to index
      %swap3A_63 = tpu.vector_load %arg8[%swap3A_62] {strides = array<i32>} : memref<25616xi32, #tpu.memory_space<vmem>>, vector<16xi32>,
      %swap3A_64 = vector.shape_cast %swap3A_63 : vector<16xi32> to vector<16xi32>
      %swap3A_65 = vector.shape_cast %select_n3A_59 : vector<16xi32> to vector<16xi32>
      tpu.vector_store %arg8[%swap3A_62], %swap3A_65 {strides = array<i32>} : memref<25616xi32, #tpu.memory_space<vmem>>, vector<16xi32>,
    }
    %scan3A_9 = arith.constant 13 : i32
    %get3A = arith.constant 0 : index
    %get3A_10 = tpu.vector_load %arg9[%get3A] {strides = array<i32>} : memref<144xi32, #tpu.memory_space<vmem>>, vector<16xi32>,
    %get3A_11 = vector.shape_cast %get3A_10 : vector<16xi32> to vector<16xi32>
    %slice3A = vector.extract_strided_slice %get3A_11 {offsets = [0], sizes = [1], strides = [1]} : vector<16xi32> to vector<1xi32>
    %squeeze3A = vector.extract %slice3A[0] : i32 from vector<1xi32>
    %dma_start3A = arith.constant 0 : i32
    %dma_start3A_12 = tpu.memref_slice %arg7[%dma_start3A] : memref<25600xi32, #tpu.memory_space<vmem>> -> memref<56xi32, #tpu.memory_space<vmem>>
    %dma_start3A_13 = arith.constant 0 : i32
    %dma_start3A_14 = arith.constant 0 : i32
    %dma_start3A_15 = tpu.memref_slice %arg2[%dma_start3A_13, %dma_start3A_14] : memref<507904x128xf32, #tpu.memory_space<hbm>> -> memref<507904x128xf32, #tpu.memory_space<hbm>>
    tpu.enqueue_indirect_dma source(%dma_start3A_15 : memref<507904x128xf32, #tpu.memory_space<hbm>>) target(%arg12 : memref<56x128xf32, #tpu.memory_space<vmem>>) offsets(%dma_start3A_12 : memref<56xi32, #tpu.memory_space<vmem>>) semaphore(%arg20 : memref<!tpu.dma_semaphore, #tpu.memory_space<semaphore_mem>>)
    %gt3A = arith.constant 56 : i32
    %gt3A_16 = arith.cmpi sgt, %squeeze3A, %gt3A : i32
    %convert_element_type3A = arith.extui %gt3A_16 : i1 to i32
    %cond3A = arith.constant 0 : i32
    %cond3A_17 = arith.cmpi ne, %convert_element_type3A, %cond3A : i32
    scf.if %cond3A_17 {
      %dma_start3A_42 = arith.constant 56 : i32
      %dma_start3A_43 = tpu.memref_slice %arg7[%dma_start3A_42] : memref<25600xi32, #tpu.memory_space<vmem>> -> memref<48xi32, #tpu.memory_space<vmem>>
      %dma_start3A_44 = arith.constant 0 : i32
      %dma_start3A_45 = arith.constant 0 : i32
      %dma_start3A_46 = tpu.memref_slice %arg2[%dma_start3A_44, %dma_start3A_45] : memref<507904x128xf32, #tpu.memory_space<hbm>> -> memref<507904x128xf32, #tpu.memory_space<hbm>>
      tpu.enqueue_indirect_dma source(%dma_start3A_46 : memref<507904x128xf32, #tpu.memory_space<hbm>>) target(%arg13 : memref<48x128xf32, #tpu.memory_space<vmem>>) offsets(%dma_start3A_43 : memref<48xi32, #tpu.memory_space<vmem>>) semaphore(%arg21 : memref<!tpu.dma_semaphore, #tpu.memory_space<semaphore_mem>>)
    } else {
    }
    %gt3A_18 = arith.constant 104 : i32
    %gt3A_19 = arith.cmpi sgt, %squeeze3A, %gt3A_18 : i32
    %convert_element_type3A_20 = arith.extui %gt3A_19 : i1 to i32
    %cond3A_21 = arith.constant 0 : i32
    %cond3A_22 = arith.cmpi ne, %convert_element_type3A_20, %cond3A_21 : i32
    scf.if %cond3A_22 {
      %dma_start3A_42 = arith.constant 104 : i32
      %dma_start3A_43 = tpu.memref_slice %arg7[%dma_start3A_42] : memref<25600xi32, #tpu.memory_space<vmem>> -> memref<48xi32, #tpu.memory_space<vmem>>
      %dma_start3A_44 = arith.constant 0 : i32
      %dma_start3A_45 = arith.constant 0 : i32
      %dma_start3A_46 = tpu.memref_slice %arg2[%dma_start3A_44, %dma_start3A_45] : memref<507904x128xf32, #tpu.memory_space<hbm>> -> memref<507904x128xf32, #tpu.memory_space<hbm>>
      tpu.enqueue_indirect_dma source(%dma_start3A_46 : memref<507904x128xf32, #tpu.memory_space<hbm>>) target(%arg14 : memref<48x128xf32, #tpu.memory_space<vmem>>) offsets(%dma_start3A_43 : memref<48xi32, #tpu.memory_space<vmem>>) semaphore(%arg22 : memref<!tpu.dma_semaphore, #tpu.memory_space<semaphore_mem>>)
    } else {
    }
    %gt3A_23 = arith.constant 152 : i32
    %gt3A_24 = arith.cmpi sgt, %squeeze3A, %gt3A_23 : i32
    %convert_element_type3A_25 = arith.extui %gt3A_24 : i1 to i32
    %cond3A_26 = arith.constant 0 : i32
    %cond3A_27 = arith.cmpi ne, %convert_element_type3A_25, %cond3A_26 : i32
    scf.if %cond3A_27 {
      %dma_start3A_42 = arith.constant 152 : i32
      %dma_start3A_43 = tpu.memref_slice %arg7[%dma_start3A_42] : memref<25600xi32, #tpu.memory_space<vmem>> -> memref<48xi32, #tpu.memory_space<vmem>>
      %dma_start3A_44 = arith.constant 0 : i32
      %dma_start3A_45 = arith.constant 0 : i32
      %dma_start3A_46 = tpu.memref_slice %arg2[%dma_start3A_44, %dma_start3A_45] : memref<507904x128xf32, #tpu.memory_space<hbm>> -> memref<507904x128xf32, #tpu.memory_space<hbm>>
      tpu.enqueue_indirect_dma source(%dma_start3A_46 : memref<507904x128xf32, #tpu.memory_space<hbm>>) target(%arg15 : memref<48x128xf32, #tpu.memory_space<vmem>>) offsets(%dma_start3A_43 : memref<48xi32, #tpu.memory_space<vmem>>) semaphore(%arg23 : memref<!tpu.dma_semaphore, #tpu.memory_space<semaphore_mem>>)
    } else {
    }
    %scan3A_28 = arith.constant 0 : i32
    %scan3A_29 = arith.constant 13 : i32
    %scan3A_30 = arith.constant 1587 : i32
    %scan3A_31 = arith.addi %scan3A_29, %scan3A_30 : i32
    %scan3A_32 = arith.constant 1 : i32
    scf.for %scan3A_42 = %scan3A_29 to %scan3A_31 step %scan3A_32  : i32 {
      %mul3A_43 = arith.constant 16 : i32
      %mul3A_44 = arith.muli %scan3A_42, %mul3A_43 : i32
      %get3A_45 = arith.index_cast %mul3A_44 : i32 to index
      %get3A_46 = tpu.vector_load %arg7[%get3A_45] {strides = array<i32>} : memref<25600xi32, #tpu.memory_space<vmem>>, vector<16xi32>,
      %get3A_47 = vector.shape_cast %get3A_46 : vector<16xi32> to vector<16xi32>
      %ge3A = arith.constant 507904 : i32
      %ge3A_48 = vector.broadcast %ge3A : i32 to vector<16xi32>
      %ge3A_49 = arith.cmpi sge, %get3A_47, %ge3A_48 : vector<16xi32>
      %sub3A = arith.constant 507904 : i32
      %sub3A_50 = vector.broadcast %sub3A : i32 to vector<16xi32>
      %sub3A_51 = arith.subi %get3A_47, %sub3A_50 : vector<16xi32>
      %select_n3A = arith.select %ge3A_49, %sub3A_51, %get3A_47 : vector<16xi1>, vector<16xi32>
      %mul3A_52 = arith.constant 16 : i32
      %mul3A_53 = arith.muli %scan3A_42, %mul3A_52 : i32
      %swap3A = arith.index_cast %mul3A_53 : i32 to index
      %swap3A_54 = tpu.vector_load %arg7[%swap3A] {strides = array<i32>} : memref<25600xi32, #tpu.memory_space<vmem>>, vector<16xi32>,
      %swap3A_55 = vector.shape_cast %swap3A_54 : vector<16xi32> to vector<16xi32>
      %swap3A_56 = vector.shape_cast %select_n3A : vector<16xi32> to vector<16xi32>
      tpu.vector_store %arg7[%swap3A], %swap3A_56 {strides = array<i32>} : memref<25600xi32, #tpu.memory_space<vmem>>, vector<16xi32>,
      %jit3A = arith.constant 64 : i32
      %jit3A_57 = arith.constant 0 : i32
      %broadcast_in_dim3A = vector.broadcast %jit3A : i32 to vector<16xi32>
      %broadcast_in_dim3A_58 = vector.broadcast %jit3A_57 : i32 to vector<16xi32>
      %select_n3A_59 = arith.select %ge3A_49, %broadcast_in_dim3A, %broadcast_in_dim3A_58 : vector<16xi1>, vector<16xi32>
      %mul3A_60 = arith.constant 16 : i32
      %mul3A_61 = arith.muli %scan3A_42, %mul3A_60 : i32
      %swap3A_62 = arith.index_cast %mul3A_61 : i32 to index
      %swap3A_63 = tpu.vector_load %arg8[%swap3A_62] {strides = array<i32>} : memref<25616xi32, #tpu.memory_space<vmem>>, vector<16xi32>,
      %swap3A_64 = vector.shape_cast %swap3A_63 : vector<16xi32> to vector<16xi32>
      %swap3A_65 = vector.shape_cast %select_n3A_59 : vector<16xi32> to vector<16xi32>
      tpu.vector_store %arg8[%swap3A_62], %swap3A_65 {strides = array<i32>} : memref<25616xi32, #tpu.memory_space<vmem>>, vector<16xi32>,
    }
    %scan3A_33 = arith.constant 1587 : i32
    %scan3A_34 = arith.constant 0 : i32
    %scan3A_35 = arith.constant 0 : i32
    %scan3A_36 = arith.constant 64 : i32
    %scan3A_37 = arith.addi %scan3A_35, %scan3A_36 : i32
    %scan3A_38 = arith.constant 1 : i32
    scf.for %scan3A_42 = %scan3A_35 to %scan3A_37 step %scan3A_38  : i32 {
      %mul3A_43 = arith.constant 2 : i32
      %mul3A_44 = arith.muli %mul3A_43, %scan3A_42 : i32
      %add3A_45 = arith.constant 0 : i32
      %add3A_46 = arith.addi %mul3A_44, %add3A_45 : i32
      %add3A_47 = arith.constant 1 : i32
      %add3A_48 = arith.addi %add3A_46, %add3A_47 : i32
      %lt3A = arith.constant 128 : i32
      %lt3A_49 = arith.cmpi slt, %add3A_48, %lt3A : i32
      %convert_element_type3A_50 = arith.extui %lt3A_49 : i1 to i32
      %cond3A_51 = arith.constant 0 : i32
      %cond3A_52 = arith.cmpi ne, %convert_element_type3A_50, %cond3A_51 : i32
      scf.if %cond3A_52 {
        %add3A_364 = arith.constant 1 : i32
        %add3A_365 = arith.addi %add3A_46, %add3A_364 : i32
        %get3A_366 = arith.index_cast %add3A_365 : i32 to index
        %get3A_367 = tpu.vector_load %arg9[%get3A_366] {strides = array<i32>} : memref<144xi32, #tpu.memory_space<vmem>>, vector<16xi32>,
        %get3A_368 = vector.shape_cast %get3A_367 : vector<16xi32> to vector<16xi32>
        %slice3A_369 = vector.extract_strided_slice %get3A_368 {offsets = [0], sizes = [1], strides = [1]} : vector<16xi32> to vector<1xi32>
        %squeeze3A_370 = vector.extract %slice3A_369[0] : i32 from vector<1xi32>
        %mul3A_371 = arith.constant 200 : i32
        %mul3A_372 = arith.muli %add3A_365, %mul3A_371 : i32
        %add3A_373 = arith.constant 0 : i32
        %add3A_374 = arith.addi %mul3A_372, %add3A_373 : i32
        %dma_start3A_375 = tpu.memref_slice %arg7[%add3A_374] : memref<25600xi32, #tpu.memory_space<vmem>> -> memref<56xi32, #tpu.memory_space<vmem>>
        %dma_start3A_376 = arith.constant 0 : i32
        %dma_start3A_377 = arith.constant 0 : i32
        %dma_start3A_378 = tpu.memref_slice %arg2[%dma_start3A_376, %dma_start3A_377] : memref<507904x128xf32, #tpu.memory_space<hbm>> -> memref<507904x128xf32, #tpu.memory_space<hbm>>
        tpu.enqueue_indirect_dma source(%dma_start3A_378 : memref<507904x128xf32, #tpu.memory_space<hbm>>) target(%arg16 : memref<56x128xf32, #tpu.memory_space<vmem>>) offsets(%dma_start3A_375 : memref<56xi32, #tpu.memory_space<vmem>>) semaphore(%arg24 : memref<!tpu.dma_semaphore, #tpu.memory_space<semaphore_mem>>)
        %gt3A_379 = arith.constant 56 : i32
        %gt3A_380 = arith.cmpi sgt, %squeeze3A_370, %gt3A_379 : i32
        %convert_element_type3A_381 = arith.extui %gt3A_380 : i1 to i32
        %cond3A_382 = arith.constant 0 : i32
        %cond3A_383 = arith.cmpi ne, %convert_element_type3A_381, %cond3A_382 : i32
        scf.if %cond3A_383 {
          %mul3A_394 = arith.constant 200 : i32
          %mul3A_395 = arith.muli %add3A_365, %mul3A_394 : i32
          %add3A_396 = arith.constant 56 : i32
          %add3A_397 = arith.addi %mul3A_395, %add3A_396 : i32
          %dma_start3A_398 = tpu.memref_slice %arg7[%add3A_397] : memref<25600xi32, #tpu.memory_space<vmem>> -> memref<48xi32, #tpu.memory_space<vmem>>
          %dma_start3A_399 = arith.constant 0 : i32
          %dma_start3A_400 = arith.constant 0 : i32
          %dma_start3A_401 = tpu.memref_slice %arg2[%dma_start3A_399, %dma_start3A_400] : memref<507904x128xf32, #tpu.memory_space<hbm>> -> memref<507904x128xf32, #tpu.memory_space<hbm>>
          tpu.enqueue_indirect_dma source(%dma_start3A_401 : memref<507904x128xf32, #tpu.memory_space<hbm>>) target(%arg17 : memref<48x128xf32, #tpu.memory_space<vmem>>) offsets(%dma_start3A_398 : memref<48xi32, #tpu.memory_space<vmem>>) semaphore(%arg25 : memref<!tpu.dma_semaphore, #tpu.memory_space<semaphore_mem>>)
        } else {
        }
        %gt3A_384 = arith.constant 104 : i32
        %gt3A_385 = arith.cmpi sgt, %squeeze3A_370, %gt3A_384 : i32
        %convert_element_type3A_386 = arith.extui %gt3A_385 : i1 to i32
        %cond3A_387 = arith.constant 0 : i32
        %cond3A_388 = arith.cmpi ne, %convert_element_type3A_386, %cond3A_387 : i32
        scf.if %cond3A_388 {
          %mul3A_394 = arith.constant 200 : i32
          %mul3A_395 = arith.muli %add3A_365, %mul3A_394 : i32
          %add3A_396 = arith.constant 104 : i32
          %add3A_397 = arith.addi %mul3A_395, %add3A_396 : i32
          %dma_start3A_398 = tpu.memref_slice %arg7[%add3A_397] : memref<25600xi32, #tpu.memory_space<vmem>> -> memref<48xi32, #tpu.memory_space<vmem>>
          %dma_start3A_399 = arith.constant 0 : i32
          %dma_start3A_400 = arith.constant 0 : i32
          %dma_start3A_401 = tpu.memref_slice %arg2[%dma_start3A_399, %dma_start3A_400] : memref<507904x128xf32, #tpu.memory_space<hbm>> -> memref<507904x128xf32, #tpu.memory_space<hbm>>
          tpu.enqueue_indirect_dma source(%dma_start3A_401 : memref<507904x128xf32, #tpu.memory_space<hbm>>) target(%arg18 : memref<48x128xf32, #tpu.memory_space<vmem>>) offsets(%dma_start3A_398 : memref<48xi32, #tpu.memory_space<vmem>>) semaphore(%arg26 : memref<!tpu.dma_semaphore, #tpu.memory_space<semaphore_mem>>)
        } else {
        }
        %gt3A_389 = arith.constant 152 : i32
        %gt3A_390 = arith.cmpi sgt, %squeeze3A_370, %gt3A_389 : i32
        %convert_element_type3A_391 = arith.extui %gt3A_390 : i1 to i32
        %cond3A_392 = arith.constant 0 : i32
        %cond3A_393 = arith.cmpi ne, %convert_element_type3A_391, %cond3A_392 : i32
        scf.if %cond3A_393 {
          %mul3A_394 = arith.constant 200 : i32
          %mul3A_395 = arith.muli %add3A_365, %mul3A_394 : i32
          %add3A_396 = arith.constant 152 : i32
          %add3A_397 = arith.addi %mul3A_395, %add3A_396 : i32
          %dma_start3A_398 = tpu.memref_slice %arg7[%add3A_397] : memref<25600xi32, #tpu.memory_space<vmem>> -> memref<48xi32, #tpu.memory_space<vmem>>
          %dma_start3A_399 = arith.constant 0 : i32
          %dma_start3A_400 = arith.constant 0 : i32
          %dma_start3A_401 = tpu.memref_slice %arg2[%dma_start3A_399, %dma_start3A_400] : memref<507904x128xf32, #tpu.memory_space<hbm>> -> memref<507904x128xf32, #tpu.memory_space<hbm>>
          tpu.enqueue_indirect_dma source(%dma_start3A_401 : memref<507904x128xf32, #tpu.memory_space<hbm>>) target(%arg19 : memref<48x128xf32, #tpu.memory_space<vmem>>) offsets(%dma_start3A_398 : memref<48xi32, #tpu.memory_space<vmem>>) semaphore(%arg27 : memref<!tpu.dma_semaphore, #tpu.memory_space<semaphore_mem>>)
        } else {
        }
      } else {
      }
      %get3A_53 = arith.index_cast %add3A_46 : i32 to index
      %get3A_54 = tpu.vector_load %arg9[%get3A_53] {strides = array<i32>} : memref<144xi32, #tpu.memory_space<vmem>>, vector<16xi32>,
      %get3A_55 = vector.shape_cast %get3A_54 : vector<16xi32> to vector<16xi32>
      %slice3A_56 = vector.extract_strided_slice %get3A_55 {offsets = [0], sizes = [1], strides = [1]} : vector<16xi32> to vector<1xi32>
      %squeeze3A_57 = vector.extract %slice3A_56[0] : i32 from vector<1xi32>
      %mul3A_58 = arith.constant 200 : i32
      %mul3A_59 = arith.muli %add3A_46, %mul3A_58 : i32
      %add3A_60 = arith.constant 0 : i32
      %add3A_61 = arith.addi %mul3A_59, %add3A_60 : i32
      %dma_wait3A = tpu.memref_slice %arg7[%add3A_61] : memref<25600xi32, #tpu.memory_space<vmem>> -> memref<56xi32, #tpu.memory_space<vmem>>
      %dma_wait3A_62 = arith.constant 0 : i32
      %dma_wait3A_63 = arith.constant 0 : i32
      %dma_wait3A_64 = tpu.memref_slice %arg2[%dma_wait3A_62, %dma_wait3A_63] : memref<507904x128xf32, #tpu.memory_space<hbm>> -> memref<507904x128xf32, #tpu.memory_space<hbm>>
      tpu.wait_indirect_dma semaphore(%arg20 : memref<!tpu.dma_semaphore, #tpu.memory_space<semaphore_mem>>) src(%dma_wait3A_64 : memref<507904x128xf32, #tpu.memory_space<hbm>>) dst(%arg12 : memref<56x128xf32, #tpu.memory_space<vmem>>)
      %gt3A_65 = arith.constant 56 : i32
      %gt3A_66 = arith.cmpi sgt, %squeeze3A_57, %gt3A_65 : i32
      %convert_element_type3A_67 = arith.extui %gt3A_66 : i1 to i32
      %cond3A_68 = arith.constant 0 : i32
      %cond3A_69 = arith.cmpi ne, %convert_element_type3A_67, %cond3A_68 : i32
      scf.if %cond3A_69 {
        %mul3A_364 = arith.constant 200 : i32
        %mul3A_365 = arith.muli %add3A_46, %mul3A_364 : i32
        %add3A_366 = arith.constant 56 : i32
        %add3A_367 = arith.addi %mul3A_365, %add3A_366 : i32
        %dma_wait3A_368 = tpu.memref_slice %arg7[%add3A_367] : memref<25600xi32, #tpu.memory_space<vmem>> -> memref<48xi32, #tpu.memory_space<vmem>>
        %dma_wait3A_369 = arith.constant 0 : i32
        %dma_wait3A_370 = arith.constant 0 : i32
        %dma_wait3A_371 = tpu.memref_slice %arg2[%dma_wait3A_369, %dma_wait3A_370] : memref<507904x128xf32, #tpu.memory_space<hbm>> -> memref<507904x128xf32, #tpu.memory_space<hbm>>
        tpu.wait_indirect_dma semaphore(%arg21 : memref<!tpu.dma_semaphore, #tpu.memory_space<semaphore_mem>>) src(%dma_wait3A_371 : memref<507904x128xf32, #tpu.memory_space<hbm>>) dst(%arg13 : memref<48x128xf32, #tpu.memory_space<vmem>>)
      } else {
      }
      %gt3A_70 = arith.constant 104 : i32
      %gt3A_71 = arith.cmpi sgt, %squeeze3A_57, %gt3A_70 : i32
      %convert_element_type3A_72 = arith.extui %gt3A_71 : i1 to i32
      %cond3A_73 = arith.constant 0 : i32
      %cond3A_74 = arith.cmpi ne, %convert_element_type3A_72, %cond3A_73 : i32
      scf.if %cond3A_74 {
        %mul3A_364 = arith.constant 200 : i32
        %mul3A_365 = arith.muli %add3A_46, %mul3A_364 : i32
        %add3A_366 = arith.constant 104 : i32
        %add3A_367 = arith.addi %mul3A_365, %add3A_366 : i32
        %dma_wait3A_368 = tpu.memref_slice %arg7[%add3A_367] : memref<25600xi32, #tpu.memory_space<vmem>> -> memref<48xi32, #tpu.memory_space<vmem>>
        %dma_wait3A_369 = arith.constant 0 : i32
        %dma_wait3A_370 = arith.constant 0 : i32
        %dma_wait3A_371 = tpu.memref_slice %arg2[%dma_wait3A_369, %dma_wait3A_370] : memref<507904x128xf32, #tpu.memory_space<hbm>> -> memref<507904x128xf32, #tpu.memory_space<hbm>>
        tpu.wait_indirect_dma semaphore(%arg22 : memref<!tpu.dma_semaphore, #tpu.memory_space<semaphore_mem>>) src(%dma_wait3A_371 : memref<507904x128xf32, #tpu.memory_space<hbm>>) dst(%arg14 : memref<48x128xf32, #tpu.memory_space<vmem>>)
      } else {
      }
      %gt3A_75 = arith.constant 152 : i32
      %gt3A_76 = arith.cmpi sgt, %squeeze3A_57, %gt3A_75 : i32
      %convert_element_type3A_77 = arith.extui %gt3A_76 : i1 to i32
      %cond3A_78 = arith.constant 0 : i32
      %cond3A_79 = arith.cmpi ne, %convert_element_type3A_77, %cond3A_78 : i32
      scf.if %cond3A_79 {
        %mul3A_364 = arith.constant 200 : i32
        %mul3A_365 = arith.muli %add3A_46, %mul3A_364 : i32
        %add3A_366 = arith.constant 152 : i32
        %add3A_367 = arith.addi %mul3A_365, %add3A_366 : i32
        %dma_wait3A_368 = tpu.memref_slice %arg7[%add3A_367] : memref<25600xi32, #tpu.memory_space<vmem>> -> memref<48xi32, #tpu.memory_space<vmem>>
        %dma_wait3A_369 = arith.constant 0 : i32
        %dma_wait3A_370 = arith.constant 0 : i32
        %dma_wait3A_371 = tpu.memref_slice %arg2[%dma_wait3A_369, %dma_wait3A_370] : memref<507904x128xf32, #tpu.memory_space<hbm>> -> memref<507904x128xf32, #tpu.memory_space<hbm>>
        tpu.wait_indirect_dma semaphore(%arg23 : memref<!tpu.dma_semaphore, #tpu.memory_space<semaphore_mem>>) src(%dma_wait3A_371 : memref<507904x128xf32, #tpu.memory_space<hbm>>) dst(%arg15 : memref<48x128xf32, #tpu.memory_space<vmem>>)
      } else {
      }
      %get3A_80 = arith.index_cast %add3A_46 : i32 to index
      %get3A_81 = tpu.vector_load %arg9[%get3A_80] {strides = array<i32>} : memref<144xi32, #tpu.memory_space<vmem>>, vector<16xi32>,
      %get3A_82 = vector.shape_cast %get3A_81 : vector<16xi32> to vector<16xi32>
      %slice3A_83 = vector.extract_strided_slice %get3A_82 {offsets = [0], sizes = [1], strides = [1]} : vector<16xi32> to vector<1xi32>
      %squeeze3A_84 = vector.extract %slice3A_83[0] : i32 from vector<1xi32>
      %broadcast_in_dim3A = arith.constant 0.000000e+00 : f32
      %broadcast_in_dim3A_85 = vector.broadcast %broadcast_in_dim3A : f32 to vector<16xf32>
      %broadcast_in_dim3A_86 = arith.constant 0.000000e+00 : f32
      %broadcast_in_dim3A_87 = vector.broadcast %broadcast_in_dim3A_86 : f32 to vector<16xf32>
      %broadcast_in_dim3A_88 = arith.constant 0.000000e+00 : f32
      %broadcast_in_dim3A_89 = vector.broadcast %broadcast_in_dim3A_88 : f32 to vector<16xf32>
      %broadcast_in_dim3A_90 = arith.constant 0.000000e+00 : f32
      %broadcast_in_dim3A_91 = vector.broadcast %broadcast_in_dim3A_90 : f32 to vector<16xf32>
      %sub3A = arith.constant 0 : i32
      %sub3A_92 = arith.subi %squeeze3A_84, %sub3A : i32
      %jit3A = arith.constant 0 : i32
      %jit3A_93 = arith.constant 56 : i32
      %max3A = arith.maxsi %jit3A, %sub3A_92 : i32
      %min3A = arith.minsi %jit3A_93, %max3A : i32
      %while3A = arith.constant 0 : i32
      %while3A_94 = arith.subi %min3A, %while3A : i32
      %while3A_95 = arith.addi %while3A, %while3A_94 : i32
      %while3A_96 = arith.constant 1 : i32
      %while3A_97 = arith.divsi %while3A_94, %while3A_96 : i32
      %while3A_98 = arith.muli %while3A_97, %while3A_96 : i32
      %while3A_99 = arith.addi %while3A, %while3A_98 : i32
      %while3A_100 = arith.constant 1 : i32
      %while3A_101:4 = scf.for %while3A_364 = %while3A to %while3A_99 step %while3A_100 iter_args(%while3A_365 = %broadcast_in_dim3A_85, %while3A_366 = %broadcast_in_dim3A_87, %while3A_367 = %broadcast_in_dim3A_89, %while3A_368 = %broadcast_in_dim3A_91) -> (vector<16xf32>, vector<16xf32>, vector<16xf32>, vector<16xf32>)  : i32 {
        %mul3A_369 = arith.constant 200 : i32
        %mul3A_370 = arith.muli %add3A_46, %mul3A_369 : i32
        %add3A_371 = arith.constant 0 : i32
        %add3A_372 = arith.addi %mul3A_370, %add3A_371 : i32
        %add3A_373 = arith.addi %add3A_372, %while3A_364 : i32
        %get3A_374 = arith.index_cast %add3A_373 : i32 to index
        %get3A_375 = tpu.vector_load %arg8[%get3A_374] {strides = array<i32>} : memref<25616xi32, #tpu.memory_space<vmem>>, vector<16xi32>,
        %get3A_376 = vector.shape_cast %get3A_375 : vector<16xi32> to vector<16xi32>
        %slice3A_377 = vector.extract_strided_slice %get3A_376 {offsets = [0], sizes = [1], strides = [1]} : vector<16xi32> to vector<1xi32>
        %squeeze3A_378 = vector.extract %slice3A_377[0] : i32 from vector<1xi32>
        %add3A_379 = arith.constant 0 : i32
        %add3A_380 = arith.addi %squeeze3A_378, %add3A_379 : i32
        %get3A_381 = arith.index_cast %while3A_364 : i32 to index
        %get3A_382 = arith.index_cast %add3A_380 : i32 to index
        %get3A_383 = tpu.vector_load %arg12[%get3A_381, %get3A_382] {strides = array<i32>} : memref<56x128xf32, #tpu.memory_space<vmem>>, vector<1x16xf32>,
        %get3A_384 = vector.shape_cast %get3A_383 : vector<1x16xf32> to vector<16xf32>
        %add3A_385 = arith.addf %while3A_365, %get3A_384 : vector<16xf32>
        %add3A_386 = arith.constant 16 : i32
        %add3A_387 = arith.addi %squeeze3A_378, %add3A_386 : i32
        %get3A_388 = arith.index_cast %while3A_364 : i32 to index
        %get3A_389 = arith.index_cast %add3A_387 : i32 to index
        %get3A_390 = tpu.vector_load %arg12[%get3A_388, %get3A_389] {strides = array<i32>} : memref<56x128xf32, #tpu.memory_space<vmem>>, vector<1x16xf32>,
        %get3A_391 = vector.shape_cast %get3A_390 : vector<1x16xf32> to vector<16xf32>
        %add3A_392 = arith.addf %while3A_366, %get3A_391 : vector<16xf32>
        %add3A_393 = arith.constant 32 : i32
        %add3A_394 = arith.addi %squeeze3A_378, %add3A_393 : i32
        %get3A_395 = arith.index_cast %while3A_364 : i32 to index
        %get3A_396 = arith.index_cast %add3A_394 : i32 to index
        %get3A_397 = tpu.vector_load %arg12[%get3A_395, %get3A_396] {strides = array<i32>} : memref<56x128xf32, #tpu.memory_space<vmem>>, vector<1x16xf32>,
        %get3A_398 = vector.shape_cast %get3A_397 : vector<1x16xf32> to vector<16xf32>
        %add3A_399 = arith.addf %while3A_367, %get3A_398 : vector<16xf32>
        %add3A_400 = arith.constant 48 : i32
        %add3A_401 = arith.addi %squeeze3A_378, %add3A_400 : i32
        %get3A_402 = arith.index_cast %while3A_364 : i32 to index
        %get3A_403 = arith.index_cast %add3A_401 : i32 to index
        %get3A_404 = tpu.vector_load %arg12[%get3A_402, %get3A_403] {strides = array<i32>} : memref<56x128xf32, #tpu.memory_space<vmem>>, vector<1x16xf32>,
        %get3A_405 = vector.shape_cast %get3A_404 : vector<1x16xf32> to vector<16xf32>
        %add3A_406 = arith.addf %while3A_368, %get3A_405 : vector<16xf32>
        scf.yield %add3A_385, %add3A_392, %add3A_399, %add3A_406 : vector<16xf32>, vector<16xf32>, vector<16xf32>, vector<16xf32>
      }
      %while3A_102 = arith.constant 1 : i32
      %while3A_103:4 = scf.for %while3A_364 = %while3A_99 to %while3A_95 step %while3A_102 iter_args(%while3A_365 = %while3A_101#0, %while3A_366 = %while3A_101#1, %while3A_367 = %while3A_101#2, %while3A_368 = %while3A_101#3) -> (vector<16xf32>, vector<16xf32>, vector<16xf32>, vector<16xf32>)  : i32 {
        %mul3A_369 = arith.constant 200 : i32
        %mul3A_370 = arith.muli %add3A_46, %mul3A_369 : i32
        %add3A_371 = arith.constant 0 : i32
        %add3A_372 = arith.addi %mul3A_370, %add3A_371 : i32
        %add3A_373 = arith.addi %add3A_372, %while3A_364 : i32
        %get3A_374 = arith.index_cast %add3A_373 : i32 to index
        %get3A_375 = tpu.vector_load %arg8[%get3A_374] {strides = array<i32>} : memref<25616xi32, #tpu.memory_space<vmem>>, vector<16xi32>,
        %get3A_376 = vector.shape_cast %get3A_375 : vector<16xi32> to vector<16xi32>
        %slice3A_377 = vector.extract_strided_slice %get3A_376 {offsets = [0], sizes = [1], strides = [1]} : vector<16xi32> to vector<1xi32>
        %squeeze3A_378 = vector.extract %slice3A_377[0] : i32 from vector<1xi32>
        %add3A_379 = arith.constant 0 : i32
        %add3A_380 = arith.addi %squeeze3A_378, %add3A_379 : i32
        %get3A_381 = arith.index_cast %while3A_364 : i32 to index
        %get3A_382 = arith.index_cast %add3A_380 : i32 to index
        %get3A_383 = tpu.vector_load %arg12[%get3A_381, %get3A_382] {strides = array<i32>} : memref<56x128xf32, #tpu.memory_space<vmem>>, vector<1x16xf32>,
        %get3A_384 = vector.shape_cast %get3A_383 : vector<1x16xf32> to vector<16xf32>
        %add3A_385 = arith.addf %while3A_365, %get3A_384 : vector<16xf32>
        %add3A_386 = arith.constant 16 : i32
        %add3A_387 = arith.addi %squeeze3A_378, %add3A_386 : i32
        %get3A_388 = arith.index_cast %while3A_364 : i32 to index
        %get3A_389 = arith.index_cast %add3A_387 : i32 to index
        %get3A_390 = tpu.vector_load %arg12[%get3A_388, %get3A_389] {strides = array<i32>} : memref<56x128xf32, #tpu.memory_space<vmem>>, vector<1x16xf32>,
        %get3A_391 = vector.shape_cast %get3A_390 : vector<1x16xf32> to vector<16xf32>
        %add3A_392 = arith.addf %while3A_366, %get3A_391 : vector<16xf32>
        %add3A_393 = arith.constant 32 : i32
        %add3A_394 = arith.addi %squeeze3A_378, %add3A_393 : i32
        %get3A_395 = arith.index_cast %while3A_364 : i32 to index
        %get3A_396 = arith.index_cast %add3A_394 : i32 to index
        %get3A_397 = tpu.vector_load %arg12[%get3A_395, %get3A_396] {strides = array<i32>} : memref<56x128xf32, #tpu.memory_space<vmem>>, vector<1x16xf32>,
        %get3A_398 = vector.shape_cast %get3A_397 : vector<1x16xf32> to vector<16xf32>
        %add3A_399 = arith.addf %while3A_367, %get3A_398 : vector<16xf32>
        %add3A_400 = arith.constant 48 : i32
        %add3A_401 = arith.addi %squeeze3A_378, %add3A_400 : i32
        %get3A_402 = arith.index_cast %while3A_364 : i32 to index
        %get3A_403 = arith.index_cast %add3A_401 : i32 to index
        %get3A_404 = tpu.vector_load %arg12[%get3A_402, %get3A_403] {strides = array<i32>} : memref<56x128xf32, #tpu.memory_space<vmem>>, vector<1x16xf32>,
        %get3A_405 = vector.shape_cast %get3A_404 : vector<1x16xf32> to vector<16xf32>
        %add3A_406 = arith.addf %while3A_368, %get3A_405 : vector<16xf32>
        scf.yield %add3A_385, %add3A_392, %add3A_399, %add3A_406 : vector<16xf32>, vector<16xf32>, vector<16xf32>, vector<16xf32>
      }
      %sub3A_104 = arith.constant 56 : i32
      %sub3A_105 = arith.subi %squeeze3A_84, %sub3A_104 : i32
      %jit3A_106 = arith.constant 0 : i32
      %jit3A_107 = arith.constant 48 : i32
      %max3A_108 = arith.maxsi %jit3A_106, %sub3A_105 : i32
      %min3A_109 = arith.minsi %jit3A_107, %max3A_108 : i32
      %while3A_110 = arith.constant 0 : i32
      %while3A_111 = arith.subi %min3A_109, %while3A_110 : i32
      %while3A_112 = arith.addi %while3A_110, %while3A_111 : i32
      %while3A_113 = arith.constant 1 : i32
      %while3A_114 = arith.divsi %while3A_111, %while3A_113 : i32
      %while3A_115 = arith.muli %while3A_114, %while3A_113 : i32
      %while3A_116 = arith.addi %while3A_110, %while3A_115 : i32
      %while3A_117 = arith.constant 1 : i32
      %while3A_118:4 = scf.for %while3A_364 = %while3A_110 to %while3A_116 step %while3A_117 iter_args(%while3A_365 = %while3A_103#0, %while3A_366 = %while3A_103#1, %while3A_367 = %while3A_103#2, %while3A_368 = %while3A_103#3) -> (vector<16xf32>, vector<16xf32>, vector<16xf32>, vector<16xf32>)  : i32 {
        %mul3A_369 = arith.constant 200 : i32
        %mul3A_370 = arith.muli %add3A_46, %mul3A_369 : i32
        %add3A_371 = arith.constant 56 : i32
        %add3A_372 = arith.addi %mul3A_370, %add3A_371 : i32
        %add3A_373 = arith.addi %add3A_372, %while3A_364 : i32
        %get3A_374 = arith.index_cast %add3A_373 : i32 to index
        %get3A_375 = tpu.vector_load %arg8[%get3A_374] {strides = array<i32>} : memref<25616xi32, #tpu.memory_space<vmem>>, vector<16xi32>,
        %get3A_376 = vector.shape_cast %get3A_375 : vector<16xi32> to vector<16xi32>
        %slice3A_377 = vector.extract_strided_slice %get3A_376 {offsets = [0], sizes = [1], strides = [1]} : vector<16xi32> to vector<1xi32>
        %squeeze3A_378 = vector.extract %slice3A_377[0] : i32 from vector<1xi32>
        %add3A_379 = arith.constant 0 : i32
        %add3A_380 = arith.addi %squeeze3A_378, %add3A_379 : i32
        %get3A_381 = arith.index_cast %while3A_364 : i32 to index
        %get3A_382 = arith.index_cast %add3A_380 : i32 to index
        %get3A_383 = tpu.vector_load %arg13[%get3A_381, %get3A_382] {strides = array<i32>} : memref<48x128xf32, #tpu.memory_space<vmem>>, vector<1x16xf32>,
        %get3A_384 = vector.shape_cast %get3A_383 : vector<1x16xf32> to vector<16xf32>
        %add3A_385 = arith.addf %while3A_365, %get3A_384 : vector<16xf32>
        %add3A_386 = arith.constant 16 : i32
        %add3A_387 = arith.addi %squeeze3A_378, %add3A_386 : i32
        %get3A_388 = arith.index_cast %while3A_364 : i32 to index
        %get3A_389 = arith.index_cast %add3A_387 : i32 to index
        %get3A_390 = tpu.vector_load %arg13[%get3A_388, %get3A_389] {strides = array<i32>} : memref<48x128xf32, #tpu.memory_space<vmem>>, vector<1x16xf32>,
        %get3A_391 = vector.shape_cast %get3A_390 : vector<1x16xf32> to vector<16xf32>
        %add3A_392 = arith.addf %while3A_366, %get3A_391 : vector<16xf32>
        %add3A_393 = arith.constant 32 : i32
        %add3A_394 = arith.addi %squeeze3A_378, %add3A_393 : i32
        %get3A_395 = arith.index_cast %while3A_364 : i32 to index
        %get3A_396 = arith.index_cast %add3A_394 : i32 to index
        %get3A_397 = tpu.vector_load %arg13[%get3A_395, %get3A_396] {strides = array<i32>} : memref<48x128xf32, #tpu.memory_space<vmem>>, vector<1x16xf32>,
        %get3A_398 = vector.shape_cast %get3A_397 : vector<1x16xf32> to vector<16xf32>
        %add3A_399 = arith.addf %while3A_367, %get3A_398 : vector<16xf32>
        %add3A_400 = arith.constant 48 : i32
        %add3A_401 = arith.addi %squeeze3A_378, %add3A_400 : i32
        %get3A_402 = arith.index_cast %while3A_364 : i32 to index
        %get3A_403 = arith.index_cast %add3A_401 : i32 to index
        %get3A_404 = tpu.vector_load %arg13[%get3A_402, %get3A_403] {strides = array<i32>} : memref<48x128xf32, #tpu.memory_space<vmem>>, vector<1x16xf32>,
        %get3A_405 = vector.shape_cast %get3A_404 : vector<1x16xf32> to vector<16xf32>
        %add3A_406 = arith.addf %while3A_368, %get3A_405 : vector<16xf32>
        scf.yield %add3A_385, %add3A_392, %add3A_399, %add3A_406 : vector<16xf32>, vector<16xf32>, vector<16xf32>, vector<16xf32>
      }
      %while3A_119 = arith.constant 1 : i32
      %while3A_120:4 = scf.for %while3A_364 = %while3A_116 to %while3A_112 step %while3A_119 iter_args(%while3A_365 = %while3A_118#0, %while3A_366 = %while3A_118#1, %while3A_367 = %while3A_118#2, %while3A_368 = %while3A_118#3) -> (vector<16xf32>, vector<16xf32>, vector<16xf32>, vector<16xf32>)  : i32 {
        %mul3A_369 = arith.constant 200 : i32
        %mul3A_370 = arith.muli %add3A_46, %mul3A_369 : i32
        %add3A_371 = arith.constant 56 : i32
        %add3A_372 = arith.addi %mul3A_370, %add3A_371 : i32
        %add3A_373 = arith.addi %add3A_372, %while3A_364 : i32
        %get3A_374 = arith.index_cast %add3A_373 : i32 to index
        %get3A_375 = tpu.vector_load %arg8[%get3A_374] {strides = array<i32>} : memref<25616xi32, #tpu.memory_space<vmem>>, vector<16xi32>,
        %get3A_376 = vector.shape_cast %get3A_375 : vector<16xi32> to vector<16xi32>
        %slice3A_377 = vector.extract_strided_slice %get3A_376 {offsets = [0], sizes = [1], strides = [1]} : vector<16xi32> to vector<1xi32>
        %squeeze3A_378 = vector.extract %slice3A_377[0] : i32 from vector<1xi32>
        %add3A_379 = arith.constant 0 : i32
        %add3A_380 = arith.addi %squeeze3A_378, %add3A_379 : i32
        %get3A_381 = arith.index_cast %while3A_364 : i32 to index
        %get3A_382 = arith.index_cast %add3A_380 : i32 to index
        %get3A_383 = tpu.vector_load %arg13[%get3A_381, %get3A_382] {strides = array<i32>} : memref<48x128xf32, #tpu.memory_space<vmem>>, vector<1x16xf32>,
        %get3A_384 = vector.shape_cast %get3A_383 : vector<1x16xf32> to vector<16xf32>
        %add3A_385 = arith.addf %while3A_365, %get3A_384 : vector<16xf32>
        %add3A_386 = arith.constant 16 : i32
        %add3A_387 = arith.addi %squeeze3A_378, %add3A_386 : i32
        %get3A_388 = arith.index_cast %while3A_364 : i32 to index
        %get3A_389 = arith.index_cast %add3A_387 : i32 to index
        %get3A_390 = tpu.vector_load %arg13[%get3A_388, %get3A_389] {strides = array<i32>} : memref<48x128xf32, #tpu.memory_space<vmem>>, vector<1x16xf32>,
        %get3A_391 = vector.shape_cast %get3A_390 : vector<1x16xf32> to vector<16xf32>
        %add3A_392 = arith.addf %while3A_366, %get3A_391 : vector<16xf32>
        %add3A_393 = arith.constant 32 : i32
        %add3A_394 = arith.addi %squeeze3A_378, %add3A_393 : i32
        %get3A_395 = arith.index_cast %while3A_364 : i32 to index
        %get3A_396 = arith.index_cast %add3A_394 : i32 to index
        %get3A_397 = tpu.vector_load %arg13[%get3A_395, %get3A_396] {strides = array<i32>} : memref<48x128xf32, #tpu.memory_space<vmem>>, vector<1x16xf32>,
        %get3A_398 = vector.shape_cast %get3A_397 : vector<1x16xf32> to vector<16xf32>
        %add3A_399 = arith.addf %while3A_367, %get3A_398 : vector<16xf32>
        %add3A_400 = arith.constant 48 : i32
        %add3A_401 = arith.addi %squeeze3A_378, %add3A_400 : i32
        %get3A_402 = arith.index_cast %while3A_364 : i32 to index
        %get3A_403 = arith.index_cast %add3A_401 : i32 to index
        %get3A_404 = tpu.vector_load %arg13[%get3A_402, %get3A_403] {strides = array<i32>} : memref<48x128xf32, #tpu.memory_space<vmem>>, vector<1x16xf32>,
        %get3A_405 = vector.shape_cast %get3A_404 : vector<1x16xf32> to vector<16xf32>
        %add3A_406 = arith.addf %while3A_368, %get3A_405 : vector<16xf32>
        scf.yield %add3A_385, %add3A_392, %add3A_399, %add3A_406 : vector<16xf32>, vector<16xf32>, vector<16xf32>, vector<16xf32>
      }
      %sub3A_121 = arith.constant 104 : i32
      %sub3A_122 = arith.subi %squeeze3A_84, %sub3A_121 : i32
      %jit3A_123 = arith.constant 0 : i32
      %jit3A_124 = arith.constant 48 : i32
      %max3A_125 = arith.maxsi %jit3A_123, %sub3A_122 : i32
      %min3A_126 = arith.minsi %jit3A_124, %max3A_125 : i32
      %while3A_127 = arith.constant 0 : i32
      %while3A_128 = arith.subi %min3A_126, %while3A_127 : i32
      %while3A_129 = arith.addi %while3A_127, %while3A_128 : i32
      %while3A_130 = arith.constant 1 : i32
      %while3A_131 = arith.divsi %while3A_128, %while3A_130 : i32
      %while3A_132 = arith.muli %while3A_131, %while3A_130 : i32
      %while3A_133 = arith.addi %while3A_127, %while3A_132 : i32
      %while3A_134 = arith.constant 1 : i32
      %while3A_135:4 = scf.for %while3A_364 = %while3A_127 to %while3A_133 step %while3A_134 iter_args(%while3A_365 = %while3A_120#0, %while3A_366 = %while3A_120#1, %while3A_367 = %while3A_120#2, %while3A_368 = %while3A_120#3) -> (vector<16xf32>, vector<16xf32>, vector<16xf32>, vector<16xf32>)  : i32 {
        %mul3A_369 = arith.constant 200 : i32
        %mul3A_370 = arith.muli %add3A_46, %mul3A_369 : i32
        %add3A_371 = arith.constant 104 : i32
        %add3A_372 = arith.addi %mul3A_370, %add3A_371 : i32
        %add3A_373 = arith.addi %add3A_372, %while3A_364 : i32
        %get3A_374 = arith.index_cast %add3A_373 : i32 to index
        %get3A_375 = tpu.vector_load %arg8[%get3A_374] {strides = array<i32>} : memref<25616xi32, #tpu.memory_space<vmem>>, vector<16xi32>,
        %get3A_376 = vector.shape_cast %get3A_375 : vector<16xi32> to vector<16xi32>
        %slice3A_377 = vector.extract_strided_slice %get3A_376 {offsets = [0], sizes = [1], strides = [1]} : vector<16xi32> to vector<1xi32>
        %squeeze3A_378 = vector.extract %slice3A_377[0] : i32 from vector<1xi32>
        %add3A_379 = arith.constant 0 : i32
        %add3A_380 = arith.addi %squeeze3A_378, %add3A_379 : i32
        %get3A_381 = arith.index_cast %while3A_364 : i32 to index
        %get3A_382 = arith.index_cast %add3A_380 : i32 to index
        %get3A_383 = tpu.vector_load %arg14[%get3A_381, %get3A_382] {strides = array<i32>} : memref<48x128xf32, #tpu.memory_space<vmem>>, vector<1x16xf32>,
        %get3A_384 = vector.shape_cast %get3A_383 : vector<1x16xf32> to vector<16xf32>
        %add3A_385 = arith.addf %while3A_365, %get3A_384 : vector<16xf32>
        %add3A_386 = arith.constant 16 : i32
        %add3A_387 = arith.addi %squeeze3A_378, %add3A_386 : i32
        %get3A_388 = arith.index_cast %while3A_364 : i32 to index
        %get3A_389 = arith.index_cast %add3A_387 : i32 to index
        %get3A_390 = tpu.vector_load %arg14[%get3A_388, %get3A_389] {strides = array<i32>} : memref<48x128xf32, #tpu.memory_space<vmem>>, vector<1x16xf32>,
        %get3A_391 = vector.shape_cast %get3A_390 : vector<1x16xf32> to vector<16xf32>
        %add3A_392 = arith.addf %while3A_366, %get3A_391 : vector<16xf32>
        %add3A_393 = arith.constant 32 : i32
        %add3A_394 = arith.addi %squeeze3A_378, %add3A_393 : i32
        %get3A_395 = arith.index_cast %while3A_364 : i32 to index
        %get3A_396 = arith.index_cast %add3A_394 : i32 to index
        %get3A_397 = tpu.vector_load %arg14[%get3A_395, %get3A_396] {strides = array<i32>} : memref<48x128xf32, #tpu.memory_space<vmem>>, vector<1x16xf32>,
        %get3A_398 = vector.shape_cast %get3A_397 : vector<1x16xf32> to vector<16xf32>
        %add3A_399 = arith.addf %while3A_367, %get3A_398 : vector<16xf32>
        %add3A_400 = arith.constant 48 : i32
        %add3A_401 = arith.addi %squeeze3A_378, %add3A_400 : i32
        %get3A_402 = arith.index_cast %while3A_364 : i32 to index
        %get3A_403 = arith.index_cast %add3A_401 : i32 to index
        %get3A_404 = tpu.vector_load %arg14[%get3A_402, %get3A_403] {strides = array<i32>} : memref<48x128xf32, #tpu.memory_space<vmem>>, vector<1x16xf32>,
        %get3A_405 = vector.shape_cast %get3A_404 : vector<1x16xf32> to vector<16xf32>
        %add3A_406 = arith.addf %while3A_368, %get3A_405 : vector<16xf32>
        scf.yield %add3A_385, %add3A_392, %add3A_399, %add3A_406 : vector<16xf32>, vector<16xf32>, vector<16xf32>, vector<16xf32>
      }
      %while3A_136 = arith.constant 1 : i32
      %while3A_137:4 = scf.for %while3A_364 = %while3A_133 to %while3A_129 step %while3A_136 iter_args(%while3A_365 = %while3A_135#0, %while3A_366 = %while3A_135#1, %while3A_367 = %while3A_135#2, %while3A_368 = %while3A_135#3) -> (vector<16xf32>, vector<16xf32>, vector<16xf32>, vector<16xf32>)  : i32 {
        %mul3A_369 = arith.constant 200 : i32
        %mul3A_370 = arith.muli %add3A_46, %mul3A_369 : i32
        %add3A_371 = arith.constant 104 : i32
        %add3A_372 = arith.addi %mul3A_370, %add3A_371 : i32
        %add3A_373 = arith.addi %add3A_372, %while3A_364 : i32
        %get3A_374 = arith.index_cast %add3A_373 : i32 to index
        %get3A_375 = tpu.vector_load %arg8[%get3A_374] {strides = array<i32>} : memref<25616xi32, #tpu.memory_space<vmem>>, vector<16xi32>,
        %get3A_376 = vector.shape_cast %get3A_375 : vector<16xi32> to vector<16xi32>
        %slice3A_377 = vector.extract_strided_slice %get3A_376 {offsets = [0], sizes = [1], strides = [1]} : vector<16xi32> to vector<1xi32>
        %squeeze3A_378 = vector.extract %slice3A_377[0] : i32 from vector<1xi32>
        %add3A_379 = arith.constant 0 : i32
        %add3A_380 = arith.addi %squeeze3A_378, %add3A_379 : i32
        %get3A_381 = arith.index_cast %while3A_364 : i32 to index
        %get3A_382 = arith.index_cast %add3A_380 : i32 to index
        %get3A_383 = tpu.vector_load %arg14[%get3A_381, %get3A_382] {strides = array<i32>} : memref<48x128xf32, #tpu.memory_space<vmem>>, vector<1x16xf32>,
        %get3A_384 = vector.shape_cast %get3A_383 : vector<1x16xf32> to vector<16xf32>
        %add3A_385 = arith.addf %while3A_365, %get3A_384 : vector<16xf32>
        %add3A_386 = arith.constant 16 : i32
        %add3A_387 = arith.addi %squeeze3A_378, %add3A_386 : i32
        %get3A_388 = arith.index_cast %while3A_364 : i32 to index
        %get3A_389 = arith.index_cast %add3A_387 : i32 to index
        %get3A_390 = tpu.vector_load %arg14[%get3A_388, %get3A_389] {strides = array<i32>} : memref<48x128xf32, #tpu.memory_space<vmem>>, vector<1x16xf32>,
        %get3A_391 = vector.shape_cast %get3A_390 : vector<1x16xf32> to vector<16xf32>
        %add3A_392 = arith.addf %while3A_366, %get3A_391 : vector<16xf32>
        %add3A_393 = arith.constant 32 : i32
        %add3A_394 = arith.addi %squeeze3A_378, %add3A_393 : i32
        %get3A_395 = arith.index_cast %while3A_364 : i32 to index
        %get3A_396 = arith.index_cast %add3A_394 : i32 to index
        %get3A_397 = tpu.vector_load %arg14[%get3A_395, %get3A_396] {strides = array<i32>} : memref<48x128xf32, #tpu.memory_space<vmem>>, vector<1x16xf32>,
        %get3A_398 = vector.shape_cast %get3A_397 : vector<1x16xf32> to vector<16xf32>
        %add3A_399 = arith.addf %while3A_367, %get3A_398 : vector<16xf32>
        %add3A_400 = arith.constant 48 : i32
        %add3A_401 = arith.addi %squeeze3A_378, %add3A_400 : i32
        %get3A_402 = arith.index_cast %while3A_364 : i32 to index
        %get3A_403 = arith.index_cast %add3A_401 : i32 to index
        %get3A_404 = tpu.vector_load %arg14[%get3A_402, %get3A_403] {strides = array<i32>} : memref<48x128xf32, #tpu.memory_space<vmem>>, vector<1x16xf32>,
        %get3A_405 = vector.shape_cast %get3A_404 : vector<1x16xf32> to vector<16xf32>
        %add3A_406 = arith.addf %while3A_368, %get3A_405 : vector<16xf32>
        scf.yield %add3A_385, %add3A_392, %add3A_399, %add3A_406 : vector<16xf32>, vector<16xf32>, vector<16xf32>, vector<16xf32>
      }
      %sub3A_138 = arith.constant 152 : i32
      %sub3A_139 = arith.subi %squeeze3A_84, %sub3A_138 : i32
      %jit3A_140 = arith.constant 0 : i32
      %jit3A_141 = arith.constant 48 : i32
      %max3A_142 = arith.maxsi %jit3A_140, %sub3A_139 : i32
      %min3A_143 = arith.minsi %jit3A_141, %max3A_142 : i32
      %while3A_144 = arith.constant 0 : i32
      %while3A_145 = arith.subi %min3A_143, %while3A_144 : i32
      %while3A_146 = arith.addi %while3A_144, %while3A_145 : i32
      %while3A_147 = arith.constant 1 : i32
      %while3A_148 = arith.divsi %while3A_145, %while3A_147 : i32
      %while3A_149 = arith.muli %while3A_148, %while3A_147 : i32
      %while3A_150 = arith.addi %while3A_144, %while3A_149 : i32
      %while3A_151 = arith.constant 1 : i32
      %while3A_152:4 = scf.for %while3A_364 = %while3A_144 to %while3A_150 step %while3A_151 iter_args(%while3A_365 = %while3A_137#0, %while3A_366 = %while3A_137#1, %while3A_367 = %while3A_137#2, %while3A_368 = %while3A_137#3) -> (vector<16xf32>, vector<16xf32>, vector<16xf32>, vector<16xf32>)  : i32 {
        %mul3A_369 = arith.constant 200 : i32
        %mul3A_370 = arith.muli %add3A_46, %mul3A_369 : i32
        %add3A_371 = arith.constant 152 : i32
        %add3A_372 = arith.addi %mul3A_370, %add3A_371 : i32
        %add3A_373 = arith.addi %add3A_372, %while3A_364 : i32
        %get3A_374 = arith.index_cast %add3A_373 : i32 to index
        %get3A_375 = tpu.vector_load %arg8[%get3A_374] {strides = array<i32>} : memref<25616xi32, #tpu.memory_space<vmem>>, vector<16xi32>,
        %get3A_376 = vector.shape_cast %get3A_375 : vector<16xi32> to vector<16xi32>
        %slice3A_377 = vector.extract_strided_slice %get3A_376 {offsets = [0], sizes = [1], strides = [1]} : vector<16xi32> to vector<1xi32>
        %squeeze3A_378 = vector.extract %slice3A_377[0] : i32 from vector<1xi32>
        %add3A_379 = arith.constant 0 : i32
        %add3A_380 = arith.addi %squeeze3A_378, %add3A_379 : i32
        %get3A_381 = arith.index_cast %while3A_364 : i32 to index
        %get3A_382 = arith.index_cast %add3A_380 : i32 to index
        %get3A_383 = tpu.vector_load %arg15[%get3A_381, %get3A_382] {strides = array<i32>} : memref<48x128xf32, #tpu.memory_space<vmem>>, vector<1x16xf32>,
        %get3A_384 = vector.shape_cast %get3A_383 : vector<1x16xf32> to vector<16xf32>
        %add3A_385 = arith.addf %while3A_365, %get3A_384 : vector<16xf32>
        %add3A_386 = arith.constant 16 : i32
        %add3A_387 = arith.addi %squeeze3A_378, %add3A_386 : i32
        %get3A_388 = arith.index_cast %while3A_364 : i32 to index
        %get3A_389 = arith.index_cast %add3A_387 : i32 to index
        %get3A_390 = tpu.vector_load %arg15[%get3A_388, %get3A_389] {strides = array<i32>} : memref<48x128xf32, #tpu.memory_space<vmem>>, vector<1x16xf32>,
        %get3A_391 = vector.shape_cast %get3A_390 : vector<1x16xf32> to vector<16xf32>
        %add3A_392 = arith.addf %while3A_366, %get3A_391 : vector<16xf32>
        %add3A_393 = arith.constant 32 : i32
        %add3A_394 = arith.addi %squeeze3A_378, %add3A_393 : i32
        %get3A_395 = arith.index_cast %while3A_364 : i32 to index
        %get3A_396 = arith.index_cast %add3A_394 : i32 to index
        %get3A_397 = tpu.vector_load %arg15[%get3A_395, %get3A_396] {strides = array<i32>} : memref<48x128xf32, #tpu.memory_space<vmem>>, vector<1x16xf32>,
        %get3A_398 = vector.shape_cast %get3A_397 : vector<1x16xf32> to vector<16xf32>
        %add3A_399 = arith.addf %while3A_367, %get3A_398 : vector<16xf32>
        %add3A_400 = arith.constant 48 : i32
        %add3A_401 = arith.addi %squeeze3A_378, %add3A_400 : i32
        %get3A_402 = arith.index_cast %while3A_364 : i32 to index
        %get3A_403 = arith.index_cast %add3A_401 : i32 to index
        %get3A_404 = tpu.vector_load %arg15[%get3A_402, %get3A_403] {strides = array<i32>} : memref<48x128xf32, #tpu.memory_space<vmem>>, vector<1x16xf32>,
        %get3A_405 = vector.shape_cast %get3A_404 : vector<1x16xf32> to vector<16xf32>
        %add3A_406 = arith.addf %while3A_368, %get3A_405 : vector<16xf32>
        scf.yield %add3A_385, %add3A_392, %add3A_399, %add3A_406 : vector<16xf32>, vector<16xf32>, vector<16xf32>, vector<16xf32>
      }
      %while3A_153 = arith.constant 1 : i32
      %while3A_154:4 = scf.for %while3A_364 = %while3A_150 to %while3A_146 step %while3A_153 iter_args(%while3A_365 = %while3A_152#0, %while3A_366 = %while3A_152#1, %while3A_367 = %while3A_152#2, %while3A_368 = %while3A_152#3) -> (vector<16xf32>, vector<16xf32>, vector<16xf32>, vector<16xf32>)  : i32 {
        %mul3A_369 = arith.constant 200 : i32
        %mul3A_370 = arith.muli %add3A_46, %mul3A_369 : i32
        %add3A_371 = arith.constant 152 : i32
        %add3A_372 = arith.addi %mul3A_370, %add3A_371 : i32
        %add3A_373 = arith.addi %add3A_372, %while3A_364 : i32
        %get3A_374 = arith.index_cast %add3A_373 : i32 to index
        %get3A_375 = tpu.vector_load %arg8[%get3A_374] {strides = array<i32>} : memref<25616xi32, #tpu.memory_space<vmem>>, vector<16xi32>,
        %get3A_376 = vector.shape_cast %get3A_375 : vector<16xi32> to vector<16xi32>
        %slice3A_377 = vector.extract_strided_slice %get3A_376 {offsets = [0], sizes = [1], strides = [1]} : vector<16xi32> to vector<1xi32>
        %squeeze3A_378 = vector.extract %slice3A_377[0] : i32 from vector<1xi32>
        %add3A_379 = arith.constant 0 : i32
        %add3A_380 = arith.addi %squeeze3A_378, %add3A_379 : i32
        %get3A_381 = arith.index_cast %while3A_364 : i32 to index
        %get3A_382 = arith.index_cast %add3A_380 : i32 to index
        %get3A_383 = tpu.vector_load %arg15[%get3A_381, %get3A_382] {strides = array<i32>} : memref<48x128xf32, #tpu.memory_space<vmem>>, vector<1x16xf32>,
        %get3A_384 = vector.shape_cast %get3A_383 : vector<1x16xf32> to vector<16xf32>
        %add3A_385 = arith.addf %while3A_365, %get3A_384 : vector<16xf32>
        %add3A_386 = arith.constant 16 : i32
        %add3A_387 = arith.addi %squeeze3A_378, %add3A_386 : i32
        %get3A_388 = arith.index_cast %while3A_364 : i32 to index
        %get3A_389 = arith.index_cast %add3A_387 : i32 to index
        %get3A_390 = tpu.vector_load %arg15[%get3A_388, %get3A_389] {strides = array<i32>} : memref<48x128xf32, #tpu.memory_space<vmem>>, vector<1x16xf32>,
        %get3A_391 = vector.shape_cast %get3A_390 : vector<1x16xf32> to vector<16xf32>
        %add3A_392 = arith.addf %while3A_366, %get3A_391 : vector<16xf32>
        %add3A_393 = arith.constant 32 : i32
        %add3A_394 = arith.addi %squeeze3A_378, %add3A_393 : i32
        %get3A_395 = arith.index_cast %while3A_364 : i32 to index
        %get3A_396 = arith.index_cast %add3A_394 : i32 to index
        %get3A_397 = tpu.vector_load %arg15[%get3A_395, %get3A_396] {strides = array<i32>} : memref<48x128xf32, #tpu.memory_space<vmem>>, vector<1x16xf32>,
        %get3A_398 = vector.shape_cast %get3A_397 : vector<1x16xf32> to vector<16xf32>
        %add3A_399 = arith.addf %while3A_367, %get3A_398 : vector<16xf32>
        %add3A_400 = arith.constant 48 : i32
        %add3A_401 = arith.addi %squeeze3A_378, %add3A_400 : i32
        %get3A_402 = arith.index_cast %while3A_364 : i32 to index
        %get3A_403 = arith.index_cast %add3A_401 : i32 to index
        %get3A_404 = tpu.vector_load %arg15[%get3A_402, %get3A_403] {strides = array<i32>} : memref<48x128xf32, #tpu.memory_space<vmem>>, vector<1x16xf32>,
        %get3A_405 = vector.shape_cast %get3A_404 : vector<1x16xf32> to vector<16xf32>
        %add3A_406 = arith.addf %while3A_368, %get3A_405 : vector<16xf32>
        scf.yield %add3A_385, %add3A_392, %add3A_399, %add3A_406 : vector<16xf32>, vector<16xf32>, vector<16xf32>, vector<16xf32>
      }
      %get3A_155 = arith.index_cast %add3A_46 : i32 to index
      %get3A_156 = tpu.vector_load %arg10[%get3A_155] {strides = array<i32>} : memref<144xf32, #tpu.memory_space<vmem>>, vector<16xf32>,
      %get3A_157 = vector.shape_cast %get3A_156 : vector<16xf32> to vector<16xf32>
      %slice3A_158 = vector.extract_strided_slice %get3A_157 {offsets = [0], sizes = [1], strides = [1]} : vector<16xf32> to vector<1xf32>
      %squeeze3A_159 = vector.extract %slice3A_158[0] : f32 from vector<1xf32>
      %mul3A_160 = vector.broadcast %squeeze3A_159 : f32 to vector<16xf32>
      %mul3A_161 = arith.mulf %while3A_154#0, %mul3A_160 : vector<16xf32>
      %mul3A_162 = arith.constant 64 : i32
      %mul3A_163 = arith.muli %add3A_46, %mul3A_162 : i32
      %add3A_164 = arith.constant 0 : i32
      %add3A_165 = arith.addi %mul3A_163, %add3A_164 : i32
      %swap3A = arith.index_cast %add3A_165 : i32 to index
      %swap3A_166 = tpu.vector_load %arg11[%swap3A] {strides = array<i32>} : memref<8192xf32, #tpu.memory_space<vmem>>, vector<16xf32>,
      %swap3A_167 = vector.shape_cast %swap3A_166 : vector<16xf32> to vector<16xf32>
      %swap3A_168 = vector.shape_cast %mul3A_161 : vector<16xf32> to vector<16xf32>
      tpu.vector_store %arg11[%swap3A], %swap3A_168 {strides = array<i32>} : memref<8192xf32, #tpu.memory_space<vmem>>, vector<16xf32>,
      %mul3A_169 = vector.broadcast %squeeze3A_159 : f32 to vector<16xf32>
      %mul3A_170 = arith.mulf %while3A_154#1, %mul3A_169 : vector<16xf32>
      %mul3A_171 = arith.constant 64 : i32
      %mul3A_172 = arith.muli %add3A_46, %mul3A_171 : i32
      %add3A_173 = arith.constant 16 : i32
      %add3A_174 = arith.addi %mul3A_172, %add3A_173 : i32
      %swap3A_175 = arith.index_cast %add3A_174 : i32 to index
      %swap3A_176 = tpu.vector_load %arg11[%swap3A_175] {strides = array<i32>} : memref<8192xf32, #tpu.memory_space<vmem>>, vector<16xf32>,
      %swap3A_177 = vector.shape_cast %swap3A_176 : vector<16xf32> to vector<16xf32>
      %swap3A_178 = vector.shape_cast %mul3A_170 : vector<16xf32> to vector<16xf32>
      tpu.vector_store %arg11[%swap3A_175], %swap3A_178 {strides = array<i32>} : memref<8192xf32, #tpu.memory_space<vmem>>, vector<16xf32>,
      %mul3A_179 = vector.broadcast %squeeze3A_159 : f32 to vector<16xf32>
      %mul3A_180 = arith.mulf %while3A_154#2, %mul3A_179 : vector<16xf32>
      %mul3A_181 = arith.constant 64 : i32
      %mul3A_182 = arith.muli %add3A_46, %mul3A_181 : i32
      %add3A_183 = arith.constant 32 : i32
      %add3A_184 = arith.addi %mul3A_182, %add3A_183 : i32
      %swap3A_185 = arith.index_cast %add3A_184 : i32 to index
      %swap3A_186 = tpu.vector_load %arg11[%swap3A_185] {strides = array<i32>} : memref<8192xf32, #tpu.memory_space<vmem>>, vector<16xf32>,
      %swap3A_187 = vector.shape_cast %swap3A_186 : vector<16xf32> to vector<16xf32>
      %swap3A_188 = vector.shape_cast %mul3A_180 : vector<16xf32> to vector<16xf32>
      tpu.vector_store %arg11[%swap3A_185], %swap3A_188 {strides = array<i32>} : memref<8192xf32, #tpu.memory_space<vmem>>, vector<16xf32>,
      %mul3A_189 = vector.broadcast %squeeze3A_159 : f32 to vector<16xf32>
      %mul3A_190 = arith.mulf %while3A_154#3, %mul3A_189 : vector<16xf32>
      %mul3A_191 = arith.constant 64 : i32
      %mul3A_192 = arith.muli %add3A_46, %mul3A_191 : i32
      %add3A_193 = arith.constant 48 : i32
      %add3A_194 = arith.addi %mul3A_192, %add3A_193 : i32
      %swap3A_195 = arith.index_cast %add3A_194 : i32 to index
      %swap3A_196 = tpu.vector_load %arg11[%swap3A_195] {strides = array<i32>} : memref<8192xf32, #tpu.memory_space<vmem>>, vector<16xf32>,
      %swap3A_197 = vector.shape_cast %swap3A_196 : vector<16xf32> to vector<16xf32>
      %swap3A_198 = vector.shape_cast %mul3A_190 : vector<16xf32> to vector<16xf32>
      tpu.vector_store %arg11[%swap3A_195], %swap3A_198 {strides = array<i32>} : memref<8192xf32, #tpu.memory_space<vmem>>, vector<16xf32>,
      %mul3A_199 = arith.constant 2 : i32
      %mul3A_200 = arith.muli %mul3A_199, %scan3A_42 : i32
      %add3A_201 = arith.constant 1 : i32
      %add3A_202 = arith.addi %mul3A_200, %add3A_201 : i32
      %add3A_203 = arith.constant 1 : i32
      %add3A_204 = arith.addi %add3A_202, %add3A_203 : i32
      %lt3A_205 = arith.constant 128 : i32
      %lt3A_206 = arith.cmpi slt, %add3A_204, %lt3A_205 : i32
      %convert_element_type3A_207 = arith.extui %lt3A_206 : i1 to i32
      %cond3A_208 = arith.constant 0 : i32
      %cond3A_209 = arith.cmpi ne, %convert_element_type3A_207, %cond3A_208 : i32
      scf.if %cond3A_209 {
        %add3A_364 = arith.constant 1 : i32
        %add3A_365 = arith.addi %add3A_202, %add3A_364 : i32
        %get3A_366 = arith.index_cast %add3A_365 : i32 to index
        %get3A_367 = tpu.vector_load %arg9[%get3A_366] {strides = array<i32>} : memref<144xi32, #tpu.memory_space<vmem>>, vector<16xi32>,
        %get3A_368 = vector.shape_cast %get3A_367 : vector<16xi32> to vector<16xi32>
        %slice3A_369 = vector.extract_strided_slice %get3A_368 {offsets = [0], sizes = [1], strides = [1]} : vector<16xi32> to vector<1xi32>
        %squeeze3A_370 = vector.extract %slice3A_369[0] : i32 from vector<1xi32>
        %mul3A_371 = arith.constant 200 : i32
        %mul3A_372 = arith.muli %add3A_365, %mul3A_371 : i32
        %add3A_373 = arith.constant 0 : i32
        %add3A_374 = arith.addi %mul3A_372, %add3A_373 : i32
        %dma_start3A_375 = tpu.memref_slice %arg7[%add3A_374] : memref<25600xi32, #tpu.memory_space<vmem>> -> memref<56xi32, #tpu.memory_space<vmem>>
        %dma_start3A_376 = arith.constant 0 : i32
        %dma_start3A_377 = arith.constant 0 : i32
        %dma_start3A_378 = tpu.memref_slice %arg2[%dma_start3A_376, %dma_start3A_377] : memref<507904x128xf32, #tpu.memory_space<hbm>> -> memref<507904x128xf32, #tpu.memory_space<hbm>>
        tpu.enqueue_indirect_dma source(%dma_start3A_378 : memref<507904x128xf32, #tpu.memory_space<hbm>>) target(%arg12 : memref<56x128xf32, #tpu.memory_space<vmem>>) offsets(%dma_start3A_375 : memref<56xi32, #tpu.memory_space<vmem>>) semaphore(%arg20 : memref<!tpu.dma_semaphore, #tpu.memory_space<semaphore_mem>>)
        %gt3A_379 = arith.constant 56 : i32
        %gt3A_380 = arith.cmpi sgt, %squeeze3A_370, %gt3A_379 : i32
        %convert_element_type3A_381 = arith.extui %gt3A_380 : i1 to i32
        %cond3A_382 = arith.constant 0 : i32
        %cond3A_383 = arith.cmpi ne, %convert_element_type3A_381, %cond3A_382 : i32
        scf.if %cond3A_383 {
          %mul3A_394 = arith.constant 200 : i32
          %mul3A_395 = arith.muli %add3A_365, %mul3A_394 : i32
          %add3A_396 = arith.constant 56 : i32
          %add3A_397 = arith.addi %mul3A_395, %add3A_396 : i32
          %dma_start3A_398 = tpu.memref_slice %arg7[%add3A_397] : memref<25600xi32, #tpu.memory_space<vmem>> -> memref<48xi32, #tpu.memory_space<vmem>>
          %dma_start3A_399 = arith.constant 0 : i32
          %dma_start3A_400 = arith.constant 0 : i32
          %dma_start3A_401 = tpu.memref_slice %arg2[%dma_start3A_399, %dma_start3A_400] : memref<507904x128xf32, #tpu.memory_space<hbm>> -> memref<507904x128xf32, #tpu.memory_space<hbm>>
          tpu.enqueue_indirect_dma source(%dma_start3A_401 : memref<507904x128xf32, #tpu.memory_space<hbm>>) target(%arg13 : memref<48x128xf32, #tpu.memory_space<vmem>>) offsets(%dma_start3A_398 : memref<48xi32, #tpu.memory_space<vmem>>) semaphore(%arg21 : memref<!tpu.dma_semaphore, #tpu.memory_space<semaphore_mem>>)
        } else {
        }
        %gt3A_384 = arith.constant 104 : i32
        %gt3A_385 = arith.cmpi sgt, %squeeze3A_370, %gt3A_384 : i32
        %convert_element_type3A_386 = arith.extui %gt3A_385 : i1 to i32
        %cond3A_387 = arith.constant 0 : i32
        %cond3A_388 = arith.cmpi ne, %convert_element_type3A_386, %cond3A_387 : i32
        scf.if %cond3A_388 {
          %mul3A_394 = arith.constant 200 : i32
          %mul3A_395 = arith.muli %add3A_365, %mul3A_394 : i32
          %add3A_396 = arith.constant 104 : i32
          %add3A_397 = arith.addi %mul3A_395, %add3A_396 : i32
          %dma_start3A_398 = tpu.memref_slice %arg7[%add3A_397] : memref<25600xi32, #tpu.memory_space<vmem>> -> memref<48xi32, #tpu.memory_space<vmem>>
          %dma_start3A_399 = arith.constant 0 : i32
          %dma_start3A_400 = arith.constant 0 : i32
          %dma_start3A_401 = tpu.memref_slice %arg2[%dma_start3A_399, %dma_start3A_400] : memref<507904x128xf32, #tpu.memory_space<hbm>> -> memref<507904x128xf32, #tpu.memory_space<hbm>>
          tpu.enqueue_indirect_dma source(%dma_start3A_401 : memref<507904x128xf32, #tpu.memory_space<hbm>>) target(%arg14 : memref<48x128xf32, #tpu.memory_space<vmem>>) offsets(%dma_start3A_398 : memref<48xi32, #tpu.memory_space<vmem>>) semaphore(%arg22 : memref<!tpu.dma_semaphore, #tpu.memory_space<semaphore_mem>>)
        } else {
        }
        %gt3A_389 = arith.constant 152 : i32
        %gt3A_390 = arith.cmpi sgt, %squeeze3A_370, %gt3A_389 : i32
        %convert_element_type3A_391 = arith.extui %gt3A_390 : i1 to i32
        %cond3A_392 = arith.constant 0 : i32
        %cond3A_393 = arith.cmpi ne, %convert_element_type3A_391, %cond3A_392 : i32
        scf.if %cond3A_393 {
          %mul3A_394 = arith.constant 200 : i32
          %mul3A_395 = arith.muli %add3A_365, %mul3A_394 : i32
          %add3A_396 = arith.constant 152 : i32
          %add3A_397 = arith.addi %mul3A_395, %add3A_396 : i32
          %dma_start3A_398 = tpu.memref_slice %arg7[%add3A_397] : memref<25600xi32, #tpu.memory_space<vmem>> -> memref<48xi32, #tpu.memory_space<vmem>>
          %dma_start3A_399 = arith.constant 0 : i32
          %dma_start3A_400 = arith.constant 0 : i32
          %dma_start3A_401 = tpu.memref_slice %arg2[%dma_start3A_399, %dma_start3A_400] : memref<507904x128xf32, #tpu.memory_space<hbm>> -> memref<507904x128xf32, #tpu.memory_space<hbm>>
          tpu.enqueue_indirect_dma source(%dma_start3A_401 : memref<507904x128xf32, #tpu.memory_space<hbm>>) target(%arg15 : memref<48x128xf32, #tpu.memory_space<vmem>>) offsets(%dma_start3A_398 : memref<48xi32, #tpu.memory_space<vmem>>) semaphore(%arg23 : memref<!tpu.dma_semaphore, #tpu.memory_space<semaphore_mem>>)
        } else {
        }
      } else {
      }
      %get3A_210 = arith.index_cast %add3A_202 : i32 to index
      %get3A_211 = tpu.vector_load %arg9[%get3A_210] {strides = array<i32>} : memref<144xi32, #tpu.memory_space<vmem>>, vector<16xi32>,
      %get3A_212 = vector.shape_cast %get3A_211 : vector<16xi32> to vector<16xi32>
      %slice3A_213 = vector.extract_strided_slice %get3A_212 {offsets = [0], sizes = [1], strides = [1]} : vector<16xi32> to vector<1xi32>
      %squeeze3A_214 = vector.extract %slice3A_213[0] : i32 from vector<1xi32>
      %mul3A_215 = arith.constant 200 : i32
      %mul3A_216 = arith.muli %add3A_202, %mul3A_215 : i32
      %add3A_217 = arith.constant 0 : i32
      %add3A_218 = arith.addi %mul3A_216, %add3A_217 : i32
      %dma_wait3A_219 = tpu.memref_slice %arg7[%add3A_218] : memref<25600xi32, #tpu.memory_space<vmem>> -> memref<56xi32, #tpu.memory_space<vmem>>
      %dma_wait3A_220 = arith.constant 0 : i32
      %dma_wait3A_221 = arith.constant 0 : i32
      %dma_wait3A_222 = tpu.memref_slice %arg2[%dma_wait3A_220, %dma_wait3A_221] : memref<507904x128xf32, #tpu.memory_space<hbm>> -> memref<507904x128xf32, #tpu.memory_space<hbm>>
      tpu.wait_indirect_dma semaphore(%arg24 : memref<!tpu.dma_semaphore, #tpu.memory_space<semaphore_mem>>) src(%dma_wait3A_222 : memref<507904x128xf32, #tpu.memory_space<hbm>>) dst(%arg16 : memref<56x128xf32, #tpu.memory_space<vmem>>)
      %gt3A_223 = arith.constant 56 : i32
      %gt3A_224 = arith.cmpi sgt, %squeeze3A_214, %gt3A_223 : i32
      %convert_element_type3A_225 = arith.extui %gt3A_224 : i1 to i32
      %cond3A_226 = arith.constant 0 : i32
      %cond3A_227 = arith.cmpi ne, %convert_element_type3A_225, %cond3A_226 : i32
      scf.if %cond3A_227 {
        %mul3A_364 = arith.constant 200 : i32
        %mul3A_365 = arith.muli %add3A_202, %mul3A_364 : i32
        %add3A_366 = arith.constant 56 : i32
        %add3A_367 = arith.addi %mul3A_365, %add3A_366 : i32
        %dma_wait3A_368 = tpu.memref_slice %arg7[%add3A_367] : memref<25600xi32, #tpu.memory_space<vmem>> -> memref<48xi32, #tpu.memory_space<vmem>>
        %dma_wait3A_369 = arith.constant 0 : i32
        %dma_wait3A_370 = arith.constant 0 : i32
        %dma_wait3A_371 = tpu.memref_slice %arg2[%dma_wait3A_369, %dma_wait3A_370] : memref<507904x128xf32, #tpu.memory_space<hbm>> -> memref<507904x128xf32, #tpu.memory_space<hbm>>
        tpu.wait_indirect_dma semaphore(%arg25 : memref<!tpu.dma_semaphore, #tpu.memory_space<semaphore_mem>>) src(%dma_wait3A_371 : memref<507904x128xf32, #tpu.memory_space<hbm>>) dst(%arg17 : memref<48x128xf32, #tpu.memory_space<vmem>>)
      } else {
      }
      %gt3A_228 = arith.constant 104 : i32
      %gt3A_229 = arith.cmpi sgt, %squeeze3A_214, %gt3A_228 : i32
      %convert_element_type3A_230 = arith.extui %gt3A_229 : i1 to i32
      %cond3A_231 = arith.constant 0 : i32
      %cond3A_232 = arith.cmpi ne, %convert_element_type3A_230, %cond3A_231 : i32
      scf.if %cond3A_232 {
        %mul3A_364 = arith.constant 200 : i32
        %mul3A_365 = arith.muli %add3A_202, %mul3A_364 : i32
        %add3A_366 = arith.constant 104 : i32
        %add3A_367 = arith.addi %mul3A_365, %add3A_366 : i32
        %dma_wait3A_368 = tpu.memref_slice %arg7[%add3A_367] : memref<25600xi32, #tpu.memory_space<vmem>> -> memref<48xi32, #tpu.memory_space<vmem>>
        %dma_wait3A_369 = arith.constant 0 : i32
        %dma_wait3A_370 = arith.constant 0 : i32
        %dma_wait3A_371 = tpu.memref_slice %arg2[%dma_wait3A_369, %dma_wait3A_370] : memref<507904x128xf32, #tpu.memory_space<hbm>> -> memref<507904x128xf32, #tpu.memory_space<hbm>>
        tpu.wait_indirect_dma semaphore(%arg26 : memref<!tpu.dma_semaphore, #tpu.memory_space<semaphore_mem>>) src(%dma_wait3A_371 : memref<507904x128xf32, #tpu.memory_space<hbm>>) dst(%arg18 : memref<48x128xf32, #tpu.memory_space<vmem>>)
      } else {
      }
      %gt3A_233 = arith.constant 152 : i32
      %gt3A_234 = arith.cmpi sgt, %squeeze3A_214, %gt3A_233 : i32
      %convert_element_type3A_235 = arith.extui %gt3A_234 : i1 to i32
      %cond3A_236 = arith.constant 0 : i32
      %cond3A_237 = arith.cmpi ne, %convert_element_type3A_235, %cond3A_236 : i32
      scf.if %cond3A_237 {
        %mul3A_364 = arith.constant 200 : i32
        %mul3A_365 = arith.muli %add3A_202, %mul3A_364 : i32
        %add3A_366 = arith.constant 152 : i32
        %add3A_367 = arith.addi %mul3A_365, %add3A_366 : i32
        %dma_wait3A_368 = tpu.memref_slice %arg7[%add3A_367] : memref<25600xi32, #tpu.memory_space<vmem>> -> memref<48xi32, #tpu.memory_space<vmem>>
        %dma_wait3A_369 = arith.constant 0 : i32
        %dma_wait3A_370 = arith.constant 0 : i32
        %dma_wait3A_371 = tpu.memref_slice %arg2[%dma_wait3A_369, %dma_wait3A_370] : memref<507904x128xf32, #tpu.memory_space<hbm>> -> memref<507904x128xf32, #tpu.memory_space<hbm>>
        tpu.wait_indirect_dma semaphore(%arg27 : memref<!tpu.dma_semaphore, #tpu.memory_space<semaphore_mem>>) src(%dma_wait3A_371 : memref<507904x128xf32, #tpu.memory_space<hbm>>) dst(%arg19 : memref<48x128xf32, #tpu.memory_space<vmem>>)
      } else {
      }
      %get3A_238 = arith.index_cast %add3A_202 : i32 to index
      %get3A_239 = tpu.vector_load %arg9[%get3A_238] {strides = array<i32>} : memref<144xi32, #tpu.memory_space<vmem>>, vector<16xi32>,
      %get3A_240 = vector.shape_cast %get3A_239 : vector<16xi32> to vector<16xi32>
      %slice3A_241 = vector.extract_strided_slice %get3A_240 {offsets = [0], sizes = [1], strides = [1]} : vector<16xi32> to vector<1xi32>
      %squeeze3A_242 = vector.extract %slice3A_241[0] : i32 from vector<1xi32>
      %broadcast_in_dim3A_243 = arith.constant 0.000000e+00 : f32
      %broadcast_in_dim3A_244 = vector.broadcast %broadcast_in_dim3A_243 : f32 to vector<16xf32>
      %broadcast_in_dim3A_245 = arith.constant 0.000000e+00 : f32
      %broadcast_in_dim3A_246 = vector.broadcast %broadcast_in_dim3A_245 : f32 to vector<16xf32>
      %broadcast_in_dim3A_247 = arith.constant 0.000000e+00 : f32
      %broadcast_in_dim3A_248 = vector.broadcast %broadcast_in_dim3A_247 : f32 to vector<16xf32>
      %broadcast_in_dim3A_249 = arith.constant 0.000000e+00 : f32
      %broadcast_in_dim3A_250 = vector.broadcast %broadcast_in_dim3A_249 : f32 to vector<16xf32>
      %sub3A_251 = arith.constant 0 : i32
      %sub3A_252 = arith.subi %squeeze3A_242, %sub3A_251 : i32
      %jit3A_253 = arith.constant 0 : i32
      %jit3A_254 = arith.constant 56 : i32
      %max3A_255 = arith.maxsi %jit3A_253, %sub3A_252 : i32
      %min3A_256 = arith.minsi %jit3A_254, %max3A_255 : i32
      %while3A_257 = arith.constant 0 : i32
      %while3A_258 = arith.subi %min3A_256, %while3A_257 : i32
      %while3A_259 = arith.addi %while3A_257, %while3A_258 : i32
      %while3A_260 = arith.constant 1 : i32
      %while3A_261 = arith.divsi %while3A_258, %while3A_260 : i32
      %while3A_262 = arith.muli %while3A_261, %while3A_260 : i32
      %while3A_263 = arith.addi %while3A_257, %while3A_262 : i32
      %while3A_264 = arith.constant 1 : i32
      %while3A_265:4 = scf.for %while3A_364 = %while3A_257 to %while3A_263 step %while3A_264 iter_args(%while3A_365 = %broadcast_in_dim3A_244, %while3A_366 = %broadcast_in_dim3A_246, %while3A_367 = %broadcast_in_dim3A_248, %while3A_368 = %broadcast_in_dim3A_250) -> (vector<16xf32>, vector<16xf32>, vector<16xf32>, vector<16xf32>)  : i32 {
        %mul3A_369 = arith.constant 200 : i32
        %mul3A_370 = arith.muli %add3A_202, %mul3A_369 : i32
        %add3A_371 = arith.constant 0 : i32
        %add3A_372 = arith.addi %mul3A_370, %add3A_371 : i32
        %add3A_373 = arith.addi %add3A_372, %while3A_364 : i32
        %get3A_374 = arith.index_cast %add3A_373 : i32 to index
        %get3A_375 = tpu.vector_load %arg8[%get3A_374] {strides = array<i32>} : memref<25616xi32, #tpu.memory_space<vmem>>, vector<16xi32>,
        %get3A_376 = vector.shape_cast %get3A_375 : vector<16xi32> to vector<16xi32>
        %slice3A_377 = vector.extract_strided_slice %get3A_376 {offsets = [0], sizes = [1], strides = [1]} : vector<16xi32> to vector<1xi32>
        %squeeze3A_378 = vector.extract %slice3A_377[0] : i32 from vector<1xi32>
        %add3A_379 = arith.constant 0 : i32
        %add3A_380 = arith.addi %squeeze3A_378, %add3A_379 : i32
        %get3A_381 = arith.index_cast %while3A_364 : i32 to index
        %get3A_382 = arith.index_cast %add3A_380 : i32 to index
        %get3A_383 = tpu.vector_load %arg16[%get3A_381, %get3A_382] {strides = array<i32>} : memref<56x128xf32, #tpu.memory_space<vmem>>, vector<1x16xf32>,
        %get3A_384 = vector.shape_cast %get3A_383 : vector<1x16xf32> to vector<16xf32>
        %add3A_385 = arith.addf %while3A_365, %get3A_384 : vector<16xf32>
        %add3A_386 = arith.constant 16 : i32
        %add3A_387 = arith.addi %squeeze3A_378, %add3A_386 : i32
        %get3A_388 = arith.index_cast %while3A_364 : i32 to index
        %get3A_389 = arith.index_cast %add3A_387 : i32 to index
        %get3A_390 = tpu.vector_load %arg16[%get3A_388, %get3A_389] {strides = array<i32>} : memref<56x128xf32, #tpu.memory_space<vmem>>, vector<1x16xf32>,
        %get3A_391 = vector.shape_cast %get3A_390 : vector<1x16xf32> to vector<16xf32>
        %add3A_392 = arith.addf %while3A_366, %get3A_391 : vector<16xf32>
        %add3A_393 = arith.constant 32 : i32
        %add3A_394 = arith.addi %squeeze3A_378, %add3A_393 : i32
        %get3A_395 = arith.index_cast %while3A_364 : i32 to index
        %get3A_396 = arith.index_cast %add3A_394 : i32 to index
        %get3A_397 = tpu.vector_load %arg16[%get3A_395, %get3A_396] {strides = array<i32>} : memref<56x128xf32, #tpu.memory_space<vmem>>, vector<1x16xf32>,
        %get3A_398 = vector.shape_cast %get3A_397 : vector<1x16xf32> to vector<16xf32>
        %add3A_399 = arith.addf %while3A_367, %get3A_398 : vector<16xf32>
        %add3A_400 = arith.constant 48 : i32
        %add3A_401 = arith.addi %squeeze3A_378, %add3A_400 : i32
        %get3A_402 = arith.index_cast %while3A_364 : i32 to index
        %get3A_403 = arith.index_cast %add3A_401 : i32 to index
        %get3A_404 = tpu.vector_load %arg16[%get3A_402, %get3A_403] {strides = array<i32>} : memref<56x128xf32, #tpu.memory_space<vmem>>, vector<1x16xf32>,
        %get3A_405 = vector.shape_cast %get3A_404 : vector<1x16xf32> to vector<16xf32>
        %add3A_406 = arith.addf %while3A_368, %get3A_405 : vector<16xf32>
        scf.yield %add3A_385, %add3A_392, %add3A_399, %add3A_406 : vector<16xf32>, vector<16xf32>, vector<16xf32>, vector<16xf32>
      }
      %while3A_266 = arith.constant 1 : i32
      %while3A_267:4 = scf.for %while3A_364 = %while3A_263 to %while3A_259 step %while3A_266 iter_args(%while3A_365 = %while3A_265#0, %while3A_366 = %while3A_265#1, %while3A_367 = %while3A_265#2, %while3A_368 = %while3A_265#3) -> (vector<16xf32>, vector<16xf32>, vector<16xf32>, vector<16xf32>)  : i32 {
        %mul3A_369 = arith.constant 200 : i32
        %mul3A_370 = arith.muli %add3A_202, %mul3A_369 : i32
        %add3A_371 = arith.constant 0 : i32
        %add3A_372 = arith.addi %mul3A_370, %add3A_371 : i32
        %add3A_373 = arith.addi %add3A_372, %while3A_364 : i32
        %get3A_374 = arith.index_cast %add3A_373 : i32 to index
        %get3A_375 = tpu.vector_load %arg8[%get3A_374] {strides = array<i32>} : memref<25616xi32, #tpu.memory_space<vmem>>, vector<16xi32>,
        %get3A_376 = vector.shape_cast %get3A_375 : vector<16xi32> to vector<16xi32>
        %slice3A_377 = vector.extract_strided_slice %get3A_376 {offsets = [0], sizes = [1], strides = [1]} : vector<16xi32> to vector<1xi32>
        %squeeze3A_378 = vector.extract %slice3A_377[0] : i32 from vector<1xi32>
        %add3A_379 = arith.constant 0 : i32
        %add3A_380 = arith.addi %squeeze3A_378, %add3A_379 : i32
        %get3A_381 = arith.index_cast %while3A_364 : i32 to index
        %get3A_382 = arith.index_cast %add3A_380 : i32 to index
        %get3A_383 = tpu.vector_load %arg16[%get3A_381, %get3A_382] {strides = array<i32>} : memref<56x128xf32, #tpu.memory_space<vmem>>, vector<1x16xf32>,
        %get3A_384 = vector.shape_cast %get3A_383 : vector<1x16xf32> to vector<16xf32>
        %add3A_385 = arith.addf %while3A_365, %get3A_384 : vector<16xf32>
        %add3A_386 = arith.constant 16 : i32
        %add3A_387 = arith.addi %squeeze3A_378, %add3A_386 : i32
        %get3A_388 = arith.index_cast %while3A_364 : i32 to index
        %get3A_389 = arith.index_cast %add3A_387 : i32 to index
        %get3A_390 = tpu.vector_load %arg16[%get3A_388, %get3A_389] {strides = array<i32>} : memref<56x128xf32, #tpu.memory_space<vmem>>, vector<1x16xf32>,
        %get3A_391 = vector.shape_cast %get3A_390 : vector<1x16xf32> to vector<16xf32>
        %add3A_392 = arith.addf %while3A_366, %get3A_391 : vector<16xf32>
        %add3A_393 = arith.constant 32 : i32
        %add3A_394 = arith.addi %squeeze3A_378, %add3A_393 : i32
        %get3A_395 = arith.index_cast %while3A_364 : i32 to index
        %get3A_396 = arith.index_cast %add3A_394 : i32 to index
        %get3A_397 = tpu.vector_load %arg16[%get3A_395, %get3A_396] {strides = array<i32>} : memref<56x128xf32, #tpu.memory_space<vmem>>, vector<1x16xf32>,
        %get3A_398 = vector.shape_cast %get3A_397 : vector<1x16xf32> to vector<16xf32>
        %add3A_399 = arith.addf %while3A_367, %get3A_398 : vector<16xf32>
        %add3A_400 = arith.constant 48 : i32
        %add3A_401 = arith.addi %squeeze3A_378, %add3A_400 : i32
        %get3A_402 = arith.index_cast %while3A_364 : i32 to index
        %get3A_403 = arith.index_cast %add3A_401 : i32 to index
        %get3A_404 = tpu.vector_load %arg16[%get3A_402, %get3A_403] {strides = array<i32>} : memref<56x128xf32, #tpu.memory_space<vmem>>, vector<1x16xf32>,
        %get3A_405 = vector.shape_cast %get3A_404 : vector<1x16xf32> to vector<16xf32>
        %add3A_406 = arith.addf %while3A_368, %get3A_405 : vector<16xf32>
        scf.yield %add3A_385, %add3A_392, %add3A_399, %add3A_406 : vector<16xf32>, vector<16xf32>, vector<16xf32>, vector<16xf32>
      }
      %sub3A_268 = arith.constant 56 : i32
      %sub3A_269 = arith.subi %squeeze3A_242, %sub3A_268 : i32
      %jit3A_270 = arith.constant 0 : i32
      %jit3A_271 = arith.constant 48 : i32
      %max3A_272 = arith.maxsi %jit3A_270, %sub3A_269 : i32
      %min3A_273 = arith.minsi %jit3A_271, %max3A_272 : i32
      %while3A_274 = arith.constant 0 : i32
      %while3A_275 = arith.subi %min3A_273, %while3A_274 : i32
      %while3A_276 = arith.addi %while3A_274, %while3A_275 : i32
      %while3A_277 = arith.constant 1 : i32
      %while3A_278 = arith.divsi %while3A_275, %while3A_277 : i32
      %while3A_279 = arith.muli %while3A_278, %while3A_277 : i32
      %while3A_280 = arith.addi %while3A_274, %while3A_279 : i32
      %while3A_281 = arith.constant 1 : i32
      %while3A_282:4 = scf.for %while3A_364 = %while3A_274 to %while3A_280 step %while3A_281 iter_args(%while3A_365 = %while3A_267#0, %while3A_366 = %while3A_267#1, %while3A_367 = %while3A_267#2, %while3A_368 = %while3A_267#3) -> (vector<16xf32>, vector<16xf32>, vector<16xf32>, vector<16xf32>)  : i32 {
        %mul3A_369 = arith.constant 200 : i32
        %mul3A_370 = arith.muli %add3A_202, %mul3A_369 : i32
        %add3A_371 = arith.constant 56 : i32
        %add3A_372 = arith.addi %mul3A_370, %add3A_371 : i32
        %add3A_373 = arith.addi %add3A_372, %while3A_364 : i32
        %get3A_374 = arith.index_cast %add3A_373 : i32 to index
        %get3A_375 = tpu.vector_load %arg8[%get3A_374] {strides = array<i32>} : memref<25616xi32, #tpu.memory_space<vmem>>, vector<16xi32>,
        %get3A_376 = vector.shape_cast %get3A_375 : vector<16xi32> to vector<16xi32>
        %slice3A_377 = vector.extract_strided_slice %get3A_376 {offsets = [0], sizes = [1], strides = [1]} : vector<16xi32> to vector<1xi32>
        %squeeze3A_378 = vector.extract %slice3A_377[0] : i32 from vector<1xi32>
        %add3A_379 = arith.constant 0 : i32
        %add3A_380 = arith.addi %squeeze3A_378, %add3A_379 : i32
        %get3A_381 = arith.index_cast %while3A_364 : i32 to index
        %get3A_382 = arith.index_cast %add3A_380 : i32 to index
        %get3A_383 = tpu.vector_load %arg17[%get3A_381, %get3A_382] {strides = array<i32>} : memref<48x128xf32, #tpu.memory_space<vmem>>, vector<1x16xf32>,
        %get3A_384 = vector.shape_cast %get3A_383 : vector<1x16xf32> to vector<16xf32>
        %add3A_385 = arith.addf %while3A_365, %get3A_384 : vector<16xf32>
        %add3A_386 = arith.constant 16 : i32
        %add3A_387 = arith.addi %squeeze3A_378, %add3A_386 : i32
        %get3A_388 = arith.index_cast %while3A_364 : i32 to index
        %get3A_389 = arith.index_cast %add3A_387 : i32 to index
        %get3A_390 = tpu.vector_load %arg17[%get3A_388, %get3A_389] {strides = array<i32>} : memref<48x128xf32, #tpu.memory_space<vmem>>, vector<1x16xf32>,
        %get3A_391 = vector.shape_cast %get3A_390 : vector<1x16xf32> to vector<16xf32>
        %add3A_392 = arith.addf %while3A_366, %get3A_391 : vector<16xf32>
        %add3A_393 = arith.constant 32 : i32
        %add3A_394 = arith.addi %squeeze3A_378, %add3A_393 : i32
        %get3A_395 = arith.index_cast %while3A_364 : i32 to index
        %get3A_396 = arith.index_cast %add3A_394 : i32 to index
        %get3A_397 = tpu.vector_load %arg17[%get3A_395, %get3A_396] {strides = array<i32>} : memref<48x128xf32, #tpu.memory_space<vmem>>, vector<1x16xf32>,
        %get3A_398 = vector.shape_cast %get3A_397 : vector<1x16xf32> to vector<16xf32>
        %add3A_399 = arith.addf %while3A_367, %get3A_398 : vector<16xf32>
        %add3A_400 = arith.constant 48 : i32
        %add3A_401 = arith.addi %squeeze3A_378, %add3A_400 : i32
        %get3A_402 = arith.index_cast %while3A_364 : i32 to index
        %get3A_403 = arith.index_cast %add3A_401 : i32 to index
        %get3A_404 = tpu.vector_load %arg17[%get3A_402, %get3A_403] {strides = array<i32>} : memref<48x128xf32, #tpu.memory_space<vmem>>, vector<1x16xf32>,
        %get3A_405 = vector.shape_cast %get3A_404 : vector<1x16xf32> to vector<16xf32>
        %add3A_406 = arith.addf %while3A_368, %get3A_405 : vector<16xf32>
        scf.yield %add3A_385, %add3A_392, %add3A_399, %add3A_406 : vector<16xf32>, vector<16xf32>, vector<16xf32>, vector<16xf32>
      }
      %while3A_283 = arith.constant 1 : i32
      %while3A_284:4 = scf.for %while3A_364 = %while3A_280 to %while3A_276 step %while3A_283 iter_args(%while3A_365 = %while3A_282#0, %while3A_366 = %while3A_282#1, %while3A_367 = %while3A_282#2, %while3A_368 = %while3A_282#3) -> (vector<16xf32>, vector<16xf32>, vector<16xf32>, vector<16xf32>)  : i32 {
        %mul3A_369 = arith.constant 200 : i32
        %mul3A_370 = arith.muli %add3A_202, %mul3A_369 : i32
        %add3A_371 = arith.constant 56 : i32
        %add3A_372 = arith.addi %mul3A_370, %add3A_371 : i32
        %add3A_373 = arith.addi %add3A_372, %while3A_364 : i32
        %get3A_374 = arith.index_cast %add3A_373 : i32 to index
        %get3A_375 = tpu.vector_load %arg8[%get3A_374] {strides = array<i32>} : memref<25616xi32, #tpu.memory_space<vmem>>, vector<16xi32>,
        %get3A_376 = vector.shape_cast %get3A_375 : vector<16xi32> to vector<16xi32>
        %slice3A_377 = vector.extract_strided_slice %get3A_376 {offsets = [0], sizes = [1], strides = [1]} : vector<16xi32> to vector<1xi32>
        %squeeze3A_378 = vector.extract %slice3A_377[0] : i32 from vector<1xi32>
        %add3A_379 = arith.constant 0 : i32
        %add3A_380 = arith.addi %squeeze3A_378, %add3A_379 : i32
        %get3A_381 = arith.index_cast %while3A_364 : i32 to index
        %get3A_382 = arith.index_cast %add3A_380 : i32 to index
        %get3A_383 = tpu.vector_load %arg17[%get3A_381, %get3A_382] {strides = array<i32>} : memref<48x128xf32, #tpu.memory_space<vmem>>, vector<1x16xf32>,
        %get3A_384 = vector.shape_cast %get3A_383 : vector<1x16xf32> to vector<16xf32>
        %add3A_385 = arith.addf %while3A_365, %get3A_384 : vector<16xf32>
        %add3A_386 = arith.constant 16 : i32
        %add3A_387 = arith.addi %squeeze3A_378, %add3A_386 : i32
        %get3A_388 = arith.index_cast %while3A_364 : i32 to index
        %get3A_389 = arith.index_cast %add3A_387 : i32 to index
        %get3A_390 = tpu.vector_load %arg17[%get3A_388, %get3A_389] {strides = array<i32>} : memref<48x128xf32, #tpu.memory_space<vmem>>, vector<1x16xf32>,
        %get3A_391 = vector.shape_cast %get3A_390 : vector<1x16xf32> to vector<16xf32>
        %add3A_392 = arith.addf %while3A_366, %get3A_391 : vector<16xf32>
        %add3A_393 = arith.constant 32 : i32
        %add3A_394 = arith.addi %squeeze3A_378, %add3A_393 : i32
        %get3A_395 = arith.index_cast %while3A_364 : i32 to index
        %get3A_396 = arith.index_cast %add3A_394 : i32 to index
        %get3A_397 = tpu.vector_load %arg17[%get3A_395, %get3A_396] {strides = array<i32>} : memref<48x128xf32, #tpu.memory_space<vmem>>, vector<1x16xf32>,
        %get3A_398 = vector.shape_cast %get3A_397 : vector<1x16xf32> to vector<16xf32>
        %add3A_399 = arith.addf %while3A_367, %get3A_398 : vector<16xf32>
        %add3A_400 = arith.constant 48 : i32
        %add3A_401 = arith.addi %squeeze3A_378, %add3A_400 : i32
        %get3A_402 = arith.index_cast %while3A_364 : i32 to index
        %get3A_403 = arith.index_cast %add3A_401 : i32 to index
        %get3A_404 = tpu.vector_load %arg17[%get3A_402, %get3A_403] {strides = array<i32>} : memref<48x128xf32, #tpu.memory_space<vmem>>, vector<1x16xf32>,
        %get3A_405 = vector.shape_cast %get3A_404 : vector<1x16xf32> to vector<16xf32>
        %add3A_406 = arith.addf %while3A_368, %get3A_405 : vector<16xf32>
        scf.yield %add3A_385, %add3A_392, %add3A_399, %add3A_406 : vector<16xf32>, vector<16xf32>, vector<16xf32>, vector<16xf32>
      }
      %sub3A_285 = arith.constant 104 : i32
      %sub3A_286 = arith.subi %squeeze3A_242, %sub3A_285 : i32
      %jit3A_287 = arith.constant 0 : i32
      %jit3A_288 = arith.constant 48 : i32
      %max3A_289 = arith.maxsi %jit3A_287, %sub3A_286 : i32
      %min3A_290 = arith.minsi %jit3A_288, %max3A_289 : i32
      %while3A_291 = arith.constant 0 : i32
      %while3A_292 = arith.subi %min3A_290, %while3A_291 : i32
      %while3A_293 = arith.addi %while3A_291, %while3A_292 : i32
      %while3A_294 = arith.constant 1 : i32
      %while3A_295 = arith.divsi %while3A_292, %while3A_294 : i32
      %while3A_296 = arith.muli %while3A_295, %while3A_294 : i32
      %while3A_297 = arith.addi %while3A_291, %while3A_296 : i32
      %while3A_298 = arith.constant 1 : i32
      %while3A_299:4 = scf.for %while3A_364 = %while3A_291 to %while3A_297 step %while3A_298 iter_args(%while3A_365 = %while3A_284#0, %while3A_366 = %while3A_284#1, %while3A_367 = %while3A_284#2, %while3A_368 = %while3A_284#3) -> (vector<16xf32>, vector<16xf32>, vector<16xf32>, vector<16xf32>)  : i32 {
        %mul3A_369 = arith.constant 200 : i32
        %mul3A_370 = arith.muli %add3A_202, %mul3A_369 : i32
        %add3A_371 = arith.constant 104 : i32
        %add3A_372 = arith.addi %mul3A_370, %add3A_371 : i32
        %add3A_373 = arith.addi %add3A_372, %while3A_364 : i32
        %get3A_374 = arith.index_cast %add3A_373 : i32 to index
        %get3A_375 = tpu.vector_load %arg8[%get3A_374] {strides = array<i32>} : memref<25616xi32, #tpu.memory_space<vmem>>, vector<16xi32>,
        %get3A_376 = vector.shape_cast %get3A_375 : vector<16xi32> to vector<16xi32>
        %slice3A_377 = vector.extract_strided_slice %get3A_376 {offsets = [0], sizes = [1], strides = [1]} : vector<16xi32> to vector<1xi32>
        %squeeze3A_378 = vector.extract %slice3A_377[0] : i32 from vector<1xi32>
        %add3A_379 = arith.constant 0 : i32
        %add3A_380 = arith.addi %squeeze3A_378, %add3A_379 : i32
        %get3A_381 = arith.index_cast %while3A_364 : i32 to index
        %get3A_382 = arith.index_cast %add3A_380 : i32 to index
        %get3A_383 = tpu.vector_load %arg18[%get3A_381, %get3A_382] {strides = array<i32>} : memref<48x128xf32, #tpu.memory_space<vmem>>, vector<1x16xf32>,
        %get3A_384 = vector.shape_cast %get3A_383 : vector<1x16xf32> to vector<16xf32>
        %add3A_385 = arith.addf %while3A_365, %get3A_384 : vector<16xf32>
        %add3A_386 = arith.constant 16 : i32
        %add3A_387 = arith.addi %squeeze3A_378, %add3A_386 : i32
        %get3A_388 = arith.index_cast %while3A_364 : i32 to index
        %get3A_389 = arith.index_cast %add3A_387 : i32 to index
        %get3A_390 = tpu.vector_load %arg18[%get3A_388, %get3A_389] {strides = array<i32>} : memref<48x128xf32, #tpu.memory_space<vmem>>, vector<1x16xf32>,
        %get3A_391 = vector.shape_cast %get3A_390 : vector<1x16xf32> to vector<16xf32>
        %add3A_392 = arith.addf %while3A_366, %get3A_391 : vector<16xf32>
        %add3A_393 = arith.constant 32 : i32
        %add3A_394 = arith.addi %squeeze3A_378, %add3A_393 : i32
        %get3A_395 = arith.index_cast %while3A_364 : i32 to index
        %get3A_396 = arith.index_cast %add3A_394 : i32 to index
        %get3A_397 = tpu.vector_load %arg18[%get3A_395, %get3A_396] {strides = array<i32>} : memref<48x128xf32, #tpu.memory_space<vmem>>, vector<1x16xf32>,
        %get3A_398 = vector.shape_cast %get3A_397 : vector<1x16xf32> to vector<16xf32>
        %add3A_399 = arith.addf %while3A_367, %get3A_398 : vector<16xf32>
        %add3A_400 = arith.constant 48 : i32
        %add3A_401 = arith.addi %squeeze3A_378, %add3A_400 : i32
        %get3A_402 = arith.index_cast %while3A_364 : i32 to index
        %get3A_403 = arith.index_cast %add3A_401 : i32 to index
        %get3A_404 = tpu.vector_load %arg18[%get3A_402, %get3A_403] {strides = array<i32>} : memref<48x128xf32, #tpu.memory_space<vmem>>, vector<1x16xf32>,
        %get3A_405 = vector.shape_cast %get3A_404 : vector<1x16xf32> to vector<16xf32>
        %add3A_406 = arith.addf %while3A_368, %get3A_405 : vector<16xf32>
        scf.yield %add3A_385, %add3A_392, %add3A_399, %add3A_406 : vector<16xf32>, vector<16xf32>, vector<16xf32>, vector<16xf32>
      }
      %while3A_300 = arith.constant 1 : i32
      %while3A_301:4 = scf.for %while3A_364 = %while3A_297 to %while3A_293 step %while3A_300 iter_args(%while3A_365 = %while3A_299#0, %while3A_366 = %while3A_299#1, %while3A_367 = %while3A_299#2, %while3A_368 = %while3A_299#3) -> (vector<16xf32>, vector<16xf32>, vector<16xf32>, vector<16xf32>)  : i32 {
        %mul3A_369 = arith.constant 200 : i32
        %mul3A_370 = arith.muli %add3A_202, %mul3A_369 : i32
        %add3A_371 = arith.constant 104 : i32
        %add3A_372 = arith.addi %mul3A_370, %add3A_371 : i32
        %add3A_373 = arith.addi %add3A_372, %while3A_364 : i32
        %get3A_374 = arith.index_cast %add3A_373 : i32 to index
        %get3A_375 = tpu.vector_load %arg8[%get3A_374] {strides = array<i32>} : memref<25616xi32, #tpu.memory_space<vmem>>, vector<16xi32>,
        %get3A_376 = vector.shape_cast %get3A_375 : vector<16xi32> to vector<16xi32>
        %slice3A_377 = vector.extract_strided_slice %get3A_376 {offsets = [0], sizes = [1], strides = [1]} : vector<16xi32> to vector<1xi32>
        %squeeze3A_378 = vector.extract %slice3A_377[0] : i32 from vector<1xi32>
        %add3A_379 = arith.constant 0 : i32
        %add3A_380 = arith.addi %squeeze3A_378, %add3A_379 : i32
        %get3A_381 = arith.index_cast %while3A_364 : i32 to index
        %get3A_382 = arith.index_cast %add3A_380 : i32 to index
        %get3A_383 = tpu.vector_load %arg18[%get3A_381, %get3A_382] {strides = array<i32>} : memref<48x128xf32, #tpu.memory_space<vmem>>, vector<1x16xf32>,
        %get3A_384 = vector.shape_cast %get3A_383 : vector<1x16xf32> to vector<16xf32>
        %add3A_385 = arith.addf %while3A_365, %get3A_384 : vector<16xf32>
        %add3A_386 = arith.constant 16 : i32
        %add3A_387 = arith.addi %squeeze3A_378, %add3A_386 : i32
        %get3A_388 = arith.index_cast %while3A_364 : i32 to index
        %get3A_389 = arith.index_cast %add3A_387 : i32 to index
        %get3A_390 = tpu.vector_load %arg18[%get3A_388, %get3A_389] {strides = array<i32>} : memref<48x128xf32, #tpu.memory_space<vmem>>, vector<1x16xf32>,
        %get3A_391 = vector.shape_cast %get3A_390 : vector<1x16xf32> to vector<16xf32>
        %add3A_392 = arith.addf %while3A_366, %get3A_391 : vector<16xf32>
        %add3A_393 = arith.constant 32 : i32
        %add3A_394 = arith.addi %squeeze3A_378, %add3A_393 : i32
        %get3A_395 = arith.index_cast %while3A_364 : i32 to index
        %get3A_396 = arith.index_cast %add3A_394 : i32 to index
        %get3A_397 = tpu.vector_load %arg18[%get3A_395, %get3A_396] {strides = array<i32>} : memref<48x128xf32, #tpu.memory_space<vmem>>, vector<1x16xf32>,
        %get3A_398 = vector.shape_cast %get3A_397 : vector<1x16xf32> to vector<16xf32>
        %add3A_399 = arith.addf %while3A_367, %get3A_398 : vector<16xf32>
        %add3A_400 = arith.constant 48 : i32
        %add3A_401 = arith.addi %squeeze3A_378, %add3A_400 : i32
        %get3A_402 = arith.index_cast %while3A_364 : i32 to index
        %get3A_403 = arith.index_cast %add3A_401 : i32 to index
        %get3A_404 = tpu.vector_load %arg18[%get3A_402, %get3A_403] {strides = array<i32>} : memref<48x128xf32, #tpu.memory_space<vmem>>, vector<1x16xf32>,
        %get3A_405 = vector.shape_cast %get3A_404 : vector<1x16xf32> to vector<16xf32>
        %add3A_406 = arith.addf %while3A_368, %get3A_405 : vector<16xf32>
        scf.yield %add3A_385, %add3A_392, %add3A_399, %add3A_406 : vector<16xf32>, vector<16xf32>, vector<16xf32>, vector<16xf32>
      }
      %sub3A_302 = arith.constant 152 : i32
      %sub3A_303 = arith.subi %squeeze3A_242, %sub3A_302 : i32
      %jit3A_304 = arith.constant 0 : i32
      %jit3A_305 = arith.constant 48 : i32
      %max3A_306 = arith.maxsi %jit3A_304, %sub3A_303 : i32
      %min3A_307 = arith.minsi %jit3A_305, %max3A_306 : i32
      %while3A_308 = arith.constant 0 : i32
      %while3A_309 = arith.subi %min3A_307, %while3A_308 : i32
      %while3A_310 = arith.addi %while3A_308, %while3A_309 : i32
      %while3A_311 = arith.constant 1 : i32
      %while3A_312 = arith.divsi %while3A_309, %while3A_311 : i32
      %while3A_313 = arith.muli %while3A_312, %while3A_311 : i32
      %while3A_314 = arith.addi %while3A_308, %while3A_313 : i32
      %while3A_315 = arith.constant 1 : i32
      %while3A_316:4 = scf.for %while3A_364 = %while3A_308 to %while3A_314 step %while3A_315 iter_args(%while3A_365 = %while3A_301#0, %while3A_366 = %while3A_301#1, %while3A_367 = %while3A_301#2, %while3A_368 = %while3A_301#3) -> (vector<16xf32>, vector<16xf32>, vector<16xf32>, vector<16xf32>)  : i32 {
        %mul3A_369 = arith.constant 200 : i32
        %mul3A_370 = arith.muli %add3A_202, %mul3A_369 : i32
        %add3A_371 = arith.constant 152 : i32
        %add3A_372 = arith.addi %mul3A_370, %add3A_371 : i32
        %add3A_373 = arith.addi %add3A_372, %while3A_364 : i32
        %get3A_374 = arith.index_cast %add3A_373 : i32 to index
        %get3A_375 = tpu.vector_load %arg8[%get3A_374] {strides = array<i32>} : memref<25616xi32, #tpu.memory_space<vmem>>, vector<16xi32>,
        %get3A_376 = vector.shape_cast %get3A_375 : vector<16xi32> to vector<16xi32>
        %slice3A_377 = vector.extract_strided_slice %get3A_376 {offsets = [0], sizes = [1], strides = [1]} : vector<16xi32> to vector<1xi32>
        %squeeze3A_378 = vector.extract %slice3A_377[0] : i32 from vector<1xi32>
        %add3A_379 = arith.constant 0 : i32
        %add3A_380 = arith.addi %squeeze3A_378, %add3A_379 : i32
        %get3A_381 = arith.index_cast %while3A_364 : i32 to index
        %get3A_382 = arith.index_cast %add3A_380 : i32 to index
        %get3A_383 = tpu.vector_load %arg19[%get3A_381, %get3A_382] {strides = array<i32>} : memref<48x128xf32, #tpu.memory_space<vmem>>, vector<1x16xf32>,
        %get3A_384 = vector.shape_cast %get3A_383 : vector<1x16xf32> to vector<16xf32>
        %add3A_385 = arith.addf %while3A_365, %get3A_384 : vector<16xf32>
        %add3A_386 = arith.constant 16 : i32
        %add3A_387 = arith.addi %squeeze3A_378, %add3A_386 : i32
        %get3A_388 = arith.index_cast %while3A_364 : i32 to index
        %get3A_389 = arith.index_cast %add3A_387 : i32 to index
        %get3A_390 = tpu.vector_load %arg19[%get3A_388, %get3A_389] {strides = array<i32>} : memref<48x128xf32, #tpu.memory_space<vmem>>, vector<1x16xf32>,
        %get3A_391 = vector.shape_cast %get3A_390 : vector<1x16xf32> to vector<16xf32>
        %add3A_392 = arith.addf %while3A_366, %get3A_391 : vector<16xf32>
        %add3A_393 = arith.constant 32 : i32
        %add3A_394 = arith.addi %squeeze3A_378, %add3A_393 : i32
        %get3A_395 = arith.index_cast %while3A_364 : i32 to index
        %get3A_396 = arith.index_cast %add3A_394 : i32 to index
        %get3A_397 = tpu.vector_load %arg19[%get3A_395, %get3A_396] {strides = array<i32>} : memref<48x128xf32, #tpu.memory_space<vmem>>, vector<1x16xf32>,
        %get3A_398 = vector.shape_cast %get3A_397 : vector<1x16xf32> to vector<16xf32>
        %add3A_399 = arith.addf %while3A_367, %get3A_398 : vector<16xf32>
        %add3A_400 = arith.constant 48 : i32
        %add3A_401 = arith.addi %squeeze3A_378, %add3A_400 : i32
        %get3A_402 = arith.index_cast %while3A_364 : i32 to index
        %get3A_403 = arith.index_cast %add3A_401 : i32 to index
        %get3A_404 = tpu.vector_load %arg19[%get3A_402, %get3A_403] {strides = array<i32>} : memref<48x128xf32, #tpu.memory_space<vmem>>, vector<1x16xf32>,
        %get3A_405 = vector.shape_cast %get3A_404 : vector<1x16xf32> to vector<16xf32>
        %add3A_406 = arith.addf %while3A_368, %get3A_405 : vector<16xf32>
        scf.yield %add3A_385, %add3A_392, %add3A_399, %add3A_406 : vector<16xf32>, vector<16xf32>, vector<16xf32>, vector<16xf32>
      }
      %while3A_317 = arith.constant 1 : i32
      %while3A_318:4 = scf.for %while3A_364 = %while3A_314 to %while3A_310 step %while3A_317 iter_args(%while3A_365 = %while3A_316#0, %while3A_366 = %while3A_316#1, %while3A_367 = %while3A_316#2, %while3A_368 = %while3A_316#3) -> (vector<16xf32>, vector<16xf32>, vector<16xf32>, vector<16xf32>)  : i32 {
        %mul3A_369 = arith.constant 200 : i32
        %mul3A_370 = arith.muli %add3A_202, %mul3A_369 : i32
        %add3A_371 = arith.constant 152 : i32
        %add3A_372 = arith.addi %mul3A_370, %add3A_371 : i32
        %add3A_373 = arith.addi %add3A_372, %while3A_364 : i32
        %get3A_374 = arith.index_cast %add3A_373 : i32 to index
        %get3A_375 = tpu.vector_load %arg8[%get3A_374] {strides = array<i32>} : memref<25616xi32, #tpu.memory_space<vmem>>, vector<16xi32>,
        %get3A_376 = vector.shape_cast %get3A_375 : vector<16xi32> to vector<16xi32>
        %slice3A_377 = vector.extract_strided_slice %get3A_376 {offsets = [0], sizes = [1], strides = [1]} : vector<16xi32> to vector<1xi32>
        %squeeze3A_378 = vector.extract %slice3A_377[0] : i32 from vector<1xi32>
        %add3A_379 = arith.constant 0 : i32
        %add3A_380 = arith.addi %squeeze3A_378, %add3A_379 : i32
        %get3A_381 = arith.index_cast %while3A_364 : i32 to index
        %get3A_382 = arith.index_cast %add3A_380 : i32 to index
        %get3A_383 = tpu.vector_load %arg19[%get3A_381, %get3A_382] {strides = array<i32>} : memref<48x128xf32, #tpu.memory_space<vmem>>, vector<1x16xf32>,
        %get3A_384 = vector.shape_cast %get3A_383 : vector<1x16xf32> to vector<16xf32>
        %add3A_385 = arith.addf %while3A_365, %get3A_384 : vector<16xf32>
        %add3A_386 = arith.constant 16 : i32
        %add3A_387 = arith.addi %squeeze3A_378, %add3A_386 : i32
        %get3A_388 = arith.index_cast %while3A_364 : i32 to index
        %get3A_389 = arith.index_cast %add3A_387 : i32 to index
        %get3A_390 = tpu.vector_load %arg19[%get3A_388, %get3A_389] {strides = array<i32>} : memref<48x128xf32, #tpu.memory_space<vmem>>, vector<1x16xf32>,
        %get3A_391 = vector.shape_cast %get3A_390 : vector<1x16xf32> to vector<16xf32>
        %add3A_392 = arith.addf %while3A_366, %get3A_391 : vector<16xf32>
        %add3A_393 = arith.constant 32 : i32
        %add3A_394 = arith.addi %squeeze3A_378, %add3A_393 : i32
        %get3A_395 = arith.index_cast %while3A_364 : i32 to index
        %get3A_396 = arith.index_cast %add3A_394 : i32 to index
        %get3A_397 = tpu.vector_load %arg19[%get3A_395, %get3A_396] {strides = array<i32>} : memref<48x128xf32, #tpu.memory_space<vmem>>, vector<1x16xf32>,
        %get3A_398 = vector.shape_cast %get3A_397 : vector<1x16xf32> to vector<16xf32>
        %add3A_399 = arith.addf %while3A_367, %get3A_398 : vector<16xf32>
        %add3A_400 = arith.constant 48 : i32
        %add3A_401 = arith.addi %squeeze3A_378, %add3A_400 : i32
        %get3A_402 = arith.index_cast %while3A_364 : i32 to index
        %get3A_403 = arith.index_cast %add3A_401 : i32 to index
        %get3A_404 = tpu.vector_load %arg19[%get3A_402, %get3A_403] {strides = array<i32>} : memref<48x128xf32, #tpu.memory_space<vmem>>, vector<1x16xf32>,
        %get3A_405 = vector.shape_cast %get3A_404 : vector<1x16xf32> to vector<16xf32>
        %add3A_406 = arith.addf %while3A_368, %get3A_405 : vector<16xf32>
        scf.yield %add3A_385, %add3A_392, %add3A_399, %add3A_406 : vector<16xf32>, vector<16xf32>, vector<16xf32>, vector<16xf32>
      }
      %get3A_319 = arith.index_cast %add3A_202 : i32 to index
      %get3A_320 = tpu.vector_load %arg10[%get3A_319] {strides = array<i32>} : memref<144xf32, #tpu.memory_space<vmem>>, vector<16xf32>,
      %get3A_321 = vector.shape_cast %get3A_320 : vector<16xf32> to vector<16xf32>
      %slice3A_322 = vector.extract_strided_slice %get3A_321 {offsets = [0], sizes = [1], strides = [1]} : vector<16xf32> to vector<1xf32>
      %squeeze3A_323 = vector.extract %slice3A_322[0] : f32 from vector<1xf32>
      %mul3A_324 = vector.broadcast %squeeze3A_323 : f32 to vector<16xf32>
      %mul3A_325 = arith.mulf %while3A_318#0, %mul3A_324 : vector<16xf32>
      %mul3A_326 = arith.constant 64 : i32
      %mul3A_327 = arith.muli %add3A_202, %mul3A_326 : i32
      %add3A_328 = arith.constant 0 : i32
      %add3A_329 = arith.addi %mul3A_327, %add3A_328 : i32
      %swap3A_330 = arith.index_cast %add3A_329 : i32 to index
      %swap3A_331 = tpu.vector_load %arg11[%swap3A_330] {strides = array<i32>} : memref<8192xf32, #tpu.memory_space<vmem>>, vector<16xf32>,
      %swap3A_332 = vector.shape_cast %swap3A_331 : vector<16xf32> to vector<16xf32>
      %swap3A_333 = vector.shape_cast %mul3A_325 : vector<16xf32> to vector<16xf32>
      tpu.vector_store %arg11[%swap3A_330], %swap3A_333 {strides = array<i32>} : memref<8192xf32, #tpu.memory_space<vmem>>, vector<16xf32>,
      %mul3A_334 = vector.broadcast %squeeze3A_323 : f32 to vector<16xf32>
      %mul3A_335 = arith.mulf %while3A_318#1, %mul3A_334 : vector<16xf32>
      %mul3A_336 = arith.constant 64 : i32
      %mul3A_337 = arith.muli %add3A_202, %mul3A_336 : i32
      %add3A_338 = arith.constant 16 : i32
      %add3A_339 = arith.addi %mul3A_337, %add3A_338 : i32
      %swap3A_340 = arith.index_cast %add3A_339 : i32 to index
      %swap3A_341 = tpu.vector_load %arg11[%swap3A_340] {strides = array<i32>} : memref<8192xf32, #tpu.memory_space<vmem>>, vector<16xf32>,
      %swap3A_342 = vector.shape_cast %swap3A_341 : vector<16xf32> to vector<16xf32>
      %swap3A_343 = vector.shape_cast %mul3A_335 : vector<16xf32> to vector<16xf32>
      tpu.vector_store %arg11[%swap3A_340], %swap3A_343 {strides = array<i32>} : memref<8192xf32, #tpu.memory_space<vmem>>, vector<16xf32>,
      %mul3A_344 = vector.broadcast %squeeze3A_323 : f32 to vector<16xf32>
      %mul3A_345 = arith.mulf %while3A_318#2, %mul3A_344 : vector<16xf32>
      %mul3A_346 = arith.constant 64 : i32
      %mul3A_347 = arith.muli %add3A_202, %mul3A_346 : i32
      %add3A_348 = arith.constant 32 : i32
      %add3A_349 = arith.addi %mul3A_347, %add3A_348 : i32
      %swap3A_350 = arith.index_cast %add3A_349 : i32 to index
      %swap3A_351 = tpu.vector_load %arg11[%swap3A_350] {strides = array<i32>} : memref<8192xf32, #tpu.memory_space<vmem>>, vector<16xf32>,
      %swap3A_352 = vector.shape_cast %swap3A_351 : vector<16xf32> to vector<16xf32>
      %swap3A_353 = vector.shape_cast %mul3A_345 : vector<16xf32> to vector<16xf32>
      tpu.vector_store %arg11[%swap3A_350], %swap3A_353 {strides = array<i32>} : memref<8192xf32, #tpu.memory_space<vmem>>, vector<16xf32>,
      %mul3A_354 = vector.broadcast %squeeze3A_323 : f32 to vector<16xf32>
      %mul3A_355 = arith.mulf %while3A_318#3, %mul3A_354 : vector<16xf32>
      %mul3A_356 = arith.constant 64 : i32
      %mul3A_357 = arith.muli %add3A_202, %mul3A_356 : i32
      %add3A_358 = arith.constant 48 : i32
      %add3A_359 = arith.addi %mul3A_357, %add3A_358 : i32
      %swap3A_360 = arith.index_cast %add3A_359 : i32 to index
      %swap3A_361 = tpu.vector_load %arg11[%swap3A_360] {strides = array<i32>} : memref<8192xf32, #tpu.memory_space<vmem>>, vector<16xf32>,
      %swap3A_362 = vector.shape_cast %swap3A_361 : vector<16xf32> to vector<16xf32>
      %swap3A_363 = vector.shape_cast %mul3A_355 : vector<16xf32> to vector<16xf32>
      tpu.vector_store %arg11[%swap3A_360], %swap3A_363 {strides = array<i32>} : memref<8192xf32, #tpu.memory_space<vmem>>, vector<16xf32>,
    }
    %scan3A_39 = arith.constant 64 : i32
    %mul3A_40 = arith.constant 64 : i32
    %mul3A_41 = arith.muli %mul3A_2, %mul3A_40 : i32
    "tpu.region"() ({
      %run_scoped3A = tpu.sem_alloc : memref<!tpu.dma_semaphore, #tpu.memory_space<semaphore_mem>>
      %dma_start3A_42 = tpu.memref_slice %arg6[%mul3A_41] : memref<262144xf32, #tpu.memory_space<hbm>> -> memref<8192xf32, #tpu.memory_space<hbm>>
      %dma_start3A_43 = tpu.memref_slice %arg6[%mul3A_41] : memref<262144xf32, #tpu.memory_space<hbm>> -> memref<8192xf32, #tpu.memory_space<hbm>>
      tpu.enqueue_dma source(%arg11 : memref<8192xf32, #tpu.memory_space<vmem>>) target(%dma_start3A_43 : memref<8192xf32, #tpu.memory_space<hbm>>) target_semaphore(%run_scoped3A : memref<!tpu.dma_semaphore, #tpu.memory_space<semaphore_mem>>)
      %dma_wait3A = tpu.memref_slice %arg6[%mul3A_41] : memref<262144xf32, #tpu.memory_space<hbm>> -> memref<8192xf32, #tpu.memory_space<hbm>>
      %dma_wait3A_44 = tpu.memref_slice %arg6[%mul3A_41] : memref<262144xf32, #tpu.memory_space<hbm>> -> memref<8192xf32, #tpu.memory_space<hbm>>
      tpu.wait_dma2 semaphore(%run_scoped3A : memref<!tpu.dma_semaphore, #tpu.memory_space<semaphore_mem>>) src(%arg11 : memref<8192xf32, #tpu.memory_space<vmem>>) dst(%dma_wait3A_44 : memref<8192xf32, #tpu.memory_space<hbm>>)
      tpu.yield
    }) : () -> ()
    return
  }
}

module attributes {stable_mosaic.version = 14 : i64} {
  func.func @_pack_kernel(%arg0: i32, %arg1: memref<64x8192xf32, #tpu.memory_space<vmem>>, %arg2: memref<64x8192xf32, #tpu.memory_space<vmem>>, %arg3: memref<8192x128xf32, #tpu.memory_space<vmem>>) attributes {dimension_semantics = [#tpu.dimension_semantics<parallel>], iteration_bounds = array<i64: 62>, scalar_prefetch = 0 : i64, scratch_operands = 0 : i64, tpu.core_type = #tpu.core_type<tc>, window_params = [{transform_indices = @transform_0, window_bounds = array<i64: 64, 8192>}, {transform_indices = @transform_1, window_bounds = array<i64: 64, 8192>}, {transform_indices = @transform_2, window_bounds = array<i64: 8192, 128>}]} {
    %iota3A = tpu.iota {dimensions = array<i32: 0>} : vector<64x64xi32>
    %iota3A_0 = tpu.iota {dimensions = array<i32: 1>} : vector<64x64xi32>
    %eq3A = arith.cmpi eq, %iota3A, %iota3A_0 : vector<64x64xi32>
    %convert_element_type3A = arith.extui %eq3A : vector<64x64xi1> to vector<64x64xi32>
    %convert_element_type3A_1 = arith.sitofp %convert_element_type3A : vector<64x64xi32> to vector<64x64xf32>
    %get3A = arith.constant 0 : index
    %get3A_2 = arith.constant 0 : index
    %get3A_3 = vector.load %arg1[%get3A, %get3A_2] : memref<64x8192xf32, #tpu.memory_space<vmem>>, vector<64x8192xf32>
    %dot_general3A = arith.constant dense<0.000000e+00> : vector<8192x64xf32>
    %dot_general3A_4 = tpu.matmul %get3A_3, %convert_element_type3A_1, %dot_general3A {dimension_numbers = #tpu.dot_dimension_numbers<[0], [0], [1], [1], [0, 1, 1, 1], [], []>, transpose_lhs_hint = false} : vector<64x8192xf32>, vector<64x64xf32>, vector<8192x64xf32> -> vector<8192x64xf32>
    %get3A_5 = arith.constant 0 : index
    %get3A_6 = arith.constant 0 : index
    %get3A_7 = vector.load %arg2[%get3A_5, %get3A_6] : memref<64x8192xf32, #tpu.memory_space<vmem>>, vector<64x8192xf32>
    %dot_general3A_8 = arith.constant dense<0.000000e+00> : vector<8192x64xf32>
    %dot_general3A_9 = tpu.matmul %get3A_7, %convert_element_type3A_1, %dot_general3A_8 {dimension_numbers = #tpu.dot_dimension_numbers<[0], [0], [1], [1], [0, 1, 1, 1], [], []>, transpose_lhs_hint = false} : vector<64x8192xf32>, vector<64x64xf32>, vector<8192x64xf32> -> vector<8192x64xf32>
    %concatenate3A = tpu.concatenate %dot_general3A_4, %dot_general3A_9 in 1 : vector<8192x64xf32>, vector<8192x64xf32> -> vector<8192x128xf32>
    %swap3A = arith.constant 0 : index
    %swap3A_10 = arith.constant 0 : index
    %swap3A_11 = vector.load %arg3[%swap3A, %swap3A_10] : memref<8192x128xf32, #tpu.memory_space<vmem>>, vector<8192x128xf32>
    tpu.vector_store %arg3[%swap3A, %swap3A_10], %concatenate3A {strides = array<i32>} : memref<8192x128xf32, #tpu.memory_space<vmem>>, vector<8192x128xf32>,
    return
  }
  func.func @transform_0(%arg0: i32) -> (i32, i32) {
    %c0_i32 = arith.constant 0 : i32
    %c0_i32_0 = arith.constant 0 : i32
    return %c0_i32, %arg0 : i32, i32
  }
  func.func @transform_1(%arg0: i32) -> (i32, i32) {
    %add3A = arith.constant 62 : i32
    %add3A_0 = arith.addi %arg0, %add3A : i32
    %min3A = arith.constant 122 : i32
    %min3A_1 = arith.minsi %add3A_0, %min3A : i32
    %c0_i32 = arith.constant 0 : i32
    %c0_i32_2 = arith.constant 0 : i32
    return %c0_i32, %min3A_1 : i32, i32
  }
  func.func @transform_2(%arg0: i32) -> (i32, i32) {
    %c0_i32 = arith.constant 0 : i32
    %c0_i32_0 = arith.constant 0 : i32
    return %arg0, %c0_i32 : i32, i32
  }
}

module attributes {stable_mosaic.version = 14 : i64} {
  func.func @_mlp_kernel(%arg0: memref<4096x64xf32, #tpu.memory_space<vmem>>, %arg1: memref<32x64xf32, #tpu.memory_space<vmem>>, %arg2: memref<1x32xf32, #tpu.memory_space<vmem>>, %arg3: memref<2x32xf32, #tpu.memory_space<vmem>>, %arg4: memref<1x2xf32, #tpu.memory_space<vmem>>, %arg5: memref<4096x2xf32, #tpu.memory_space<vmem>>) attributes {dimension_semantics = [], scalar_prefetch = 0 : i64, scratch_operands = 0 : i64, tpu.core_type = #tpu.core_type<tc>} {
    %get3A = arith.constant 0 : index
    %get3A_0 = arith.constant 0 : index
    %get3A_1 = vector.load %arg0[%get3A, %get3A_0] : memref<4096x64xf32, #tpu.memory_space<vmem>>, vector<4096x64xf32>
    %get3A_2 = arith.constant 0 : index
    %get3A_3 = arith.constant 0 : index
    %get3A_4 = vector.load %arg1[%get3A_2, %get3A_3] : memref<32x64xf32, #tpu.memory_space<vmem>>, vector<32x64xf32>
    %dot_general3A = arith.constant dense<0.000000e+00> : vector<4096x32xf32>
    %dot_general3A_5 = tpu.matmul %get3A_1, %get3A_4, %dot_general3A {dimension_numbers = #tpu.dot_dimension_numbers<[1], [1], [0], [0], [0, 0, 1, 0], [], []>, transpose_lhs_hint = false} : vector<4096x64xf32>, vector<32x64xf32>, vector<4096x32xf32> -> vector<4096x32xf32>
    %get3A_6 = arith.constant 0 : index
    %get3A_7 = arith.constant 0 : index
    %get3A_8 = vector.load %arg2[%get3A_6, %get3A_7] : memref<1x32xf32, #tpu.memory_space<vmem>>, vector<1x32xf32>
    %add3A = vector.broadcast %get3A_8 : vector<1x32xf32> to vector<4096x32xf32>
    %add3A_9 = arith.addf %dot_general3A_5, %add3A : vector<4096x32xf32>
    %max3A = arith.constant 0.000000e+00 : f32
    %max3A_10 = vector.broadcast %max3A : f32 to vector<4096x32xf32>
    %max3A_11 = arith.maximumf %add3A_9, %max3A_10 : vector<4096x32xf32>
    %get3A_12 = arith.constant 0 : index
    %get3A_13 = arith.constant 0 : index
    %get3A_14 = vector.load %arg3[%get3A_12, %get3A_13] : memref<2x32xf32, #tpu.memory_space<vmem>>, vector<2x32xf32>
    %dot_general3A_15 = arith.constant dense<0.000000e+00> : vector<4096x2xf32>
    %dot_general3A_16 = tpu.matmul %max3A_11, %get3A_14, %dot_general3A_15 {dimension_numbers = #tpu.dot_dimension_numbers<[1], [1], [0], [0], [0, 0, 1, 0], [], []>, transpose_lhs_hint = false} : vector<4096x32xf32>, vector<2x32xf32>, vector<4096x2xf32> -> vector<4096x2xf32>
    %get3A_17 = arith.constant 0 : index
    %get3A_18 = arith.constant 0 : index
    %get3A_19 = vector.load %arg4[%get3A_17, %get3A_18] : memref<1x2xf32, #tpu.memory_space<vmem>>, vector<1x2xf32>
    %add3A_20 = vector.broadcast %get3A_19 : vector<1x2xf32> to vector<4096x2xf32>
    %add3A_21 = arith.addf %dot_general3A_16, %add3A_20 : vector<4096x2xf32>
    %swap3A = arith.constant 0 : index
    %swap3A_22 = arith.constant 0 : index
    %swap3A_23 = vector.load %arg5[%swap3A, %swap3A_22] : memref<4096x2xf32, #tpu.memory_space<vmem>>, vector<4096x2xf32>
    tpu.vector_store %arg5[%swap3A, %swap3A_22], %add3A_21 {strides = array<i32>} : memref<4096x2xf32, #tpu.memory_space<vmem>>, vector<4096x2xf32>,
    return
  }
}

</mosaic_0001>

<sc_bundles>
// kernel: kernel.5.cloned.1.call-start
scs
__scs_entry_jumppad:
0x0: {  	(pc) =	sbr.rel $0x88, $3  }
0x1: {  	(tag) =	ssettag $0x0;
	lr =	simm.s32 $0x1  }
0x2: {  	[smem:$0x3F9A] =	sst lr;
	_ =	strace $0xD0000000  }
0x3: {  	_ = 	snop  }
0x4: {  	_ = 	snop  }
0x5: {  	_ = 	snop  }
0x6: {  	_ = 	snop  }
0x7: {  	_ = 	snop  }
__scs_overlays_trampoline_lowered:
0x8: {  	[smem:$0x3FA9] =	sst s0  }
0x9: {  	[smem:$0x3FAA] =	sst s1  }
0xa: {  	[smem:$0x3FAB] =	sst s2  }
0xb: {  	[smem:$0x3FAC] =	sst s3  }
0xc: {  	[smem:$0x3FAD] =	sst s4  }
0xd: {  	[smem:$0x3FAE] =	sst s5  }
0xe: {  	[smem:$0x3FAF] =	sst s6  }
0xf: {  	[smem:$0x3FB0] =	sst s7  }
0x10: {  	[smem:$0x3FB1] =	sst s8  }
0x11: {  	[smem:$0x3FB2] =	sst s9;
	s0 =	simm.s32 @!p0 $0x0  }
0x12: {  	s1 =	sld [smem:$0x3F98];
	s0 =	simm.s32 @p0 $0x1  }
0x13: {  	[smem:$0x3FB3] =	sst s0;
	s0 =	simm.s32 @!p1 $0x0  }
0x14: {  	s2 =	sld [smem:$0x3F97];
	s0 =	simm.s32 @p1 $0x1  }
0x15: {  	[smem:$0x3FB4] =	sst s0;
	s0 =	simm.s32 @!p2 $0x0  }
0x16: {  	s3 =	sld [smem:$0x3FDB];
	s0 =	simm.s32 @p2 $0x1  }
0x17: {  	s4 =	simm.s32 $0x1BF5;
	[smem:$0x3FB6] =	sst s0  }
0x18: {  	s0 =	sld [smem:$0x3F99];
	_ =	swait.ge [sflag:s4], $0x0  }
0x19: {  	s7 =	sld [smem:$0x3F9A]  }
0x1a: {  	s8 =	sadd.s32 $0xFFFFE003, lr  }
0x1b: {  	s9 =	sadd.s32 $0xFFFFFEF7, lr;
	s5 =	simm.s32 $0xFFFFFFFF;
	p2 =	slt.u32 s8, $0xFFFFF086  }
0x1c: {  	p1 =	slt.u32 s9, $0xF7A;
	s5 =	simm.s32 @!p2 $0x0  }
0x1d: {  	s5 =	simm.s32 @p1 $0x1;
	p0 =	seq.s32 s7, s2  }
0x1e: {  	s7 =	smul.u32 @!p0 $0xF7A, s2;
	p2 =	seq.s32 @!p0 s5, $0x0  }
0x1f: {  	s9 =	smul.u32 $0xF7A, s1;
	s8 =	simm.s32 @!p0 $0x1BF5;
	p2 =	por !p2, p0  }
0x20: {  	[sflag:s8] =	ssyncset.s32 @!p0 $0xFFFFF086;
	s6 =	sadd.s32 @!p0 s3, s7;
	s7 =	simm.s32 @!p0 $0x108  }
0x21: {  	s3 =	sadd.s32 s3, s9;
	s6 =	sadd.s32 @!p0 $0x88, s6;
	s7 =	simm.s32 @p2 $0x1082  }
0x22: {  	[simem:s7], [sflag:s8] =	dma.local @!p0 [hbm:s6], $0xF7A  }
0x23: {  	s9 =	sor.u32 $0xD0000000, s2;
	s6 =	simm.s32 $0x108;
	_ =	swait.ge @!p0 [sflag:s8], $0x0  }
0x24: {  	s3 =	sadd.s32 $0x88, s3;
	s6 =	simm.s32 @!p1 $0x1082;
	[sflag:s4] =	ssyncset.s32 $0xFFFFF086  }
0x25: {  	[simem:s6], [sflag:s4] =	dma.local [hbm:s3], $0xF7A  }
0x26: {  	[smem:$0x3F9A] =	sst s1;
	(tag) =	ssettag s2;
	_ =	strace s9  }
0x27: {  	s1 =	sld [smem:$0x3FAA]  }
0x28: {  	s2 =	sld [smem:$0x3FAB]  }
0x29: {  	s4 =	sld [smem:$0x3FAD]  }
0x2a: {  	p0 =	seq.s32 s5, $0x0;
	s5 =	sld [smem:$0x3FAE]  }
0x2b: {  	s6 =	sld [smem:$0x3FAF]  }
0x2c: {  	s7 =	sld [smem:$0x3FB0]  }
0x2d: {  	s3 =	simm.s32 $0x108;
	s8 =	sld [smem:$0x3FB1]  }
0x2e: {  	s3 =	simm.s32 @!p0 $0x1082;
	s9 =	sld [smem:$0x3FB2]  }
0x2f: {  	lr =	sadd.s32 s0, s3;
	s0 =	sld [smem:$0x3FA9]  }
0x30: {  	s3 =	sld [smem:$0x3FAC]  }
0x31: {  	[smem:$0x3FB5] =	sst s10  }
0x32: {  	s10 =	sld [smem:$0x3FB3];
	_ =	sdelay $0x3  }
0x33: {  	p0 =	seq.s32 s10, $0x1;
	s10 =	sld [smem:$0x3FB5];
	_ =	sdelay $0x3  }
0x34: {  	[smem:$0x3FB5] =	sst s10  }
0x35: {  	s10 =	sld [smem:$0x3FB4];
	_ =	sdelay $0x3  }
0x36: {  	p1 =	seq.s32 s10, $0x1;
	s10 =	sld [smem:$0x3FB5];
	_ =	sdelay $0x3  }
0x37: {  	[smem:$0x3FB5] =	sst s10  }
0x38: {  	s10 =	sld [smem:$0x3FB6]  }
0x39: {  	_ = 	snop;
	(pc) =	sbr.ind lr, $3  }
0x3a: {  	_ = 	snop  }
0x3b: {  	_ = 	snop  }
0x3c: {  	p2 =	seq.s32 s10, $0x1;
	s10 =	sld [smem:$0x3FB5]  }
0x3d: {  	_ =	shalt  }
0x3e: {  	_ =	shalt  }
0x3f: {  	_ =	shalt  }
0x40: {  	_ =	shalt  }
0x41: {  	_ =	shalt  }
0x42: {  	_ =	shalt  }
0x43: {  	_ =	shalt  }
0x44: {  	_ =	shalt  }
0x45: {  	_ =	shalt  }
0x46: {  	_ =	shalt  }
0x47: {  	_ =	shalt  }
0x48: {  	_ =	shalt  }
0x49: {  	_ =	shalt  }
0x4a: {  	_ =	shalt  }
0x4b: {  	_ =	shalt  }
0x4c: {  	_ =	shalt  }
0x4d: {  	_ =	shalt  }
0x4e: {  	_ =	shalt  }
0x4f: {  	_ =	shalt  }
0x50: {  	_ =	shalt  }
0x51: {  	_ =	shalt  }
0x52: {  	_ =	shalt  }
0x53: {  	_ =	shalt  }
0x54: {  	_ =	shalt  }
0x55: {  	_ =	shalt  }
0x56: {  	_ =	shalt  }
0x57: {  	_ =	shalt  }
0x58: {  	_ =	shalt  }
0x59: {  	_ =	shalt  }
0x5a: {  	_ =	shalt  }
0x5b: {  	_ =	shalt  }
0x5c: {  	_ =	shalt  }
0x5d: {  	_ =	shalt  }
0x5e: {  	_ =	shalt  }
0x5f: {  	_ =	shalt  }
0x60: {  	_ =	shalt  }
0x61: {  	_ =	shalt  }
0x62: {  	_ =	shalt  }
0x63: {  	_ =	shalt  }
0x64: {  	_ =	shalt  }
0x65: {  	_ =	shalt  }
0x66: {  	_ =	shalt  }
0x67: {  	_ =	shalt  }
0x68: {  	_ =	shalt  }
0x69: {  	_ =	shalt  }
0x6a: {  	_ =	shalt  }
0x6b: {  	_ =	shalt  }
0x6c: {  	_ =	shalt  }
0x6d: {  	_ =	shalt  }
0x6e: {  	_ =	shalt  }
0x6f: {  	_ =	shalt  }
0x70: {  	_ =	shalt  }
0x71: {  	_ =	shalt  }
0x72: {  	_ =	shalt  }
0x73: {  	_ =	shalt  }
0x74: {  	_ =	shalt  }
0x75: {  	_ =	shalt  }
0x76: {  	_ =	shalt  }
0x77: {  	_ =	shalt  }
0x78: {  	_ =	shalt  }
0x79: {  	_ =	shalt  }
0x7a: {  	_ =	shalt  }
0x7b: {  	_ =	shalt  }
0x7c: {  	_ =	shalt  }
0x7d: {  	_ =	shalt  }
0x7e: {  	_ =	shalt  }
0x7f: {  	_ =	shalt  }
0x80: {  	_ =	shalt  }
0x81: {  	_ =	shalt  }
0x82: {  	_ =	shalt  }
0x83: {  	_ =	shalt  }
0x84: {  	_ =	shalt  }
0x85: {  	_ =	shalt  }
0x86: {  	_ =	shalt  }
0x87: {  	_ =	shalt  }
.Lfunc_end0:
.L_simem_size_0:
called_computation_lowered:
.L_overlay_start_0:
0x88: {  	s2 =	sld [smem:$0x3FD9]  }
0x89: {  	s3 =	sld [smem:$0x3FFE];
	_ =	sdelay $0x1  }
0x8a: {  	s1 =	srdreg.scid  }
0x8b: {  	s0 =	sand.u32 $0x1, s1  }
0x8c: {  	s17 =	sshll.u32 s0, $0xA;
	s2 =	sadd.s32 s3, s2  }
0x8d: {  	s2 =	sadd.s32 s2, s17  }
0x8e: {  	[smem:$0x3FC1] =	sst s2  }
0x8f: {  	_ = 	snop  }
0x90: {  	s2 =	sld [smem:$0x3FC7]  }
0x91: {  	s18 =	sld [smem:$0x3FD0];
	(tm) =	ssettm $0x1  }
0x92: {  	s4 =	sld [smem:$0x3FFB];
	_ =	sdelay $0x3  }
0x93: {  	_ =	strace s4  }
0x94: {  	s4 =	sld [smem:$0x3FFC];
	_ =	sdelay $0x3  }
0x95: {  	_ =	strace s4  }
0x96: {  	s4 =	sld [smem:$0x3FFD];
	_ =	sdelay $0x3  }
0x97: {  	_ =	strace s4  }
0x98: {  	_ =	strace $0x8FFFFFFF  }
0x99: {  	s19 =	sld [smem:$0x3FDB];
	_ =	sdelay $0x1  }
0x9a: {  	s5 =	simm.s32 $_scs_section_size  }
0x9b: {  	s6 =	simm.s32 $_size__tile_overlayer_lowered;
	s7 =	simm.s32 $_tile_overlayer_lowered  }
0x9c: {  	s22 =	simm.s32 $0x1BFF;
	s21 =	sshll.u32 s7, $0x1;
	s4 =	sadd.s32 s5, s19  }
0x9d: {  	s8 =	simm.s32 $0x0;
	s20 =	sshll.u32 s6, $0x1;
	s6 =	sadd.s32 s21, s4  }
0x9e: {  	[timem:s8], [sflag:s22] =	dma.local [hbm:s6], s20  }
0x9f: {  	_ =	swait.ge [sflag:s22], s20  }
0xa0: {  	s5 =	ssub.s32 $0x0, s20;
	[sflag:s22] =	ssyncset.done $0x0  }
0xa1: {  	[sflag:s22] =	ssyncadd.s32 s5;
	_ =	sdelay $0x1  }
0xa2: {  	s23 =	simm.s32 $0x1B8B  }
0xa3: {  	_ =	swait.ge [sflag:s23], $0x1  }
0xa4: {  	[sflag:s23] =	ssyncset.done $0x0  }
0xa5: {  	s25 =	simm.s32 $0x1B8E;
	s24 =	sld [smem:$0x3FFE];
	[sflag:s23] =	ssyncadd.s32 $0xFFFFFFFF  }
0xa6: {  	s26 =	simm.s32 $execute0_lowered;
	[smem:$0x3FD2] =	sst s25  }
0xa7: {  	s6 =	sshll.u32 s26, $0x1;
	_ =	strace $0x80000046;
	[dreg:$0x1] =	wrdreg $0xFFFFFFFF  }
0xa8: {  	s28 =	simm.s32 $_size_execute0_lowered;
	s4 =	sadd.s32 s4, s6;
	[dreg:$0x0] =	wrdreg $0x0  }
0xa9: {  	s6 =	sshll.u32 s28, $0x1;
	[dreg:$0x2] =	wrdreg s4  }
0xaa: {  	[dreg:$0x3] =	wrdreg s6  }
0xab: {  	[dreg:$0x4] =	wrdreg $0xC0  }
0xac: {  	_ =	task [dreg:s8], $0x5FFFF  }
0xad: {  	[dreg:$0x1] =	wrdreg $0xFFFFFFFF  }
0xae: {  	[dreg:$0x0] =	wrdreg $0x60  }
0xaf: {  	[dreg:$0x2] =	wrdreg s24  }
0xb0: {  	[dreg:$0x3] =	wrdreg s2  }
0xb1: {  	[dreg:$0x4] =	wrdreg s18  }
0xb2: {  	[dreg:$0x5] =	wrdreg $0x9  }
0xb3: {  	_ =	task.clear_ibuf [dreg:s8], $0x6FFFF;
	_ =	strace $0x90000046  }
0xb4: {  	s29 =	simm.s32 $0x9;
	_ =	strace $0x80000048  }
0xb5: {  	_ =	swait.ge [sflag:s29], $0x1  }
0xb6: {  	[sflag:s29] =	ssyncadd.s32 $0xFFFFFFFF  }
0xb7: {  	_ =	strace $0x90000048  }
0xb8: {  	_ =	sfence  }
0xb9: {  	s30 =	sld [smem:$0x0];
	_ =	sdelay $0x2  }
0xba: {  	s31 =	sshll.u32 s1, $0xD;
	s1 =	sshrl.u32 s1, $0x2  }
0xbb: {  	s3 =	sand.u32 $0x4000, s31;
	s1 =	sadd.s32 s1, s30  }
0xbc: {  	s0 =	sor.u32 s3, s0;
	s1 =	sshll.u32 s1, $0x11  }
0xbd: {  	s0 =	sor.u32 s1, s0  }
0xbe: {  	s0 =	sadd.s32 $0x8F2B, s0  }
0xbf: {  	[sflag:s0] =	ssyncadd.remote.s32 $0x1  }
0xc0: {  	_ =	sfence.sel $0xFFFF  }
0xc1: {  	[dreg:$0x0] =	wrdreg $0xFFFFFFFF;
	(pc) =	sbr.abs _section_cstart, $3  }
0xc2: {  	[dreg:$0x1] =	wrdreg $0xFFFFFFFF  }
0xc3: {  	_ =	task.clear_ibuf [dreg:s8], $0x2FFFF;
	_ =	strace $0x9FFFFFFF  }
0xc4: {  	(tm) =	ssettm $0x7FFFFFFF  }
0xc5: {  	_ =	shalt  }
tec
execute0_lowered:
.L_overlay_start_1:
0x0: {  	(tag) =	ssettag $0x1  }
0x1: {  	s0 =	rddreg [dreg:$0x0]  }
0x2: {  	s1 =	rddreg [dreg:$0x1];
	s2 =	srdreg.scid  }
0x3: {  	s3 =	stileid.u32;
	s4 =	rddreg [dreg:$0x2]  }
0x4: {  	s8 =	simm.s32 $0x0;
	s2 =	sand.u32 $0x1, s2;
	s3 =	sshll.u32 s3, $0x1  }
0x5: {  	s15 =	simm.s32 $0x1;
	[smem:$0x7FF] =	sst s8;
	s5 =	sor.u32 s2, s3  }
0x6: {  	_ =	strace $0x80000047;
	s2 =	ssub.s32 $0x2, s2;
	s6 =	smul.u32 $0xC80, s5  }
0x7: {  	s7 =	sshll.u32 s5, $0xA;
	s29 =	sshrl.u32 s2, $0x1;
	s5 =	sshll.u32 s5, $0x4  }
0x8: {  	s3 =	sadd.s32 $0x19C00, s0;
	s2 =	ssub.s32 s2, s29;
	s1 =	sadd.s32 s1, s5  }
.Ltmp0:
0x9: {  	s30 =	sadd.s32 s4, s5;
	[dreg:$0x5] =	wrdreg s1;
	(pc) =	sbr.rel .LBB2_1-.Ltmp0, $4  }
0xa: {  	s6 =	sadd.s32 s6, s0;
	[dreg:$0x6] =	wrdreg s30;
	s31 =	smax.u32 s2, $0x1  }
0xb: {  	s0 =	sadd.s32 s7, s0;
	s6 =	sadd.s32 $0xC00, s6;
	[dreg:$0x8] =	wrdreg s31  }
0xc: {  	s17 =	simm.s32 $0x5;
	s0 =	sadd.s32 $0x7D9C00, s0;
	[dreg:$0x4] =	wrdreg s6  }
0xd: {  	v0 =	vimm.s32 $0x0;
	s1 =	simm.s32 $0x9;
	s2 =	simm.s32 $0x0;
	[dreg:$0x7] =	wrdreg s0  }
.LBB2_99:
0xe: {  	s8 =	simm.s32 $0x0;
	s0 =	rddreg [dreg:$0x7];
	s1 =	simm.s32 $0xCA80  }
0xf: {  	[hbm4b:s0+s8] =	stream.linear.scatter [tilespmem:s1], [sflag:$0x9], $0x2000, $0x38;
	[tilespmem:$0x1B280] =	vst v63  }
0x10: {  	s1 =	simm.s32 $0x9  }
0x11: {  	_ =	swait.ge [sflag:s1], $0x2000  }
0x12: {  	s2 =	rddreg [dreg:$0x9]  }
0x13: {  	s31 =	rddreg [dreg:$0x8];
	s2 =	sadd.s32 $0x1, s2  }
0x14: {  	p0 =	sne.s32 s2, s31  }
.Ltmp1:
0x15: {  	_ = 	snop;
	(pc) =	sbr.rel @!p0 .LBB2_100-.Ltmp1, $3  }
0x16: {  	_ =	sdelay $0x1  }
0x17: {  	[sflag:s1] =	ssyncset.done $0x0  }
0x18: {  	[sflag:s1] =	ssyncadd.s32 $0xFFFFE000  }
.LBB2_1:
0x19: {  	[dreg:$0x9] =	wrdreg s2  }
0x1a: {  	s0 =	rddreg [dreg:$0x4]  }
0x1b: {  	[tilespmem:s8], [sflag:$0x9] =	stream.linear.gather [hbm4b:s0+s8], $0x6400, $0x38;
	[tilespmem:$0x1B280] =	vst v63  }
0x1c: {  	_ =	swait.ge [sflag:s1], $0x6400  }
0x1d: {  	[sflag:s1] =	ssyncset.done $0x0  }
0x1e: {  	s26 =	simm.s32 $0xC880;
	s25 =	rddreg [dreg:$0x5];
	[sflag:s1] =	ssyncadd.s32 $0xFFFF9C00  }
0x1f: {  	[tilespmem:s26], [sflag:$0x9] =	stream.linear.gather [hbm4b:s25+s8], $0x80, $0x38;
	[tilespmem:$0x1B280] =	vst v63  }
0x20: {  	_ =	swait.ge [sflag:s1], $0x80  }
0x21: {  	[sflag:s1] =	ssyncset.done $0x0  }
0x22: {  	s29 =	simm.s32 $0xC980;
	s28 =	rddreg [dreg:$0x6];
	[sflag:s1] =	ssyncadd.s32 $0xFFFFFF80  }
0x23: {  	[tilespmem:s29], [sflag:$0x9] =	stream.linear.gather [hbm4b:s28+s8], $0x80, $0x38;
	[tilespmem:$0x1B280] =	vst v63  }
0x24: {  	_ =	swait.ge [sflag:s1], $0x80  }
0x25: {  	[sflag:s1] =	ssyncset.done $0x0  }
0x26: {  	[sflag:s1] =	ssyncadd.s32 $0xFFFFFF80  }
0x27: {  	v1 =	vld [tilespmem:$0x0];
	_ =	sdelay $0x1  }
0x28: {  	v2 =	vld [tilespmem:$0x10];
	_ =	sdelay $0x1  }
0x29: {  	v3 =	vld [tilespmem:$0x20]  }
0x2a: {  	vm0 =	vgt.s32 v1, $0x7BFFF;
	v4 =	vadd.s32 $0xFFF84000, v1  }
0x2b: {  	v52 =	vld [tilespmem:$0x30];
	v1 =	vsel vm0, v4, v1  }
0x2c: {  	vm15 =	vgt.s32 v2, $0x7BFFF;
	v5 =	vadd.s32 $0xFFF84000, v2;
	[tilespmem:$0x0] =	vst v1;
	v1 =	vsel vm0, $0x40, v0  }
0x2d: {  	[tilespmem:$0x6400] =	vst v1;
	v1 =	vsel vm15, v5, v2;
	v2 =	vld [tilespmem:$0x40]  }
0x2e: {  	v55 =	vld [tilespmem:$0xC880];
	vm4 =	vgt.s32 v3, $0x7BFFF;
	v53 =	vadd.s32 $0xFFF84000, v3;
	[tilespmem:$0x10] =	vst v1;
	v1 =	vsel vm15, $0x40, v0  }
0x2f: {  	[tilespmem:$0x6410] =	vst v1;
	v1 =	vsel vm4, v53, v3;
	v3 =	vld [tilespmem:$0x50]  }
0x30: {  	vm5 =	vgt.s32 v52, $0x7BFFF;
	v54 =	vadd.s32 $0xFFF84000, v52;
	[tilespmem:$0x20] =	vst v1;
	v1 =	vsel vm4, $0x40, v0  }
0x31: {  	v6 =	vld [tilespmem:$0x60];
	[tilespmem:$0x6420] =	vst v1;
	v1 =	vsel vm5, v54, v52  }
0x32: {  	[tilespmem:$0x30] =	vst v1;
	v1 =	vsel vm5, $0x40, v0;
	vm6 =	vgt.s32 v2, $0x7BFFF;
	v56 =	vadd.s32 $0xFFF84000, v2  }
0x33: {  	(v2sf) =	vpush v55, $0x0;
	[tilespmem:$0x6430] =	vst v1;
	v1 =	vsel vm6, v56, v2;
	v2 =	vld [tilespmem:$0x70]  }
0x34: {  	[tilespmem:$0x40] =	vst v1;
	v1 =	vsel vm6, $0x40, v0;
	vm7 =	vgt.s32 v3, $0x7BFFF;
	v57 =	vadd.s32 $0xFFF84000, v3  }
0x35: {  	v58 =	vld [tilespmem:$0x80];
	[tilespmem:$0x6440] =	vst v1;
	v1 =	vsel vm7, v57, v3  }
0x36: {  	vm8 =	vgt.s32 v6, $0x7BFFF;
	v3 =	vsel vm7, $0x40, v0;
	[tilespmem:$0x50] =	vst v1;
	v1 =	vadd.s32 $0xFFF84000, v6  }
0x37: {  	[tilespmem:$0x6450] =	vst v3;
	v3 =	vld [tilespmem:$0x90];
	v1 =	vsel vm8, v1, v6  }
0x38: {  	[tilespmem:$0x60] =	vst v1;
	v1 =	vsel vm8, $0x40, v0;
	vm9 =	vgt.s32 v2, $0x7BFFF;
	v59 =	vadd.s32 $0xFFF84000, v2  }
0x39: {  	[tilespmem:$0x6460] =	vst v1;
	v1 =	vsel vm9, v59, v2;
	v2 =	vld [tilespmem:$0xA0]  }
0x3a: {  	vm10 =	vgt.s32 v58, $0x7BFFF;
	v60 =	vadd.s32 $0xFFF84000, v58;
	[tilespmem:$0x70] =	vst v1;
	v1 =	vsel vm9, $0x40, v0  }
0x3b: {  	v61 =	vld [tilespmem:$0xB0];
	[tilespmem:$0x6470] =	vst v1;
	v1 =	vsel vm10, v60, v58  }
0x3c: {  	vm11 =	vgt.s32 v3, $0x7BFFF;
	v62 =	vadd.s32 $0xFFF84000, v3;
	[tilespmem:$0x80] =	vst v1;
	v1 =	vsel vm10, $0x40, v0  }
0x3d: {  	[tilespmem:$0x6480] =	vst v1;
	v1 =	vsel vm11, v62, v3;
	v3 =	vld [tilespmem:$0xC0]  }
0x3e: {  	[tilespmem:$0x90] =	vst v1;
	v1 =	vsel vm11, $0x40, v0;
	vm12 =	vgt.s32 v2, $0x7BFFF;
	v63 =	vadd.s32 $0xFFF84000, v2  }
0x3f: {  	[tilespmem:$0x6490] =	vst v1;
	v1 =	vsel vm12, v63, v2  }
0x40: {  	vm13 =	vgt.s32 v61, $0x7BFFF;
	v2 =	vadd.s32 $0xFFF84000, v61;
	[tilespmem:$0xA0] =	vst v1;
	v1 =	vsel vm12, $0x40, v0  }
0x41: {  	[tilespmem:$0x64A0] =	vst v1;
	v1 =	vsel vm13, v2, v61  }
0x42: {  	[tilespmem:$0xB0] =	vst v1;
	v1 =	vsel vm13, $0x40, v0;
	vm14 =	vgt.s32 v3, $0x7BFFF;
	v2 =	vadd.s32 $0xFFF84000, v3  }
0x43: {  	s0 =	spop (v2sf);
	[tilespmem:$0x64B0] =	vst v1;
	v1 =	vsel vm14, v2, v3  }
0x44: {  	s30 =	simm.s32 $0x38;
	p0 =	slt.s32 s0, $0x39;
	[tilespmem:$0xC0] =	vst v1;
	v1 =	vsel vm14, $0x40, v0  }
0x45: {  	s31 =	simm.s32 $0xEA80;
	s1 =	simm.s32 @!p0 $0x30;
	p1 =	slt.u32 @!p0 s0, $0x69;
	[tilespmem:$0x64C0] =	vst v1  }
0x46: {  	[tilespmem:s31], [sflag:$0x1] =	stream.indirect.gather [hbm4b:s3+s30], $0x80, s8, s30, $0xb8;
	[tilespmem:$0x1B280] =	vst v63  }
0x47: {  	s2 =	simm.s32 @!p0 $0x38;
	s4 =	simm.s32 @!p0 $0x10680;
	p2 =	por p1, p0  }
0x48: {  	[tilespmem:s4], [sflag:$0x2] =	stream.indirect.gather @!p0 [hbm4b:s3+s1], $0x80, s2, s1, $0xb8;
	[tilespmem:$0x1B280] =	vst v63  }
0x49: {  	s1 =	simm.s32 @!p2 $0x30;
	s2 =	simm.s32 @!p2 $0x68;
	s4 =	simm.s32 @!p2 $0x11E80  }
0x4a: {  	[tilespmem:s4], [sflag:$0x3] =	stream.indirect.gather @!p2 [hbm4b:s3+s1], $0x80, s2, s1, $0xb8;
	[tilespmem:$0x1B280] =	vst v63  }
0x4b: {  	p2 =	slt.u32 @!p2 s0, $0x99  }
0x4c: {  	p1 =	por @!p0 p2, p1  }
0x4d: {  	p0 =	por p1, p0  }
0x4e: {  	s0 =	simm.s32 @!p0 $0x30;
	s1 =	simm.s32 @!p0 $0x98;
	s2 =	simm.s32 @!p0 $0x13680  }
0x4f: {  	[tilespmem:s2], [sflag:$0x4] =	stream.indirect.gather @!p0 [hbm4b:s3+s0], $0x80, s1, s0, $0xb8;
	[tilespmem:$0x1B280] =	vst v63  }
0x50: {  	s0 =	simm.s32 $0xD0  }
0x51: {  	v1 =	vld [tilespmem:s0+$0x0];
	_ =	sdelay $0x4  }
0x52: {  	vm15 =	vgt.s32 v1, $0x7BFFF;
	v2 =	vadd.s32 $0xFFF84000, v1  }
0x53: {  	v2 =	vsel vm15, v2, v1  }
0x54: {  	s1 =	simm.s32 $0xE0;
	s2 =	simm.s32 $0x3C0;
	v1 =	vsel vm15, $0x40, v0;
	[tilespmem:s0+$0x0] =	vst v2  }
.LBB2_2:
0x55: {  	p0 =	sne.s32 s2, $0x18FC0;
	v2 =	vld [tilespmem:s1+$0x0];
	[tilespmem:s0+$0x6400] =	vst v1;
	s0 =	smov.u32 s1;
	_ =	sdelay $0x2  }
.Ltmp2:
0x56: {  	(pc) =	sbr.rel @p0 .LBB2_2-.Ltmp2, $4  }
0x57: {  	_ = 	snop  }
0x58: {  	vm0 =	vgt.s32 v2, $0x7BFFF;
	v1 =	vadd.s32 $0xFFF84000, v2  }
0x59: {  	v2 =	vsel vm0, v1, v2;
	v1 =	vsel vm0, $0x40, v0  }
0x5a: {  	s1 =	sshra.s32 s2, $0x2;
	s2 =	sadd.s32 $0x40, s2;
	[tilespmem:s0+$0x0] =	vst v2  }
0x5b: {  	v2 =	vld [tilespmem:s1+$0x0];
	_ =	sdelay $0x3  }
.Ltmp3:
0x5c: {  	_ = 	snop;
	(pc) =	sbr.rel .LBB2_4-.Ltmp3, $4  }
0x5d: {  	vm0 =	vgt.s32 v2, $0x7BFFF;
	v3 =	vadd.s32 $0xFFF84000, v2  }
0x5e: {  	[tilespmem:s0+$0x6400] =	vst v1;
	s21 =	simm.s32 $0x0;
	s22 =	simm.s32 $0x6400;
	s23 =	simm.s32 $0x6438;
	v1 =	vsel vm0, v3, v2  }
0x5f: {  	s24 =	simm.s32 $0x6468;
	s25 =	simm.s32 $0x6498;
	s26 =	simm.s32 $0x64C8;
	v2 =	vsel vm0, $0x40, v0;
	[tilespmem:s1+$0x0] =	vst v1  }
0x60: {  	s28 =	simm.s32 $0x6500;
	s29 =	simm.s32 $0x6530;
	s30 =	simm.s32 $0x6560;
	[tilespmem:s1+$0x6400] =	vst v2  }
.LBB2_89:
0x61: {  	v5 =	vmovc v3;
	s6 =	simm.s32 $0x19A80;
	v6 =	vmov v2;
	v9 =	vmov v4;
	v8 =	vmov v1  }
.LBB2_97:
0x62: {  	s6 =	sadd.s32 @p2 $0x80, s6;
	s12 =	simm.s32 $0x19A80  }
0x63: {  	s9 =	sshra.s32 @p1 s9, $0x2;
	s13 =	sand.u32 @p1 $0x7F, s8;
	s8 =	sshll.u32 @p1 s8, $0x2  }
0x64: {  	s14 =	sand.u32 @p1 $0xFFFFFE00, s14;
	s2 =	sshll.u32 @p1 s2, $0x2;
	s12 =	smov.u32 @p2 s6  }
0x65: {  	s8 =	sand.u32 @p1 $0xFFFFFE00, s8;
	s13 =	sshll.u32 @p1 s13, $0x2;
	s2 =	sor.u32 @p1 s2, s14  }
0x66: {  	s6 =	sadd.s32 @p1 s9, s12;
	s9 =	sand.u32 @p1 $0x7F, s7;
	s7 =	sshll.u32 @p1 s7, $0x2  }
0x67: {  	s2 =	sshra.s32 @p1 s2, $0x2;
	s7 =	sand.u32 @p1 $0xFFFFFE00, s7;
	s9 =	sshll.u32 @p1 s9, $0x2  }
0x68: {  	(v2sf) =	vpush v11, $0x0;
	s8 =	sor.u32 @p1 s13, s8;
	s7 =	sor.u32 @p1 s9, s7;
	s9 =	spop @p0 (v2sf)  }
0x69: {  	s2 =	sadd.s32 @p1 s2, s12;
	s8 =	sshra.s32 @p1 s8, $0x2;
	s13 =	sadd.s32 @p0 $0x30, s9  }
0x6a: {  	s8 =	sadd.s32 @p1 s8, s12;
	s14 =	sand.u32 @p0 $0x7F, s13;
	s13 =	sshll.u32 @p0 s13, $0x2  }
0x6b: {  	s7 =	sshra.s32 @p1 s7, $0x2;
	s13 =	sand.u32 @p0 $0xFFFFFE00, s13;
	s14 =	sshll.u32 @p0 s14, $0x2  }
0x6c: {  	s1 =	smov.u32 @p0 s9;
	s7 =	sadd.s32 @p1 s7, s12;
	s13 =	sor.u32 @p0 s14, s13  }
0x6d: {  	s14 =	sadd.s32 @p0 $0x20, s9;
	s5 =	smov.u32 @p0 s13;
	s13 =	sadd.s32 @p0 $0x10, s9  }
0x6e: {  	s10 =	smov.u32 @p0 s14;
	s9 =	sadd.s32 @p1 $0x80, s12;
	s12 =	simm.s32 $0x19A80  }
0x6f: {  	s14 =	sand.u32 @p0 $0x7F, s13;
	s13 =	sshll.u32 @p0 s13, $0x2;
	s5 =	sshra.s32 @p0 s5, $0x2  }
0x70: {  	s12 =	smov.u32 @p1 s9;
	s9 =	sand.u32 @p0 $0x7F, s10;
	s10 =	sshll.u32 @p0 s10, $0x2  }
0x71: {  	s4 =	smov.u32 @p0 s13;
	s11 =	smov.u32 @p0 s14;
	s5 =	sadd.s32 @p0 s5, s12  }
0x72: {  	s13 =	sand.u32 @p0 $0x7F, s1;
	s1 =	sshll.u32 @p0 s1, $0x2;
	s10 =	sand.u32 @p0 $0xFFFFFE00, s10  }
0x73: {  	s9 =	sshll.u32 @p0 s9, $0x2;
	s4 =	sand.u32 @p0 $0xFFFFFE00, s4;
	s11 =	sshll.u32 @p0 s11, $0x2  }
0x74: {  	s1 =	sand.u32 @p0 $0xFFFFFE00, s1;
	s13 =	sshll.u32 @p0 s13, $0x2;
	s9 =	sor.u32 @p0 s9, s10  }
0x75: {  	s4 =	sor.u32 @p0 s11, s4;
	s1 =	sor.u32 @p0 s13, s1;
	s9 =	sshra.s32 @p0 s9, $0x2  }
0x76: {  	s4 =	sshra.s32 @p0 s4, $0x2;
	s1 =	sshra.s32 @p0 s1, $0x2;
	s9 =	sadd.s32 @p0 s9, s12  }
0x77: {  	s4 =	sadd.s32 @p0 s4, s12;
	s10 =	spop (v2sf);
	s1 =	sadd.s32 @p0 s1, s12  }
0x78: {  	s19 =	sadd.s32 $0x30, s10;
	s14 =	sadd.s32 $0x10, s10;
	s16 =	sadd.s32 $0x20, s10  }
0x79: {  	v11 =	vld @p1 [tilespmem:s6+$0x0];
	s20 =	sand.u32 $0x7F, s19;
	s11 =	sshll.u32 s19, $0x2;
	s18 =	sand.u32 $0x7F, s14  }
0x7a: {  	v13 =	vld @p1 [tilespmem:s2+$0x0];
	s6 =	sshll.u32 s14, $0x2;
	s2 =	sshll.u32 s16, $0x2;
	s11 =	sand.u32 $0xFFFFFE00, s11  }
0x7b: {  	v14 =	vld @p1 [tilespmem:s8+$0x0];
	s13 =	sshll.u32 s20, $0x2;
	s20 =	sand.u32 $0x7F, s16;
	s16 =	sand.u32 $0xFFFFFE00, s6  }
0x7c: {  	v15 =	vld @p1 [tilespmem:s7+$0x0];
	s18 =	sshll.u32 s18, $0x2;
	s2 =	sand.u32 $0xFFFFFE00, s2;
	s11 =	sor.u32 s13, s11  }
0x7d: {  	v5 =	vadd.f32 @p2 v7, v5;
	v16 =	vld @p0 [tilespmem:s5+$0x0];
	s13 =	sand.u32 $0x7F, s10;
	s10 =	sshll.u32 s10, $0x2;
	s7 =	sshll.u32 s20, $0x2  }
0x7e: {  	v6 =	vadd.f32 @p2 v10, v6;
	v9 =	vadd.f32 @p2 v12, v9;
	v7 =	vld @p0 [tilespmem:s4+$0x0];
	s4 =	sor.u32 s18, s16;
	s19 =	sshra.s32 s11, $0x2;
	s11 =	sadd.s32 @p0 $0x80, s12  }
0x7f: {  	v5 =	vpsel p2, v5, v3;
	v8 =	vadd.f32 @p1 v11, v8;
	v11 =	vpsel p1, v13, v0;
	v10 =	vld @p0 [tilespmem:s9+$0x0];
	s20 =	sshll.u32 s13, $0x2;
	s4 =	sshra.s32 s4, $0x2;
	s0 =	smov.u32 @p0 s11  }
0x80: {  	v6 =	vpsel p2, v6, v2;
	v13 =	vpsel p1, v14, v0;
	v5 =	vadd.f32 @p1 v11, v5;
	v12 =	vld @p0 [tilespmem:s1+$0x0];
	s2 =	sor.u32 s7, s2;
	s12 =	sadd.s32 s19, s0;
	s19 =	sand.u32 $0xFFFFFE00, s10  }
0x81: {  	v9 =	vpsel p2, v9, v4;
	v6 =	vadd.f32 @p1 v13, v6;
	s2 =	sshra.s32 s2, $0x2;
	s4 =	sadd.s32 s4, s0;
	v61 =	vld [tilespmem:s12+$0x0];
	s1 =	sor.u32 s20, s19  }
0x82: {  	v8 =	vpsel p1, v8, v1;
	v14 =	vpsel p1, v15, v0;
	v5 =	vpsel p1, v5, v3;
	s2 =	sadd.s32 s2, s0;
	v62 =	vld [tilespmem:s4+$0x0];
	s1 =	sshra.s32 s1, $0x2  }
0x83: {  	v9 =	vadd.f32 @p1 v14, v9;
	v6 =	vpsel p1, v6, v2;
	v7 =	vpsel p0, v7, v0;
	v63 =	vld [tilespmem:s2+$0x0];
	s0 =	sadd.s32 s1, s0  }
0x84: {  	v8 =	vadd.f32 @p0 v16, v8;
	v10 =	vpsel p0, v10, v0;
	v5 =	vadd.f32 @p0 v7, v5;
	v7 =	vld [tilespmem:s0+$0x0]  }
0x85: {  	v9 =	vpsel p1, v9, v4;
	v12 =	vpsel p0, v12, v0;
	v6 =	vadd.f32 @p0 v10, v6  }
0x86: {  	v1 =	vpsel p0, v8, v1;
	v8 =	vadd.f32 @p0 v12, v9  }
0x87: {  	v2 =	vpsel p0, v6, v2;
	v3 =	vpsel p0, v5, v3  }
0x88: {  	v4 =	vpsel p0, v8, v4;
	v1 =	vadd.f32 v61, v1;
	v3 =	vadd.f32 v62, v3  }
0x89: {  	v2 =	vadd.f32 v63, v2;
	v4 =	vadd.f32 v7, v4  }
.LBB2_98:
0x8a: {  	v5 =	vld.msk [tilespmem:s31+$0xC980 ss:$0x0], $0xffff;
	_ =	sdelay $0x3  }
0x8b: {  	s21 =	sadd.s32 $0x1, s21  }
0x8c: {  	p0 =	sne.s32 s21, $0x40;
	v4 =	vmul.f32 v5, v4  }
.Ltmp4:
0x8d: {  	s0 =	sshll.u32 s31, $0x6;
	v3 =	vmul.f32 v5, v3;
	(pc) =	sbr.rel @!p0 .LBB2_99-.Ltmp4, $4  }
0x8e: {  	s22 =	sadd.s32 $0x190, s22;
	s1 =	sor.u32 $0x50, s0;
	v2 =	vmul.f32 v5, v2;
	[tilespmem:s0+$0xCA80] =	vst v4  }
0x8f: {  	s23 =	sadd.s32 $0x190, s23;
	s24 =	sadd.s32 $0x190, s24;
	s2 =	sor.u32 $0x60, s0;
	v1 =	vmul.f32 v5, v1;
	[tilespmem:s1+$0xCA80] =	vst v3  }
0x90: {  	s25 =	sadd.s32 $0x190, s25;
	s26 =	sadd.s32 $0x190, s26;
	s0 =	sor.u32 $0x70, s0;
	[tilespmem:s2+$0xCA80] =	vst v2  }
0x91: {  	s28 =	sadd.s32 $0x190, s28;
	s29 =	sadd.s32 $0x190, s29;
	s30 =	sadd.s32 $0x190, s30;
	[tilespmem:s0+$0xCA80] =	vst v1  }
.LBB2_4:
0x92: {  	s1 =	sshll.u32 s21, $0x1  }
0x93: {  	v1 =	vld [tilespmem:s1+$0xC881];
	_ =	sdelay $0x4  }
0x94: {  	(v2sf) =	vpush v1, $0x0;
	_ =	sdelay $0x9  }
0x95: {  	s31 =	sshllo.u32 s21, $0x1  }
0x96: {  	s0 =	smul.u32 $0x320, s31;
	_ =	sdelay $0x1  }
0x97: {  	s4 =	simm.s32 $0x38;
	s5 =	simm.s32 $0x14E80;
	s0 =	sshra.s32 s0, $0x2  }
0x98: {  	[tilespmem:s5], [sflag:$0x5] =	stream.indirect.gather [hbm4b:s3+s4], $0x80, s0, s4, $0xb8;
	[tilespmem:$0x1B280] =	vst v63  }
0x99: {  	s2 =	spop (v2sf)  }
0x9a: {  	p0 =	slt.s32 s2, $0x39  }
0x9b: {  	s4 =	sadd.s32 @!p0 $0x38, s0  }
0x9c: {  	s5 =	simm.s32 @!p0 $0x30;
	s6 =	simm.s32 @!p0 $0x16A80;
	p1 =	slt.u32 @!p0 s2, $0x69  }
0x9d: {  	[tilespmem:s6], [sflag:$0x6] =	stream.indirect.gather @!p0 [hbm4b:s3+s5], $0x80, s4, s5, $0xb8;
	[tilespmem:$0x1B280] =	vst v63  }
0x9e: {  	p2 =	por p1, p0  }
0x9f: {  	s4 =	sadd.s32 @!p2 $0x68, s0;
	s5 =	simm.s32 @!p2 $0x30;
	s6 =	simm.s32 @!p2 $0x18280  }
0xa0: {  	[tilespmem:s6], [sflag:$0x7] =	stream.indirect.gather @!p2 [hbm4b:s3+s5], $0x80, s4, s5, $0xb8;
	[tilespmem:$0x1B280] =	vst v63  }
0xa1: {  	p2 =	slt.u32 @!p2 s2, $0x99  }
0xa2: {  	p1 =	por @!p0 p2, p1  }
0xa3: {  	p0 =	por p1, p0  }
0xa4: {  	s0 =	sadd.s32 @!p0 $0x98, s0;
	s2 =	simm.s32 @!p0 $0x30;
	s4 =	simm.s32 @!p0 $0x19A80  }
0xa5: {  	[tilespmem:s4], [sflag:$0x8] =	stream.indirect.gather @!p0 [hbm4b:s3+s2], $0x80, s0, s2, $0xb8;
	[tilespmem:$0x1B280] =	vst v63  }
0xa6: {  	v1 =	vld [tilespmem:s1+$0xC880];
	_ =	sdelay $0x4  }
0xa7: {  	(v2sf) =	vpush v1, $0x0;
	_ =	sdelay $0xe  }
0xa8: {  	s0 =	spop (v2sf)  }
0xa9: {  	p0 =	slt.s32 s0, $0x39  }
.Ltmp5:
0xaa: {  	_ = 	snop;
	(pc) =	sbr.rel @p0 .LBB2_8-.Ltmp5, $4  }
0xab: {  	_ = 	snop  }
0xac: {  	_ =	swait.ge [sflag:s15], $0x1C00  }
0xad: {  	[sflag:s15] =	ssyncset.done $0x0  }
0xae: {  	[sflag:s15] =	ssyncadd.s32 $0xFFFFE400  }
0xaf: {  	s2 =	simm.s32 $0x2  }
0xb0: {  	_ =	swait.ge [sflag:s2], $0x1800  }
0xb1: {  	p0 =	slt.u32 s0, $0x69;
	[sflag:s2] =	ssyncset.done $0x0  }
0xb2: {  	[sflag:s2] =	ssyncadd.s32 $0xFFFFE800;
	s2 =	simm.s32 @!p0 $0x3  }
0xb3: {  	p1 =	slt.u32 @!p0 s0, $0x99;
	_ =	swait.ge @!p0 [sflag:s2], $0x1800  }
.Ltmp6:
0xb4: {  	p2 =	por p1, p0;
	[sflag:s2] =	ssyncset.done @!p0 $0x0;
	(pc) =	sbr.rel .LBB2_6-.Ltmp6, $4  }
0xb5: {  	s4 =	simm.s32 @!p2 $0x4;
	[sflag:s2] =	ssyncadd.s32 @!p0 $0xFFFFE800  }
0xb6: {  	p1 =	por !p1, p0;
	s2 =	simm.s32 @!p0 $0x38;
	_ =	swait.ge @!p2 [sflag:s4], $0x1800  }
0xb7: {  	s2 =	simm.s32 @p1 $0x38;
	[sflag:s4] =	ssyncset.done @!p2 $0x0  }
0xb8: {  	s2 =	simm.s32 @p0 $0x38;
	[sflag:s4] =	ssyncadd.s32 @!p2 $0xFFFFE800  }
.LBB2_8:
0xb9: {  	p0 =	slt.s32 s0, $0x1  }
.Ltmp7:
0xba: {  	_ = 	snop;
	(pc) =	sbr.rel @p0 .LBB2_9-.Ltmp7, $2  }
0xbb: {  	_ =	sdelay $0x2  }
0xbc: {  	s2 =	smov.u32 s0  }
.LBB2_6:
0xbd: {  	p3 =	sne.s32 s2, $0x1  }
.Ltmp8:
0xbe: {  	_ = 	snop;
	(pc) =	sbr.rel @!p3 .LBB2_7-.Ltmp8, $3  }
0xbf: {  	_ =	sdelay $0x1  }
0xc0: {  	s10 =	simm.s32 $0xEA80;
	s2 =	sadd.s32 $0xFFFFFFFF, s2  }
0xc1: {  	v2 =	vimm.f32 $0.0e+00;
	v8 =	vld [tilespmem:s22+$0x0];
	p0 =	por $0x0, $0x0;
	p1 =	por $0x0, $0x0;
	p2 =	por $0x0, $0x0  }
0xc2: {  	p3 =	sne.s32 s2, $0x1  }
.Ltmp9:
0xc3: {  	_ = 	snop;
	(pc) =	sbr.rel @!p3 .LBB2_11-.Ltmp9, $3  }
0xc4: {  	_ =	sdelay $0x1  }
0xc5: {  	s5 =	sadd.s32 $0x1, s22  }
0xc6: {  	s4 =	sadd.s32 $0xFFFFFFFF, s2;
	p0 =	por $0x1, $0x1;
	(v2sf) =	vpush v8, $0x0;
	v8 =	vld [tilespmem:s5+$0x0]  }
0xc7: {  	_ =	sdelay $0xc  }
0xc8: {  	p3 =	sne.s32 s4, $0x1  }
.Ltmp10:
0xc9: {  	s9 =	sadd.s32 $0x1, s5;
	s7 =	spop (v2sf);
	(pc) =	sbr.rel @!p3 .LBB2_13-.Ltmp10, $4  }
0xca: {  	p1 =	por $0x1, $0x1;
	s11 =	sadd.s32 $0x10, s7;
	s6 =	sadd.s32 $0x30, s7  }
0xcb: {  	s8 =	sadd.s32 $0x20, s7;
	s12 =	sand.u32 $0x7F, s6;
	s6 =	sshll.u32 s6, $0x2  }
0xcc: {  	s2 =	sand.u32 $0x7F, s11;
	s20 =	sand.u32 $0xFFFFFE00, s6;
	s12 =	sshll.u32 s12, $0x2  }
0xcd: {  	(v2sf) =	vpush v8, $0x0;
	v8 =	vld [tilespmem:s9+$0x0];
	s6 =	sadd.s32 $0xFFFFFFFF, s4;
	s4 =	sshll.u32 s11, $0x2;
	s5 =	sor.u32 s12, s20  }
0xce: {  	_ =	sdelay $0x7  }
0xcf: {  	p3 =	sne.s32 s6, $0x1;
	s11 =	sshra.s32 s5, $0x2  }
0xd0: {  	s12 =	sand.u32 $0x7F, s8;
	s13 =	sshll.u32 s8, $0x2;
	s14 =	sand.u32 $0x7F, s7  }
0xd1: {  	s19 =	sshll.u32 s7, $0x2;
	s20 =	sand.u32 $0xFFFFFE00, s4;
	s16 =	sshll.u32 s2, $0x2  }
0xd2: {  	s9 =	sadd.s32 $0x1, s9;
	p2 =	por $0x1, $0x1;
	s11 =	sadd.s32 $0xEA80, s11  }
0xd3: {  	s13 =	sand.u32 $0xFFFFFE00, s13;
	s19 =	sand.u32 $0xFFFFFE00, s19;
	s14 =	sshll.u32 s14, $0x2  }
0xd4: {  	s16 =	sor.u32 s16, s20;
	s12 =	sshll.u32 s12, $0x2;
	s14 =	sor.u32 s14, s19  }
0xd5: {  	s16 =	sshra.s32 s16, $0x2;
	v1 =	vld [tilespmem:s11+$0x0];
	s13 =	sor.u32 s12, s13;
	s11 =	spop (v2sf);
	(v2sf) =	vpush v8, $0x0  }
0xd6: {  	s14 =	sshra.s32 s14, $0x2;
	s18 =	sadd.s32 $0xEA80, s16;
	s19 =	sshra.s32 s13, $0x2  }
.Ltmp11:
0xd7: {  	s12 =	sadd.s32 $0xEA80, s14;
	s14 =	sadd.s32 $0xEA80, s19;
	v4 =	vld [tilespmem:s18+$0x0];
	(pc) =	sbr.rel @!p3 .LBB2_15-.Ltmp11, $4  }
0xd8: {  	v9 =	vld [tilespmem:s12+$0x0];
	s12 =	sadd.s32 $0xFFFFFFFF, s6;
	s6 =	simm.s32 $0xEA80;
	s20 =	sadd.s32 $0x30, s11  }
0xd9: {  	v7 =	vld [tilespmem:s14+$0x0];
	s16 =	sadd.s32 $0x10, s11;
	s18 =	sshll.u32 s20, $0x2;
	s20 =	sand.u32 $0x7F, s20  }
0xda: {  	v3 =	vimm.f32 $0.0e+00;
	s13 =	sadd.s32 $0x20, s11;
	s18 =	sand.u32 $0xFFFFFE00, s18;
	s14 =	sshll.u32 s20, $0x2  }
0xdb: {  	v6 =	vimm.f32 $0.0e+00;
	v5 =	vadd.f32 v1, v2;
	v1 =	vimm.f32 $0.0e+00;
	v8 =	vld [tilespmem:s9+$0x0];
	s19 =	sand.u32 $0x7F, s16;
	s20 =	sshll.u32 s16, $0x2;
	s14 =	sor.u32 s14, s18  }
.LBB2_16:
0xdc: {  	p3 =	sne.s32 s12, $0x1;
	s14 =	sshra.s32 s14, $0x2  }
0xdd: {  	v1 =	vadd.f32 v4, v1;
	s6 =	sadd.s32 $0x80, s6;
	s16 =	sand.u32 $0x7F, s13;
	s13 =	sshll.u32 s13, $0x2  }
0xde: {  	s18 =	sand.u32 $0x7F, s11;
	s11 =	sshll.u32 s11, $0x2;
	s14 =	sadd.s32 s14, s6;
	v3 =	vadd.f32 v7, v3  }
0xdf: {  	s20 =	sand.u32 $0xFFFFFE00, s20;
	s13 =	sand.u32 $0xFFFFFE00, s13;
	s16 =	sshll.u32 s16, $0x2;
	v7 =	vld [tilespmem:s14+$0x0];
	v6 =	vadd.f32 v9, v6  }
0xe0: {  	s11 =	sand.u32 $0xFFFFFE00, s11;
	s18 =	sshll.u32 s18, $0x2;
	s14 =	sshll.u32 s19, $0x2  }
0xe1: {  	s11 =	sor.u32 s18, s11;
	s14 =	sor.u32 s14, s20;
	(v2sf) =	vpush v8, $0x0  }
0xe2: {  	s13 =	sor.u32 s16, s13;
	s16 =	sshra.s32 s11, $0x2;
	s14 =	sshra.s32 s14, $0x2  }
0xe3: {  	s13 =	sshra.s32 s13, $0x2;
	s16 =	sadd.s32 s16, s6;
	s14 =	sadd.s32 s14, s6  }
.Ltmp12:
0xe4: {  	s11 =	spop (v2sf);
	v4 =	vld [tilespmem:s14+$0x0];
	s14 =	sadd.s32 s13, s6;
	v5 =	vadd.f32 v7, v5;
	(pc) =	sbr.rel @p3 .LBB2_16-.Ltmp12, $4  }
0xe5: {  	s18 =	sadd.s32 $0x10, s11;
	s13 =	sadd.s32 $0x20, s11;
	s20 =	sadd.s32 $0x30, s11;
	v7 =	vld [tilespmem:s14+$0x0]  }
0xe6: {  	s19 =	sand.u32 $0x7F, s18;
	s14 =	sand.u32 $0x7F, s20;
	s20 =	sshll.u32 s20, $0x2;
	v9 =	vld [tilespmem:s16+$0x0]  }
0xe7: {  	s9 =	sadd.s32 $0x1, s9;
	s16 =	sand.u32 $0xFFFFFE00, s20;
	s14 =	sshll.u32 s14, $0x2  }
0xe8: {  	s12 =	sadd.s32 $0xFFFFFFFF, s12;
	s20 =	sshll.u32 s18, $0x2;
	v8 =	vld [tilespmem:s9+$0x0];
	s14 =	sor.u32 s14, s16  }
.LBB2_17:
0xe9: {  	_ = 	snop  }
0xea: {  	s6 =	sadd.s32 @p2 $0x80, s6;
	s9 =	simm.s32 $0xEA80  }
0xeb: {  	s12 =	sshra.s32 @p1 s14, $0x2;
	s14 =	sand.u32 @p1 $0x7F, s13;
	s13 =	sshll.u32 @p1 s13, $0x2  }
0xec: {  	s16 =	sand.u32 @p1 $0xFFFFFE00, s20;
	s18 =	sshll.u32 @p1 s19, $0x2;
	s9 =	smov.u32 @p2 s6  }
0xed: {  	s13 =	sand.u32 @p1 $0xFFFFFE00, s13;
	s14 =	sshll.u32 @p1 s14, $0x2;
	s16 =	sor.u32 @p1 s18, s16  }
0xee: {  	s6 =	sadd.s32 @p1 s12, s9;
	s12 =	sand.u32 @p1 $0x7F, s11;
	s11 =	sshll.u32 @p1 s11, $0x2  }
0xef: {  	s13 =	sor.u32 @p1 s14, s13;
	s11 =	sand.u32 @p1 $0xFFFFFE00, s11;
	s12 =	sshll.u32 @p1 s12, $0x2  }
0xf0: {  	s13 =	sshra.s32 @p1 s13, $0x2;
	(v2sf) =	vpush v8, $0x0;
	s11 =	sor.u32 @p1 s12, s11;
	s14 =	spop @p0 (v2sf)  }
0xf1: {  	s12 =	sshra.s32 @p1 s16, $0x2;
	s13 =	sadd.s32 @p1 s13, s9;
	s16 =	sadd.s32 @p0 $0x30, s14  }
0xf2: {  	s11 =	sshra.s32 @p1 s11, $0x2;
	s18 =	sand.u32 @p0 $0x7F, s16;
	s16 =	sshll.u32 @p0 s16, $0x2  }
0xf3: {  	s12 =	sadd.s32 @p1 s12, s9;
	s16 =	sand.u32 @p0 $0xFFFFFE00, s16;
	s18 =	sshll.u32 @p0 s18, $0x2  }
0xf4: {  	s11 =	sadd.s32 @p1 s11, s9;
	s9 =	sadd.s32 @p1 $0x80, s9;
	s16 =	sor.u32 @p0 s18, s16  }
0xf5: {  	s7 =	smov.u32 @p0 s14;
	s18 =	sadd.s32 @p0 $0x20, s14;
	s5 =	smov.u32 @p0 s16  }
0xf6: {  	s16 =	sadd.s32 @p0 $0x10, s14;
	s8 =	smov.u32 @p0 s18;
	s14 =	simm.s32 $0xEA80  }
0xf7: {  	s18 =	sand.u32 @p0 $0x7F, s16;
	s16 =	sshll.u32 @p0 s16, $0x2;
	s5 =	sshra.s32 @p0 s5, $0x2  }
0xf8: {  	s14 =	smov.u32 @p1 s9;
	s9 =	sand.u32 @p0 $0x7F, s8;
	s8 =	sshll.u32 @p0 s8, $0x2  }
0xf9: {  	s4 =	smov.u32 @p0 s16;
	s2 =	smov.u32 @p0 s18;
	s5 =	sadd.s32 @p0 s5, s14  }
0xfa: {  	s16 =	sand.u32 @p0 $0x7F, s7;
	s7 =	sshll.u32 @p0 s7, $0x2;
	s8 =	sand.u32 @p0 $0xFFFFFE00, s8  }
0xfb: {  	v11 =	vld @p1 [tilespmem:s13+$0x0];
	s9 =	sshll.u32 @p0 s9, $0x2;
	s13 =	sadd.s32 @p0 $0x80, s14;
	s4 =	sand.u32 @p0 $0xFFFFFE00, s4  }
0xfc: {  	s2 =	sshll.u32 @p0 s2, $0x2;
	s7 =	sand.u32 @p0 $0xFFFFFE00, s7;
	s16 =	sshll.u32 @p0 s16, $0x2  }
0xfd: {  	s10 =	smov.u32 @p0 s13;
	s2 =	sor.u32 @p0 s2, s4;
	s4 =	sor.u32 @p0 s16, s7  }
0xfe: {  	s7 =	sor.u32 @p0 s9, s8;
	s2 =	sshra.s32 @p0 s2, $0x2;
	s4 =	sshra.s32 @p0 s4, $0x2  }
0xff: {  	s7 =	sshra.s32 @p0 s7, $0x2;
	s2 =	sadd.s32 @p0 s2, s14;
	s8 =	spop (v2sf)  }
0x100: {  	s4 =	sadd.s32 @p0 s4, s14;
	s7 =	sadd.s32 @p0 s7, s14;
	s16 =	sadd.s32 $0x30, s8  }
0x101: {  	v8 =	vld @p1 [tilespmem:s6+$0x0];
	s19 =	sadd.s32 $0x10, s8;
	s20 =	sadd.s32 $0x20, s8;
	s18 =	sand.u32 $0x7F, s16  }
0x102: {  	v10 =	vld @p1 [tilespmem:s12+$0x0];
	s9 =	sshll.u32 s16, $0x2;
	s6 =	sshll.u32 s19, $0x2;
	s12 =	sshll.u32 s20, $0x2  }
0x103: {  	s9 =	sand.u32 $0xFFFFFE00, s9;
	s16 =	sshll.u32 s18, $0x2;
	s18 =	sand.u32 $0x7F, s19  }
0x104: {  	v1 =	vadd.f32 @p2 v4, v1;
	v12 =	vld @p1 [tilespmem:s11+$0x0];
	s6 =	sand.u32 $0xFFFFFE00, s6;
	s12 =	sand.u32 $0xFFFFFE00, s12;
	s9 =	sor.u32 s16, s9  }
0x105: {  	v3 =	vadd.f32 @p2 v7, v3;
	v6 =	vadd.f32 @p2 v9, v6;
	v13 =	vld @p0 [tilespmem:s5+$0x0];
	s16 =	sand.u32 $0x7F, s20;
	s20 =	sand.u32 $0x7F, s8;
	s8 =	sshll.u32 s8, $0x2  }
0x106: {  	v4 =	vld @p0 [tilespmem:s2+$0x0];
	s13 =	sshll.u32 s18, $0x2;
	s9 =	sshra.s32 s9, $0x2;
	s14 =	sshll.u32 s16, $0x2  }
0x107: {  	v1 =	vpsel p2, v1, v2;
	v3 =	vpsel p2, v3, v2;
	v6 =	vpsel p2, v6, v2;
	v7 =	vld @p0 [tilespmem:s7+$0x0];
	s8 =	sand.u32 $0xFFFFFE00, s8;
	s2 =	sor.u32 s13, s6;
	s16 =	sshll.u32 s20, $0x2  }
0x108: {  	v5 =	vadd.f32 @p1 v8, v5;
	v8 =	vpsel p1, v10, v0;
	v10 =	vpsel p1, v11, v0;
	v9 =	vld @p0 [tilespmem:s4+$0x0];
	s19 =	sadd.s32 s9, s10;
	s2 =	sshra.s32 s2, $0x2;
	s18 =	sor.u32 s14, s12  }
0x109: {  	v1 =	vadd.f32 @p1 v8, v1;
	v11 =	vpsel p1, v12, v0;
	v3 =	vadd.f32 @p1 v10, v3;
	s4 =	sor.u32 s16, s8;
	v60 =	vld [tilespmem:s19+$0x0];
	s2 =	sadd.s32 s2, s10;
	s19 =	sshra.s32 s18, $0x2  }
0x10a: {  	v5 =	vpsel p1, v5, v2;
	v6 =	vadd.f32 @p1 v11, v6;
	s4 =	sshra.s32 s4, $0x2;
	v61 =	vld [tilespmem:s2+$0x0];
	s20 =	sadd.s32 s19, s10  }
0x10b: {  	v1 =	vpsel p1, v1, v2;
	v3 =	vpsel p1, v3, v2;
	v4 =	vpsel p0, v4, v0;
	s4 =	sadd.s32 s4, s10;
	v62 =	vld [tilespmem:s20+$0x0]  }
0x10c: {  	v6 =	vpsel p1, v6, v2;
	v4 =	vadd.f32 @p0 v4, v1;
	v1 =	vpsel p0, v7, v0;
	v63 =	vld [tilespmem:s4+$0x0]  }
0x10d: {  	v5 =	vadd.f32 @p0 v13, v5;
	v7 =	vpsel p0, v9, v0;
	v3 =	vadd.f32 @p0 v1, v3  }
0x10e: {  	v6 =	vadd.f32 @p0 v7, v6  }
0x10f: {  	v1 =	vpsel p0, v5, v2;
	v4 =	vpsel p0, v4, v2;
	v3 =	vpsel p0, v3, v2  }
0x110: {  	v5 =	vpsel p0, v6, v2;
	v1 =	vadd.f32 v60, v1;
	v2 =	vadd.f32 v61, v4  }
0x111: {  	v3 =	vadd.f32 v62, v3;
	v4 =	vadd.f32 v63, v5  }
.LBB2_18:
0x112: {  	s2 =	sadd.s32 $0xFFFFFFC8, s0  }
0x113: {  	p0 =	slt.s32 s2, $0x1  }
.Ltmp13:
0x114: {  	_ = 	snop;
	(pc) =	sbr.rel @p0 .LBB2_29-.Ltmp13, $1  }
0x115: {  	_ =	sdelay $0x3  }
0x116: {  	p0 =	sgt.s32 s2, $0x0  }
0x117: {  	s2 =	simm.s32 @!p0 $0x0  }
0x118: {  	s2 =	smin.u32 s2, $0x30  }
0x119: {  	p3 =	sne.s32 s2, $0x1  }
.Ltmp14:
0x11a: {  	_ = 	snop;
	(pc) =	sbr.rel @!p3 .LBB2_20-.Ltmp14, $3  }
0x11b: {  	_ =	sdelay $0x1  }
0x11c: {  	s10 =	simm.s32 $0x10680;
	p1 =	por $0x0, $0x0  }
0x11d: {  	v11 =	vld [tilespmem:s23+$0x0];
	p2 =	por $0x0, $0x0;
	p0 =	por $0x0, $0x0;
	s2 =	sadd.s32 $0xFFFFFFFF, s2  }
0x11e: {  	p3 =	sne.s32 s2, $0x1  }
.Ltmp15:
0x11f: {  	_ = 	snop;
	(pc) =	sbr.rel @!p3 .LBB2_22-.Ltmp15, $3  }
0x120: {  	_ =	sdelay $0x1  }
0x121: {  	s4 =	sadd.s32 $0x1, s23  }
0x122: {  	s2 =	sadd.s32 $0xFFFFFFFF, s2;
	p0 =	por $0x1, $0x1;
	(v2sf) =	vpush v11, $0x0;
	v11 =	vld [tilespmem:s4+$0x0]  }
0x123: {  	_ =	sdelay $0xc  }
0x124: {  	p3 =	sne.s32 s2, $0x1  }
.Ltmp16:
0x125: {  	p1 =	por $0x1, $0x1;
	s11 =	spop (v2sf);
	(pc) =	sbr.rel @!p3 .LBB2_24-.Ltmp16, $4  }
0x126: {  	s6 =	sadd.s32 $0x10, s11;
	s13 =	sadd.s32 $0x20, s11;
	s5 =	sadd.s32 $0x30, s11  }
0x127: {  	s19 =	sand.u32 $0x7F, s6;
	s7 =	sand.u32 $0x7F, s5;
	s8 =	sshll.u32 s5, $0x2  }
0x128: {  	s5 =	sadd.s32 $0x1, s4;
	s8 =	sand.u32 $0xFFFFFE00, s8;
	s7 =	sshll.u32 s7, $0x2  }
0x129: {  	(v2sf) =	vpush v11, $0x0;
	s4 =	sadd.s32 $0xFFFFFFFF, s2;
	s14 =	sshll.u32 s6, $0x2;
	v11 =	vld [tilespmem:s5+$0x0];
	s9 =	sor.u32 s7, s8  }
0x12a: {  	_ =	sdelay $0x7  }
0x12b: {  	p3 =	sne.s32 s4, $0x1;
	s2 =	sshra.s32 s9, $0x2  }
0x12c: {  	s6 =	sand.u32 $0x7F, s13;
	s7 =	sshll.u32 s13, $0x2;
	s8 =	sand.u32 $0x7F, s11  }
0x12d: {  	s12 =	sshll.u32 s11, $0x2;
	s16 =	sand.u32 $0xFFFFFE00, s14;
	s18 =	sshll.u32 s19, $0x2  }
0x12e: {  	p2 =	por $0x1, $0x1;
	s2 =	sadd.s32 $0x10680, s2;
	s7 =	sand.u32 $0xFFFFFE00, s7  }
0x12f: {  	s12 =	sand.u32 $0xFFFFFE00, s12;
	s8 =	sshll.u32 s8, $0x2;
	s16 =	sor.u32 s18, s16  }
0x130: {  	s6 =	sshll.u32 s6, $0x2;
	s8 =	sor.u32 s8, s12;
	s18 =	sshra.s32 s16, $0x2  }
0x131: {  	s6 =	sor.u32 s6, s7;
	s8 =	sshra.s32 s8, $0x2;
	s7 =	spop (v2sf);
	(v2sf) =	vpush v11, $0x0  }
0x132: {  	v5 =	vld [tilespmem:s2+$0x0];
	s12 =	sadd.s32 $0x10680, s18;
	s20 =	sshra.s32 s6, $0x2;
	s6 =	sadd.s32 $0x10680, s8  }
.Ltmp17:
0x133: {  	s16 =	sadd.s32 $0x10680, s20;
	v12 =	vld [tilespmem:s6+$0x0];
	s6 =	simm.s32 $0x10680;
	(pc) =	sbr.rel @!p3 .LBB2_26-.Ltmp17, $4  }
0x134: {  	v7 =	vld [tilespmem:s12+$0x0];
	s18 =	sadd.s32 $0x10, s7;
	s20 =	sadd.s32 $0x30, s7;
	s8 =	sadd.s32 $0x20, s7  }
0x135: {  	v10 =	vld [tilespmem:s16+$0x0];
	s2 =	sand.u32 $0x7F, s18;
	s12 =	sshll.u32 s20, $0x2;
	s16 =	sand.u32 $0x7F, s20  }
0x136: {  	s20 =	sadd.s32 $0x1, s5;
	s5 =	sand.u32 $0xFFFFFE00, s12;
	s16 =	sshll.u32 s16, $0x2  }
0x137: {  	v6 =	vmovc v3;
	v9 =	vmov v4;
	v8 =	vadd.f32 v5, v1;
	v5 =	vmov v2;
	s12 =	sadd.s32 $0xFFFFFFFF, s4;
	s4 =	sshll.u32 s18, $0x2;
	v11 =	vld [tilespmem:s20+$0x0];
	s5 =	sor.u32 s16, s5  }
.LBB2_27:
0x138: {  	p3 =	sne.s32 s12, $0x1;
	s5 =	sshra.s32 s5, $0x2  }
0x139: {  	v5 =	vadd.f32 v7, v5;
	s6 =	sadd.s32 $0x80, s6;
	s16 =	sand.u32 $0x7F, s8;
	s8 =	sshll.u32 s8, $0x2  }
0x13a: {  	s18 =	sand.u32 $0x7F, s7;
	s7 =	sshll.u32 s7, $0x2;
	s5 =	sadd.s32 s5, s6;
	v6 =	vadd.f32 v10, v6  }
0x13b: {  	s4 =	sand.u32 $0xFFFFFE00, s4;
	s2 =	sshll.u32 s2, $0x2;
	s7 =	sand.u32 $0xFFFFFE00, s7;
	v10 =	vld [tilespmem:s5+$0x0];
	v9 =	vadd.f32 v12, v9  }
0x13c: {  	s5 =	sand.u32 $0xFFFFFE00, s8;
	s8 =	sshll.u32 s16, $0x2;
	s16 =	sshll.u32 s18, $0x2  }
0x13d: {  	s2 =	sor.u32 s2, s4;
	s4 =	sor.u32 s16, s7;
	(v2sf) =	vpush v11, $0x0  }
0x13e: {  	s2 =	sshra.s32 s2, $0x2;
	s5 =	sor.u32 s8, s5;
	s4 =	sshra.s32 s4, $0x2  }
0x13f: {  	s2 =	sadd.s32 s2, s6;
	s5 =	sshra.s32 s5, $0x2;
	s4 =	sadd.s32 s4, s6  }
.Ltmp18:
0x140: {  	s7 =	spop (v2sf);
	v7 =	vld [tilespmem:s2+$0x0];
	s2 =	sadd.s32 s5, s6;
	v8 =	vadd.f32 v10, v8;
	(pc) =	sbr.rel @p3 .LBB2_27-.Ltmp18, $4  }
0x141: {  	s5 =	sadd.s32 $0x10, s7;
	s8 =	sadd.s32 $0x20, s7;
	s16 =	sadd.s32 $0x30, s7;
	v10 =	vld [tilespmem:s2+$0x0]  }
0x142: {  	s2 =	sand.u32 $0x7F, s5;
	s18 =	sand.u32 $0x7F, s16;
	s16 =	sshll.u32 s16, $0x2;
	v12 =	vld [tilespmem:s4+$0x0]  }
0x143: {  	s20 =	sadd.s32 $0x1, s20;
	s16 =	sand.u32 $0xFFFFFE00, s16;
	s18 =	sshll.u32 s18, $0x2  }
0x144: {  	s12 =	sadd.s32 $0xFFFFFFFF, s12;
	s4 =	sshll.u32 s5, $0x2;
	v11 =	vld [tilespmem:s20+$0x0];
	s5 =	sor.u32 s18, s16  }
.LBB2_28:
0x145: {  	_ = 	snop  }
0x146: {  	s6 =	sadd.s32 @p2 $0x80, s6;
	s12 =	simm.s32 $0x10680  }
0x147: {  	s5 =	sshra.s32 @p1 s5, $0x2;
	s16 =	sand.u32 @p1 $0x7F, s8;
	s4 =	sand.u32 @p1 $0xFFFFFE00, s4  }
0x148: {  	s2 =	sshll.u32 @p1 s2, $0x2;
	s12 =	smov.u32 @p2 s6;
	s6 =	sshll.u32 @p1 s8, $0x2  }
0x149: {  	s8 =	sand.u32 @p1 $0x7F, s7;
	s7 =	sshll.u32 @p1 s7, $0x2;
	s16 =	sshll.u32 @p1 s16, $0x2  }
0x14a: {  	s2 =	sor.u32 @p1 s2, s4;
	s5 =	sadd.s32 @p1 s5, s12;
	s6 =	sand.u32 @p1 $0xFFFFFE00, s6  }
0x14b: {  	s7 =	sand.u32 @p1 $0xFFFFFE00, s7;
	s8 =	sshll.u32 @p1 s8, $0x2;
	s2 =	sshra.s32 @p1 s2, $0x2  }
0x14c: {  	s4 =	sor.u32 @p1 s8, s7;
	s6 =	sor.u32 @p1 s16, s6;
	(v2sf) =	vpush v11, $0x0;
	s7 =	spop @p0 (v2sf)  }
0x14d: {  	s2 =	sadd.s32 @p1 s2, s12;
	s4 =	sshra.s32 @p1 s4, $0x2;
	s8 =	sadd.s32 @p0 $0x30, s7  }
0x14e: {  	s6 =	sshra.s32 @p1 s6, $0x2;
	s16 =	sand.u32 @p0 $0x7F, s8;
	s8 =	sshll.u32 @p0 s8, $0x2  }
0x14f: {  	s4 =	sadd.s32 @p1 s4, s12;
	s8 =	sand.u32 @p0 $0xFFFFFE00, s8;
	s16 =	sshll.u32 @p0 s16, $0x2  }
0x150: {  	s6 =	sadd.s32 @p1 s6, s12;
	s11 =	smov.u32 @p0 s7;
	s8 =	sor.u32 @p0 s16, s8  }
0x151: {  	s16 =	sadd.s32 @p0 $0x20, s7;
	s9 =	smov.u32 @p0 s8;
	s8 =	sadd.s32 @p0 $0x10, s7  }
0x152: {  	s13 =	smov.u32 @p0 s16;
	s7 =	sadd.s32 @p1 $0x80, s12;
	s16 =	sand.u32 @p0 $0x7F, s8  }
0x153: {  	s8 =	sshll.u32 @p0 s8, $0x2;
	s9 =	sshra.s32 @p0 s9, $0x2;
	s12 =	sshll.u32 @p0 s13, $0x2  }
0x154: {  	s14 =	smov.u32 @p0 s8;
	s8 =	simm.s32 $0x10680;
	s19 =	smov.u32 @p0 s16  }
0x155: {  	s12 =	sand.u32 @p0 $0xFFFFFE00, s12;
	s8 =	smov.u32 @p1 s7;
	s7 =	sand.u32 @p0 $0x7F, s13  }
0x156: {  	s13 =	sand.u32 @p0 $0x7F, s11;
	s11 =	sshll.u32 @p0 s11, $0x2;
	s14 =	sand.u32 @p0 $0xFFFFFE00, s14  }
0x157: {  	s16 =	sshll.u32 @p0 s19, $0x2;
	s9 =	sadd.s32 @p0 s9, s8;
	s7 =	sshll.u32 @p0 s7, $0x2  }
0x158: {  	s11 =	sand.u32 @p0 $0xFFFFFE00, s11;
	s13 =	sshll.u32 @p0 s13, $0x2;
	s14 =	sor.u32 @p0 s16, s14  }
0x159: {  	s11 =	sor.u32 @p0 s13, s11;
	s13 =	sshra.s32 @p0 s14, $0x2;
	s7 =	sor.u32 @p0 s7, s12  }
0x15a: {  	s11 =	sshra.s32 @p0 s11, $0x2;
	s12 =	sadd.s32 @p0 s13, s8;
	s7 =	sshra.s32 @p0 s7, $0x2  }
0x15b: {  	s13 =	spop (v2sf);
	s11 =	sadd.s32 @p0 s11, s8;
	s7 =	sadd.s32 @p0 s7, s8  }
0x15c: {  	s8 =	sadd.s32 @p0 $0x80, s8;
	s18 =	sadd.s32 $0x30, s13;
	s20 =	sadd.s32 $0x10, s13  }
0x15d: {  	v13 =	vld @p1 [tilespmem:s2+$0x0];
	s2 =	sadd.s32 $0x20, s13;
	s10 =	smov.u32 @p0 s8;
	s19 =	sand.u32 $0x7F, s18  }
0x15e: {  	v11 =	vld @p1 [tilespmem:s5+$0x0];
	s14 =	sshll.u32 s18, $0x2;
	s18 =	sand.u32 $0x7F, s20;
	s5 =	sshll.u32 s20, $0x2  }
0x15f: {  	v14 =	vld @p1 [tilespmem:s6+$0x0];
	s20 =	sand.u32 $0x7F, s2;
	s2 =	sshll.u32 s2, $0x2;
	s14 =	sand.u32 $0xFFFFFE00, s14  }
0x160: {  	v5 =	vadd.f32 @p2 v7, v5;
	v15 =	vld @p1 [tilespmem:s4+$0x0];
	s16 =	sshll.u32 s19, $0x2;
	s5 =	sand.u32 $0xFFFFFE00, s5;
	s18 =	sshll.u32 s18, $0x2  }
0x161: {  	v6 =	vadd.f32 @p2 v10, v6;
	v9 =	vadd.f32 @p2 v12, v9;
	v16 =	vld @p0 [tilespmem:s9+$0x0];
	s2 =	sand.u32 $0xFFFFFE00, s2;
	s4 =	sshll.u32 s20, $0x2;
	s14 =	sor.u32 s16, s14  }
0x162: {  	v7 =	vld @p0 [tilespmem:s12+$0x0];
	s16 =	sshll.u32 s13, $0x2;
	s5 =	sor.u32 s18, s5;
	s2 =	sor.u32 s4, s2  }
0x163: {  	v5 =	vpsel p2, v5, v2;
	v6 =	vpsel p2, v6, v3;
	v9 =	vpsel p2, v9, v4;
	v10 =	vld @p0 [tilespmem:s7+$0x0];
	s19 =	sshra.s32 s14, $0x2;
	s14 =	sand.u32 $0x7F, s13;
	s5 =	sshra.s32 s5, $0x2  }
0x164: {  	v8 =	vadd.f32 @p1 v11, v8;
	v11 =	vpsel p1, v13, v0;
	v13 =	vpsel p1, v14, v0;
	v12 =	vld @p0 [tilespmem:s11+$0x0];
	s6 =	sadd.s32 s19, s10;
	s19 =	sand.u32 $0xFFFFFE00, s16;
	s8 =	sshll.u32 s14, $0x2  }
0x165: {  	v5 =	vadd.f32 @p1 v11, v5;
	v14 =	vpsel p1, v15, v0;
	v6 =	vadd.f32 @p1 v13, v6;
	s2 =	sshra.s32 s2, $0x2;
	s5 =	sadd.s32 s5, s10;
	v61 =	vld [tilespmem:s6+$0x0];
	s20 =	sor.u32 s8, s19  }
0x166: {  	v8 =	vpsel p1, v8, v1;
	v9 =	vadd.f32 @p1 v14, v9;
	s2 =	sadd.s32 s2, s10;
	v62 =	vld [tilespmem:s5+$0x0];
	s4 =	sshra.s32 s20, $0x2  }
0x167: {  	v5 =	vpsel p1, v5, v2;
	v6 =	vpsel p1, v6, v3;
	v7 =	vpsel p0, v7, v0;
	v63 =	vld [tilespmem:s2+$0x0];
	s4 =	sadd.s32 s4, s10  }
0x168: {  	v8 =	vadd.f32 @p0 v16, v8;
	v5 =	vadd.f32 @p0 v7, v5;
	v10 =	vpsel p0, v10, v0;
	v7 =	vld [tilespmem:s4+$0x0]  }
0x169: {  	v9 =	vpsel p1, v9, v4;
	v12 =	vpsel p0, v12, v0;
	v6 =	vadd.f32 @p0 v10, v6  }
0x16a: {  	v1 =	vpsel p0, v8, v1;
	v8 =	vadd.f32 @p0 v12, v9  }
0x16b: {  	v2 =	vpsel p0, v5, v2;
	v3 =	vpsel p0, v6, v3  }
0x16c: {  	v4 =	vpsel p0, v8, v4;
	v1 =	vadd.f32 v61, v1;
	v2 =	vadd.f32 v62, v2  }
0x16d: {  	v3 =	vadd.f32 v63, v3;
	v4 =	vadd.f32 v7, v4  }
.LBB2_29:
0x16e: {  	s2 =	sadd.s32 $0xFFFFFF98, s0  }
0x16f: {  	p0 =	slt.s32 s2, $0x1  }
.Ltmp19:
0x170: {  	_ = 	snop;
	(pc) =	sbr.rel @p0 .LBB2_40-.Ltmp19, $1  }
0x171: {  	_ =	sdelay $0x3  }
0x172: {  	p0 =	sgt.s32 s2, $0x0  }
0x173: {  	s2 =	simm.s32 @!p0 $0x0  }
0x174: {  	s2 =	smin.u32 s2, $0x30  }
0x175: {  	p3 =	sne.s32 s2, $0x1  }
.Ltmp20:
0x176: {  	_ = 	snop;
	(pc) =	sbr.rel @!p3 .LBB2_31-.Ltmp20, $3  }
0x177: {  	_ =	sdelay $0x1  }
0x178: {  	s10 =	simm.s32 $0x11E80;
	p1 =	por $0x0, $0x0  }
0x179: {  	v11 =	vld [tilespmem:s24+$0x0];
	p2 =	por $0x0, $0x0;
	p0 =	por $0x0, $0x0;
	s2 =	sadd.s32 $0xFFFFFFFF, s2  }
0x17a: {  	p3 =	sne.s32 s2, $0x1  }
.Ltmp21:
0x17b: {  	_ = 	snop;
	(pc) =	sbr.rel @!p3 .LBB2_33-.Ltmp21, $3  }
0x17c: {  	_ =	sdelay $0x1  }
0x17d: {  	s4 =	sadd.s32 $0x1, s24  }
0x17e: {  	s2 =	sadd.s32 $0xFFFFFFFF, s2;
	p0 =	por $0x1, $0x1;
	(v2sf) =	vpush v11, $0x0;
	v11 =	vld [tilespmem:s4+$0x0]  }
0x17f: {  	_ =	sdelay $0xc  }
0x180: {  	p3 =	sne.s32 s2, $0x1  }
.Ltmp22:
0x181: {  	s9 =	sadd.s32 $0x1, s4;
	s11 =	spop (v2sf);
	(pc) =	sbr.rel @!p3 .LBB2_35-.Ltmp22, $4  }
0x182: {  	p1 =	por $0x1, $0x1;
	s5 =	sadd.s32 $0x10, s11;
	s6 =	sadd.s32 $0x30, s11  }
0x183: {  	s13 =	sadd.s32 $0x20, s11;
	s7 =	sand.u32 $0x7F, s6;
	s6 =	sshll.u32 s6, $0x2  }
0x184: {  	s19 =	sand.u32 $0x7F, s5;
	s8 =	sand.u32 $0xFFFFFE00, s6;
	s7 =	sshll.u32 s7, $0x2  }
0x185: {  	(v2sf) =	vpush v11, $0x0;
	v11 =	vld [tilespmem:s9+$0x0];
	s4 =	sshll.u32 s5, $0x2;
	s6 =	sadd.s32 $0xFFFFFFFF, s2;
	s5 =	sor.u32 s7, s8  }
0x186: {  	_ =	sdelay $0x7  }
0x187: {  	p3 =	sne.s32 s6, $0x1;
	s2 =	sshra.s32 s5, $0x2  }
0x188: {  	s7 =	sand.u32 $0x7F, s13;
	s8 =	sshll.u32 s13, $0x2;
	s12 =	sand.u32 $0x7F, s11  }
0x189: {  	s14 =	sshll.u32 s11, $0x2;
	s16 =	sand.u32 $0xFFFFFE00, s4;
	s18 =	sshll.u32 s19, $0x2  }
0x18a: {  	s2 =	sadd.s32 $0x11E80, s2;
	s8 =	sand.u32 $0xFFFFFE00, s8;
	s14 =	sand.u32 $0xFFFFFE00, s14  }
0x18b: {  	s12 =	sshll.u32 s12, $0x2;
	s16 =	sor.u32 s18, s16;
	s7 =	sshll.u32 s7, $0x2  }
0x18c: {  	s12 =	sor.u32 s12, s14;
	s16 =	sshra.s32 s16, $0x2;
	s7 =	sor.u32 s7, s8  }
0x18d: {  	s18 =	sshra.s32 s12, $0x2;
	s20 =	sshra.s32 s7, $0x2;
	s7 =	spop (v2sf);
	(v2sf) =	vpush v11, $0x0  }
0x18e: {  	p2 =	por $0x1, $0x1;
	v5 =	vld [tilespmem:s2+$0x0];
	s12 =	sadd.s32 $0x11E80, s16;
	s14 =	sadd.s32 $0x11E80, s18  }
.Ltmp23:
0x18f: {  	s16 =	sadd.s32 $0x11E80, s20;
	s18 =	sadd.s32 $0x10, s7;
	(pc) =	sbr.rel @!p3 .LBB2_37-.Ltmp23, $4  }
0x190: {  	v7 =	vld [tilespmem:s12+$0x0];
	s20 =	sadd.s32 $0x30, s7;
	s8 =	sadd.s32 $0x20, s7;
	s2 =	sand.u32 $0x7F, s18  }
0x191: {  	v10 =	vld [tilespmem:s16+$0x0];
	s12 =	sshll.u32 s20, $0x2;
	s16 =	sand.u32 $0x7F, s20;
	s20 =	sadd.s32 $0x1, s9  }
0x192: {  	v12 =	vld [tilespmem:s14+$0x0];
	s14 =	sshll.u32 s18, $0x2;
	s9 =	sand.u32 $0xFFFFFE00, s12;
	s16 =	sshll.u32 s16, $0x2  }
0x193: {  	v6 =	vmovc v3;
	v9 =	vmov v4;
	v8 =	vadd.f32 v5, v1;
	v5 =	vmov v2;
	s12 =	sadd.s32 $0xFFFFFFFF, s6;
	v11 =	vld [tilespmem:s20+$0x0];
	s6 =	simm.s32 $0x11E80;
	s9 =	sor.u32 s16, s9  }
.LBB2_38:
0x194: {  	p3 =	sne.s32 s12, $0x1;
	s9 =	sshra.s32 s9, $0x2  }
0x195: {  	v5 =	vadd.f32 v7, v5;
	s6 =	sadd.s32 $0x80, s6;
	s16 =	sand.u32 $0x7F, s8;
	s8 =	sshll.u32 s8, $0x2  }
0x196: {  	s18 =	sand.u32 $0x7F, s7;
	s7 =	sshll.u32 s7, $0x2;
	s9 =	sadd.s32 s9, s6;
	v6 =	vadd.f32 v10, v6  }
0x197: {  	s14 =	sand.u32 $0xFFFFFE00, s14;
	s2 =	sshll.u32 s2, $0x2;
	s8 =	sand.u32 $0xFFFFFE00, s8;
	v10 =	vld [tilespmem:s9+$0x0];
	v9 =	vadd.f32 v12, v9  }
0x198: {  	s7 =	sand.u32 $0xFFFFFE00, s7;
	s9 =	sshll.u32 s16, $0x2;
	s16 =	sshll.u32 s18, $0x2  }
0x199: {  	s2 =	sor.u32 s2, s14;
	s7 =	sor.u32 s16, s7;
	(v2sf) =	vpush v11, $0x0  }
0x19a: {  	s2 =	sshra.s32 s2, $0x2;
	s8 =	sor.u32 s9, s8;
	s9 =	sshra.s32 s7, $0x2  }
0x19b: {  	s2 =	sadd.s32 s2, s6;
	s8 =	sshra.s32 s8, $0x2;
	s9 =	sadd.s32 s9, s6  }
.Ltmp24:
0x19c: {  	s7 =	spop (v2sf);
	v7 =	vld [tilespmem:s2+$0x0];
	s2 =	sadd.s32 s8, s6;
	v8 =	vadd.f32 v10, v8;
	(pc) =	sbr.rel @p3 .LBB2_38-.Ltmp24, $4  }
0x19d: {  	s14 =	sadd.s32 $0x10, s7;
	s8 =	sadd.s32 $0x20, s7;
	s16 =	sadd.s32 $0x30, s7;
	v10 =	vld [tilespmem:s2+$0x0]  }
0x19e: {  	s2 =	sand.u32 $0x7F, s14;
	s18 =	sand.u32 $0x7F, s16;
	s16 =	sshll.u32 s16, $0x2;
	v12 =	vld [tilespmem:s9+$0x0]  }
0x19f: {  	s20 =	sadd.s32 $0x1, s20;
	s9 =	sand.u32 $0xFFFFFE00, s16;
	s16 =	sshll.u32 s18, $0x2  }
0x1a0: {  	s12 =	sadd.s32 $0xFFFFFFFF, s12;
	s14 =	sshll.u32 s14, $0x2;
	v11 =	vld [tilespmem:s20+$0x0];
	s9 =	sor.u32 s16, s9  }
.LBB2_39:
0x1a1: {  	_ = 	snop  }
0x1a2: {  	s6 =	sadd.s32 @p2 $0x80, s6;
	s12 =	simm.s32 $0x11E80;
	s9 =	sshra.s32 @p1 s9, $0x2  }
0x1a3: {  	s16 =	sand.u32 @p1 $0x7F, s8;
	s8 =	sshll.u32 @p1 s8, $0x2;
	s14 =	sand.u32 @p1 $0xFFFFFE00, s14  }
0x1a4: {  	s2 =	sshll.u32 @p1 s2, $0x2;
	s12 =	smov.u32 @p2 s6;
	s8 =	sand.u32 @p1 $0xFFFFFE00, s8  }
0x1a5: {  	s16 =	sshll.u32 @p1 s16, $0x2;
	s2 =	sor.u32 @p1 s2, s14;
	s6 =	sadd.s32 @p1 s9, s12  }
0x1a6: {  	s9 =	sand.u32 @p1 $0x7F, s7;
	s7 =	sshll.u32 @p1 s7, $0x2;
	s2 =	sshra.s32 @p1 s2, $0x2  }
0x1a7: {  	s8 =	sor.u32 @p1 s16, s8;
	s7 =	sand.u32 @p1 $0xFFFFFE00, s7;
	s9 =	sshll.u32 @p1 s9, $0x2  }
0x1a8: {  	s8 =	sshra.s32 @p1 s8, $0x2;
	(v2sf) =	vpush v11, $0x0;
	s7 =	sor.u32 @p1 s9, s7;
	s9 =	spop @p0 (v2sf)  }
0x1a9: {  	s2 =	sadd.s32 @p1 s2, s12;
	s8 =	sadd.s32 @p1 s8, s12;
	s14 =	sadd.s32 @p0 $0x30, s9  }
0x1aa: {  	s7 =	sshra.s32 @p1 s7, $0x2;
	s16 =	sand.u32 @p0 $0x7F, s14;
	s14 =	sshll.u32 @p0 s14, $0x2  }
0x1ab: {  	s7 =	sadd.s32 @p1 s7, s12;
	s14 =	sand.u32 @p0 $0xFFFFFE00, s14;
	s16 =	sshll.u32 @p0 s16, $0x2  }
0x1ac: {  	s11 =	smov.u32 @p0 s9;
	s14 =	sor.u32 @p0 s16, s14;
	s16 =	sadd.s32 @p0 $0x20, s9  }
0x1ad: {  	s5 =	smov.u32 @p0 s14;
	s14 =	sadd.s32 @p0 $0x10, s9;
	s13 =	smov.u32 @p0 s16  }
0x1ae: {  	s9 =	sadd.s32 @p1 $0x80, s12;
	s12 =	simm.s32 $0x11E80;
	s16 =	sand.u32 @p0 $0x7F, s14  }
0x1af: {  	s14 =	sshll.u32 @p0 s14, $0x2;
	s5 =	sshra.s32 @p0 s5, $0x2;
	s12 =	smov.u32 @p1 s9  }
0x1b0: {  	s9 =	sand.u32 @p0 $0x7F, s13;
	s13 =	sshll.u32 @p0 s13, $0x2;
	s4 =	smov.u32 @p0 s14  }
0x1b1: {  	s19 =	smov.u32 @p0 s16;
	s5 =	sadd.s32 @p0 s5, s12;
	s14 =	sand.u32 @p0 $0x7F, s11  }
0x1b2: {  	s11 =	sshll.u32 @p0 s11, $0x2;
	s13 =	sand.u32 @p0 $0xFFFFFE00, s13;
	s9 =	sshll.u32 @p0 s9, $0x2  }
0x1b3: {  	s4 =	sand.u32 @p0 $0xFFFFFE00, s4;
	s16 =	sshll.u32 @p0 s19, $0x2;
	s11 =	sand.u32 @p0 $0xFFFFFE00, s11  }
0x1b4: {  	s14 =	sshll.u32 @p0 s14, $0x2;
	s9 =	sor.u32 @p0 s9, s13;
	s4 =	sor.u32 @p0 s16, s4  }
0x1b5: {  	s11 =	sor.u32 @p0 s14, s11;
	s9 =	sshra.s32 @p0 s9, $0x2;
	s4 =	sshra.s32 @p0 s4, $0x2  }
0x1b6: {  	s11 =	sshra.s32 @p0 s11, $0x2;
	s9 =	sadd.s32 @p0 s9, s12;
	s4 =	sadd.s32 @p0 s4, s12  }
0x1b7: {  	s11 =	sadd.s32 @p0 s11, s12;
	s12 =	sadd.s32 @p0 $0x80, s12;
	s13 =	spop (v2sf)  }
0x1b8: {  	s10 =	smov.u32 @p0 s12;
	s16 =	sadd.s32 $0x30, s13  }
0x1b9: {  	v11 =	vld @p1 [tilespmem:s6+$0x0];
	s19 =	sadd.s32 $0x10, s13;
	s20 =	sadd.s32 $0x20, s13;
	s18 =	sand.u32 $0x7F, s16  }
0x1ba: {  	v13 =	vld @p1 [tilespmem:s2+$0x0];
	s14 =	sshll.u32 s16, $0x2;
	s6 =	sshll.u32 s19, $0x2;
	s2 =	sshll.u32 s20, $0x2  }
0x1bb: {  	v14 =	vld @p1 [tilespmem:s8+$0x0];
	s14 =	sand.u32 $0xFFFFFE00, s14;
	s16 =	sshll.u32 s18, $0x2;
	s18 =	sand.u32 $0x7F, s19  }
0x1bc: {  	v15 =	vld @p1 [tilespmem:s7+$0x0];
	s19 =	sand.u32 $0x7F, s13;
	s2 =	sand.u32 $0xFFFFFE00, s2;
	s14 =	sor.u32 s16, s14  }
0x1bd: {  	v5 =	vadd.f32 @p2 v7, v5;
	v16 =	vld @p0 [tilespmem:s5+$0x0];
	s16 =	sand.u32 $0x7F, s20;
	s20 =	sshll.u32 s13, $0x2;
	s13 =	sand.u32 $0xFFFFFE00, s6  }
0x1be: {  	v6 =	vadd.f32 @p2 v10, v6;
	v9 =	vadd.f32 @p2 v12, v9;
	v7 =	vld @p0 [tilespmem:s4+$0x0];
	s14 =	sshra.s32 s14, $0x2;
	s7 =	sshll.u32 s16, $0x2;
	s16 =	sand.u32 $0xFFFFFE00, s20  }
0x1bf: {  	v5 =	vpsel p2, v5, v2;
	v8 =	vadd.f32 @p1 v11, v8;
	v11 =	vpsel p1, v13, v0;
	v10 =	vld @p0 [tilespmem:s9+$0x0];
	s5 =	sadd.s32 s14, s10;
	s14 =	sshll.u32 s18, $0x2;
	s2 =	sor.u32 s7, s2  }
0x1c0: {  	v6 =	vpsel p2, v6, v3;
	v13 =	vpsel p1, v14, v0;
	v5 =	vadd.f32 @p1 v11, v5;
	v12 =	vld @p0 [tilespmem:s11+$0x0];
	s18 =	sshll.u32 s19, $0x2;
	s4 =	sor.u32 s14, s13;
	s2 =	sshra.s32 s2, $0x2  }
0x1c1: {  	v9 =	vpsel p2, v9, v4;
	v6 =	vadd.f32 @p1 v13, v6;
	v61 =	vld [tilespmem:s5+$0x0];
	s19 =	sor.u32 s18, s16;
	s4 =	sshra.s32 s4, $0x2;
	s2 =	sadd.s32 s2, s10  }
0x1c2: {  	v8 =	vpsel p1, v8, v1;
	v14 =	vpsel p1, v15, v0;
	v5 =	vpsel p1, v5, v2;
	s5 =	sshra.s32 s19, $0x2;
	s4 =	sadd.s32 s4, s10;
	v63 =	vld [tilespmem:s2+$0x0]  }
0x1c3: {  	v9 =	vadd.f32 @p1 v14, v9;
	v6 =	vpsel p1, v6, v3;
	v7 =	vpsel p0, v7, v0;
	s20 =	sadd.s32 s5, s10;
	v62 =	vld [tilespmem:s4+$0x0]  }
0x1c4: {  	v8 =	vadd.f32 @p0 v16, v8;
	v10 =	vpsel p0, v10, v0;
	v5 =	vadd.f32 @p0 v7, v5;
	v7 =	vld [tilespmem:s20+$0x0]  }
0x1c5: {  	v9 =	vpsel p1, v9, v4;
	v12 =	vpsel p0, v12, v0;
	v6 =	vadd.f32 @p0 v10, v6  }
0x1c6: {  	v1 =	vpsel p0, v8, v1;
	v8 =	vadd.f32 @p0 v12, v9  }
0x1c7: {  	v3 =	vpsel p0, v6, v3;
	v2 =	vpsel p0, v5, v2  }
0x1c8: {  	v4 =	vpsel p0, v8, v4;
	v1 =	vadd.f32 v61, v1;
	v3 =	vadd.f32 v63, v3  }
0x1c9: {  	v2 =	vadd.f32 v62, v2;
	v4 =	vadd.f32 v7, v4  }
.LBB2_40:
0x1ca: {  	s0 =	sadd.s32 $0xFFFFFF68, s0  }
0x1cb: {  	p0 =	slt.s32 s0, $0x1  }
.Ltmp25:
0x1cc: {  	_ = 	snop;
	(pc) =	sbr.rel @p0 .LBB2_51-.Ltmp25, $1  }
0x1cd: {  	_ =	sdelay $0x3  }
0x1ce: {  	p0 =	sgt.s32 s0, $0x0  }
0x1cf: {  	s0 =	simm.s32 @!p0 $0x0  }
0x1d0: {  	s2 =	smin.u32 s0, $0x30  }
0x1d1: {  	p3 =	sne.s32 s2, $0x1  }
.Ltmp26:
0x1d2: {  	_ = 	snop;
	(pc) =	sbr.rel @!p3 .LBB2_42-.Ltmp26, $3  }
0x1d3: {  	_ =	sdelay $0x1  }
0x1d4: {  	p1 =	por $0x0, $0x0;
	p2 =	por $0x0, $0x0  }
0x1d5: {  	v11 =	vld [tilespmem:s25+$0x0];
	p0 =	por $0x0, $0x0;
	s0 =	simm.s32 $0x13680;
	s2 =	sadd.s32 $0xFFFFFFFF, s2  }
0x1d6: {  	p3 =	sne.s32 s2, $0x1  }
.Ltmp27:
0x1d7: {  	_ = 	snop;
	(pc) =	sbr.rel @!p3 .LBB2_44-.Ltmp27, $3  }
0x1d8: {  	_ =	sdelay $0x1  }
0x1d9: {  	s4 =	sadd.s32 $0x1, s25  }
0x1da: {  	s2 =	sadd.s32 $0xFFFFFFFF, s2;
	p0 =	por $0x1, $0x1;
	(v2sf) =	vpush v11, $0x0;
	v11 =	vld [tilespmem:s4+$0x0]  }
0x1db: {  	_ =	sdelay $0xc  }
0x1dc: {  	p3 =	sne.s32 s2, $0x1  }
.Ltmp28:
0x1dd: {  	s9 =	sadd.s32 $0x1, s4;
	s10 =	spop (v2sf);
	(pc) =	sbr.rel @!p3 .LBB2_46-.Ltmp28, $4  }
0x1de: {  	p1 =	por $0x1, $0x1;
	s5 =	sadd.s32 $0x10, s10;
	s6 =	sadd.s32 $0x30, s10  }
0x1df: {  	s11 =	sadd.s32 $0x20, s10;
	s7 =	sand.u32 $0x7F, s6;
	s6 =	sshll.u32 s6, $0x2  }
0x1e0: {  	s13 =	sand.u32 $0x7F, s5;
	s8 =	sand.u32 $0xFFFFFE00, s6;
	s7 =	sshll.u32 s7, $0x2  }
0x1e1: {  	(v2sf) =	vpush v11, $0x0;
	v11 =	vld [tilespmem:s9+$0x0];
	s4 =	sshll.u32 s5, $0x2;
	s6 =	sadd.s32 $0xFFFFFFFF, s2;
	s5 =	sor.u32 s7, s8  }
0x1e2: {  	_ =	sdelay $0x7  }
0x1e3: {  	p3 =	sne.s32 s6, $0x1;
	s2 =	sshra.s32 s5, $0x2  }
0x1e4: {  	s7 =	sand.u32 $0x7F, s11;
	s8 =	sshll.u32 s11, $0x2;
	s12 =	sand.u32 $0x7F, s10  }
0x1e5: {  	s14 =	sshll.u32 s10, $0x2;
	s16 =	sand.u32 $0xFFFFFE00, s4;
	s18 =	sshll.u32 s13, $0x2  }
0x1e6: {  	p2 =	por $0x1, $0x1;
	s2 =	sadd.s32 $0x13680, s2;
	s8 =	sand.u32 $0xFFFFFE00, s8  }
0x1e7: {  	s14 =	sand.u32 $0xFFFFFE00, s14;
	s12 =	sshll.u32 s12, $0x2;
	s7 =	sshll.u32 s7, $0x2  }
0x1e8: {  	s16 =	sor.u32 s18, s16;
	s12 =	sor.u32 s12, s14;
	s7 =	sor.u32 s7, s8  }
0x1e9: {  	s16 =	sshra.s32 s16, $0x2;
	s19 =	sshra.s32 s7, $0x2;
	s7 =	spop (v2sf);
	(v2sf) =	vpush v11, $0x0  }
0x1ea: {  	v5 =	vld [tilespmem:s2+$0x0];
	s18 =	sshra.s32 s12, $0x2;
	s20 =	sadd.s32 $0x13680, s16;
	s12 =	sadd.s32 $0xFFFFFFFF, s6  }
.Ltmp29:
0x1eb: {  	s6 =	simm.s32 $0x13680;
	s14 =	sadd.s32 $0x13680, s18;
	(pc) =	sbr.rel @!p3 .LBB2_48-.Ltmp29, $4  }
0x1ec: {  	s16 =	sadd.s32 $0x13680, s19;
	v7 =	vld [tilespmem:s20+$0x0];
	s18 =	sadd.s32 $0x10, s7;
	s19 =	sadd.s32 $0x30, s7  }
0x1ed: {  	v10 =	vld [tilespmem:s16+$0x0];
	s8 =	sadd.s32 $0x20, s7;
	s20 =	sshll.u32 s19, $0x2;
	s16 =	sand.u32 $0x7F, s19  }
0x1ee: {  	v12 =	vld [tilespmem:s14+$0x0];
	s19 =	sadd.s32 $0x1, s9;
	s20 =	sand.u32 $0xFFFFFE00, s20;
	s16 =	sshll.u32 s16, $0x2  }
0x1ef: {  	v6 =	vmovc v3;
	v9 =	vmov v4;
	v8 =	vadd.f32 v5, v1;
	v5 =	vmov v2;
	s2 =	sand.u32 $0x7F, s18;
	s14 =	sshll.u32 s18, $0x2;
	v11 =	vld [tilespmem:s19+$0x0];
	s9 =	sor.u32 s16, s20  }
.LBB2_49:
0x1f0: {  	p3 =	sne.s32 s12, $0x1;
	s9 =	sshra.s32 s9, $0x2  }
0x1f1: {  	v5 =	vadd.f32 v7, v5;
	s6 =	sadd.s32 $0x80, s6;
	s16 =	sand.u32 $0x7F, s8;
	s8 =	sshll.u32 s8, $0x2  }
0x1f2: {  	s18 =	sand.u32 $0x7F, s7;
	s7 =	sshll.u32 s7, $0x2;
	s9 =	sadd.s32 s9, s6;
	v6 =	vadd.f32 v10, v6  }
0x1f3: {  	s14 =	sand.u32 $0xFFFFFE00, s14;
	s2 =	sshll.u32 s2, $0x2;
	s8 =	sand.u32 $0xFFFFFE00, s8;
	v10 =	vld [tilespmem:s9+$0x0];
	v9 =	vadd.f32 v12, v9  }
0x1f4: {  	s7 =	sand.u32 $0xFFFFFE00, s7;
	s9 =	sshll.u32 s16, $0x2;
	s16 =	sshll.u32 s18, $0x2  }
0x1f5: {  	s2 =	sor.u32 s2, s14;
	s7 =	sor.u32 s16, s7;
	(v2sf) =	vpush v11, $0x0  }
0x1f6: {  	s2 =	sshra.s32 s2, $0x2;
	s8 =	sor.u32 s9, s8;
	s9 =	sshra.s32 s7, $0x2  }
0x1f7: {  	s2 =	sadd.s32 s2, s6;
	s8 =	sshra.s32 s8, $0x2;
	s9 =	sadd.s32 s9, s6  }
.Ltmp30:
0x1f8: {  	s7 =	spop (v2sf);
	v7 =	vld [tilespmem:s2+$0x0];
	s2 =	sadd.s32 s8, s6;
	v8 =	vadd.f32 v10, v8;
	(pc) =	sbr.rel @p3 .LBB2_49-.Ltmp30, $4  }
0x1f9: {  	s14 =	sadd.s32 $0x10, s7;
	s8 =	sadd.s32 $0x20, s7;
	s16 =	sadd.s32 $0x30, s7;
	v10 =	vld [tilespmem:s2+$0x0]  }
0x1fa: {  	s2 =	sand.u32 $0x7F, s14;
	s18 =	sand.u32 $0x7F, s16;
	s16 =	sshll.u32 s16, $0x2;
	v12 =	vld [tilespmem:s9+$0x0]  }
0x1fb: {  	s19 =	sadd.s32 $0x1, s19;
	s9 =	sand.u32 $0xFFFFFE00, s16;
	s16 =	sshll.u32 s18, $0x2  }
0x1fc: {  	s12 =	sadd.s32 $0xFFFFFFFF, s12;
	s14 =	sshll.u32 s14, $0x2;
	v11 =	vld [tilespmem:s19+$0x0];
	s9 =	sor.u32 s16, s9  }
.LBB2_50:
0x1fd: {  	_ = 	snop  }
0x1fe: {  	s6 =	sadd.s32 @p2 $0x80, s6;
	s12 =	simm.s32 $0x13680;
	s9 =	sshra.s32 @p1 s9, $0x2  }
0x1ff: {  	s16 =	sand.u32 @p1 $0x7F, s8;
	s8 =	sshll.u32 @p1 s8, $0x2;
	s14 =	sand.u32 @p1 $0xFFFFFE00, s14  }
0x200: {  	s2 =	sshll.u32 @p1 s2, $0x2;
	s12 =	smov.u32 @p2 s6;
	s8 =	sand.u32 @p1 $0xFFFFFE00, s8  }
0x201: {  	s16 =	sshll.u32 @p1 s16, $0x2;
	s2 =	sor.u32 @p1 s2, s14;
	s6 =	sadd.s32 @p1 s9, s12  }
0x202: {  	s9 =	sand.u32 @p1 $0x7F, s7;
	s7 =	sshll.u32 @p1 s7, $0x2;
	s2 =	sshra.s32 @p1 s2, $0x2  }
0x203: {  	s8 =	sor.u32 @p1 s16, s8;
	s7 =	sand.u32 @p1 $0xFFFFFE00, s7;
	s9 =	sshll.u32 @p1 s9, $0x2  }
0x204: {  	s8 =	sshra.s32 @p1 s8, $0x2;
	(v2sf) =	vpush v11, $0x0;
	s7 =	sor.u32 @p1 s9, s7;
	s9 =	spop @p0 (v2sf)  }
0x205: {  	s2 =	sadd.s32 @p1 s2, s12;
	s8 =	sadd.s32 @p1 s8, s12;
	s14 =	sadd.s32 @p0 $0x30, s9  }
0x206: {  	s7 =	sshra.s32 @p1 s7, $0x2;
	s16 =	sand.u32 @p0 $0x7F, s14;
	s14 =	sshll.u32 @p0 s14, $0x2  }
0x207: {  	s7 =	sadd.s32 @p1 s7, s12;
	s14 =	sand.u32 @p0 $0xFFFFFE00, s14;
	s16 =	sshll.u32 @p0 s16, $0x2  }
0x208: {  	s10 =	smov.u32 @p0 s9;
	s14 =	sor.u32 @p0 s16, s14;
	s16 =	sadd.s32 @p0 $0x20, s9  }
0x209: {  	s5 =	smov.u32 @p0 s14;
	s14 =	sadd.s32 @p0 $0x10, s9;
	s11 =	smov.u32 @p0 s16  }
0x20a: {  	s9 =	sadd.s32 @p1 $0x80, s12;
	s12 =	simm.s32 $0x13680;
	s16 =	sand.u32 @p0 $0x7F, s14  }
0x20b: {  	s14 =	sshll.u32 @p0 s14, $0x2;
	s5 =	sshra.s32 @p0 s5, $0x2;
	s12 =	smov.u32 @p1 s9  }
0x20c: {  	s9 =	sand.u32 @p0 $0x7F, s11;
	s11 =	sshll.u32 @p0 s11, $0x2;
	s4 =	smov.u32 @p0 s14  }
0x20d: {  	s13 =	smov.u32 @p0 s16;
	s5 =	sadd.s32 @p0 s5, s12;
	s14 =	sand.u32 @p0 $0x7F, s10  }
0x20e: {  	s10 =	sshll.u32 @p0 s10, $0x2;
	s11 =	sand.u32 @p0 $0xFFFFFE00, s11;
	s9 =	sshll.u32 @p0 s9, $0x2  }
0x20f: {  	s4 =	sand.u32 @p0 $0xFFFFFE00, s4;
	s13 =	sshll.u32 @p0 s13, $0x2;
	s10 =	sand.u32 @p0 $0xFFFFFE00, s10  }
0x210: {  	s14 =	sshll.u32 @p0 s14, $0x2;
	s9 =	sor.u32 @p0 s9, s11;
	s4 =	sor.u32 @p0 s13, s4  }
0x211: {  	s10 =	sor.u32 @p0 s14, s10;
	s9 =	sshra.s32 @p0 s9, $0x2;
	s4 =	sshra.s32 @p0 s4, $0x2  }
0x212: {  	s10 =	sshra.s32 @p0 s10, $0x2;
	s9 =	sadd.s32 @p0 s9, s12;
	s4 =	sadd.s32 @p0 s4, s12  }
0x213: {  	s10 =	sadd.s32 @p0 s10, s12;
	s12 =	sadd.s32 @p0 $0x80, s12;
	s11 =	spop (v2sf)  }
0x214: {  	s0 =	smov.u32 @p0 s12;
	s18 =	sadd.s32 $0x30, s11  }
0x215: {  	v11 =	vld @p1 [tilespmem:s6+$0x0];
	s20 =	sadd.s32 $0x10, s11;
	s16 =	sadd.s32 $0x20, s11;
	s19 =	sand.u32 $0x7F, s18  }
0x216: {  	v13 =	vld @p1 [tilespmem:s2+$0x0];
	s13 =	sshll.u32 s18, $0x2;
	s18 =	sand.u32 $0x7F, s20;
	s6 =	sshll.u32 s20, $0x2  }
0x217: {  	v14 =	vld @p1 [tilespmem:s8+$0x0];
	s20 =	sand.u32 $0x7F, s16;
	s2 =	sshll.u32 s16, $0x2;
	s13 =	sand.u32 $0xFFFFFE00, s13  }
0x218: {  	v15 =	vld @p1 [tilespmem:s7+$0x0];
	s14 =	sshll.u32 s19, $0x2;
	s16 =	sshll.u32 s18, $0x2;
	s2 =	sand.u32 $0xFFFFFE00, s2  }
0x219: {  	v5 =	vadd.f32 @p2 v7, v5;
	v16 =	vld @p0 [tilespmem:s5+$0x0];
	s7 =	sshll.u32 s20, $0x2;
	s13 =	sor.u32 s14, s13;
	s14 =	sand.u32 $0xFFFFFE00, s6  }
0x21a: {  	v6 =	vadd.f32 @p2 v10, v6;
	v9 =	vadd.f32 @p2 v12, v9;
	v7 =	vld @p0 [tilespmem:s4+$0x0];
	s2 =	sor.u32 s7, s2;
	s19 =	sshra.s32 s13, $0x2;
	s13 =	sand.u32 $0x7F, s11  }
0x21b: {  	v5 =	vpsel p2, v5, v2;
	v8 =	vadd.f32 @p1 v11, v8;
	v11 =	vpsel p1, v13, v0;
	v10 =	vld @p0 [tilespmem:s9+$0x0];
	s11 =	sshll.u32 s11, $0x2;
	s4 =	sor.u32 s16, s14;
	s2 =	sshra.s32 s2, $0x2  }
0x21c: {  	v6 =	vpsel p2, v6, v3;
	v13 =	vpsel p1, v14, v0;
	v5 =	vadd.f32 @p1 v11, v5;
	v12 =	vld @p0 [tilespmem:s10+$0x0];
	s12 =	sadd.s32 s19, s0;
	s18 =	sand.u32 $0xFFFFFE00, s11;
	s19 =	sshll.u32 s13, $0x2  }
0x21d: {  	v9 =	vpsel p2, v9, v4;
	v6 =	vadd.f32 @p1 v13, v6;
	s4 =	sshra.s32 s4, $0x2;
	s2 =	sadd.s32 s2, s0;
	v61 =	vld [tilespmem:s12+$0x0];
	s20 =	sor.u32 s19, s18  }
0x21e: {  	v8 =	vpsel p1, v8, v1;
	v14 =	vpsel p1, v15, v0;
	v5 =	vpsel p1, v5, v2;
	s4 =	sadd.s32 s4, s0;
	v63 =	vld [tilespmem:s2+$0x0];
	s5 =	sshra.s32 s20, $0x2  }
0x21f: {  	v9 =	vadd.f32 @p1 v14, v9;
	v6 =	vpsel p1, v6, v3;
	v7 =	vpsel p0, v7, v0;
	v62 =	vld [tilespmem:s4+$0x0];
	s0 =	sadd.s32 s5, s0  }
0x220: {  	v8 =	vadd.f32 @p0 v16, v8;
	v10 =	vpsel p0, v10, v0;
	v5 =	vadd.f32 @p0 v7, v5;
	v7 =	vld [tilespmem:s0+$0x0]  }
0x221: {  	v9 =	vpsel p1, v9, v4;
	v12 =	vpsel p0, v12, v0;
	v6 =	vadd.f32 @p0 v10, v6  }
0x222: {  	v1 =	vpsel p0, v8, v1;
	v8 =	vadd.f32 @p0 v12, v9  }
0x223: {  	v3 =	vpsel p0, v6, v3;
	v2 =	vpsel p0, v5, v2  }
0x224: {  	v4 =	vpsel p0, v8, v4;
	v1 =	vadd.f32 v61, v1;
	v3 =	vadd.f32 v63, v3  }
0x225: {  	v2 =	vadd.f32 v62, v2;
	v4 =	vadd.f32 v7, v4  }
.LBB2_51:
0x226: {  	v5 =	vld.msk [tilespmem:s1+$0xC980 ss:$0x0], $0xffff;
	_ =	sdelay $0x4  }
0x227: {  	s0 =	sshll.u32 s21, $0x7;
	v4 =	vmul.f32 v5, v4  }
0x228: {  	s0 =	sand.u32 $0x3FFFFF80, s0;
	v2 =	vmul.f32 v5, v2  }
0x229: {  	v3 =	vmul.f32 v5, v3;
	[tilespmem:s0+$0xCA80] =	vst v4  }
0x22a: {  	v1 =	vmul.f32 v5, v1;
	[tilespmem:s0+$0xCA90] =	vst v2  }
0x22b: {  	[tilespmem:s0+$0xCAA0] =	vst v3  }
0x22c: {  	p0 =	seq.s32 s21, $0x3F;
	[tilespmem:s0+$0xCAB0] =	vst v1  }
0x22d: {  	v1 =	vld @!p0 [tilespmem:s1+$0xC882];
	_ =	sdelay $0x4  }
0x22e: {  	(v2sf) =	vpush @!p0 v1, $0x0;
	_ =	sdelay $0x9  }
0x22f: {  	s0 =	smul.u32 @!p0 $0x320, s1;
	_ =	sdelay $0x1  }
0x230: {  	s0 =	sadd.s32 @!p0 $0x640, s0  }
0x231: {  	s2 =	simm.s32 @!p0 $0x38;
	s4 =	simm.s32 @!p0 $0xEA80;
	s0 =	sshra.s32 @!p0 s0, $0x2  }
0x232: {  	[tilespmem:s4], [sflag:$0x1] =	stream.indirect.gather @!p0 [hbm4b:s3+s2], $0x80, s0, s2, $0xb8;
	[tilespmem:$0x1B280] =	vst v63  }
0x233: {  	s1 =	spop @!p0 (v2sf)  }
0x234: {  	p1 =	slt.s32 @!p0 s1, $0x39  }
0x235: {  	p2 =	por p1, p0  }
0x236: {  	s2 =	sadd.s32 @!p2 $0x38, s0  }
0x237: {  	s4 =	simm.s32 @!p2 $0x30;
	s5 =	simm.s32 @!p2 $0x10680;
	p3 =	slt.u32 @!p2 s1, $0x69  }
0x238: {  	[tilespmem:s5], [sflag:$0x2] =	stream.indirect.gather @!p2 [hbm4b:s3+s4], $0x80, s2, s4, $0xb8;
	[tilespmem:$0x1B280] =	vst v63  }
0x239: {  	p4 =	por @!p0 p3, p1  }
0x23a: {  	p4 =	por p4, p0  }
0x23b: {  	s2 =	sadd.s32 @!p4 $0x68, s0;
	s4 =	simm.s32 @!p4 $0x30;
	s5 =	simm.s32 @!p4 $0x11E80  }
0x23c: {  	[tilespmem:s5], [sflag:$0x3] =	stream.indirect.gather @!p4 [hbm4b:s3+s4], $0x80, s2, s4, $0xb8;
	[tilespmem:$0x1B280] =	vst v63  }
0x23d: {  	p4 =	slt.u32 @!p4 s1, $0x99  }
0x23e: {  	p2 =	por @!p2 p4, p3  }
0x23f: {  	p1 =	por @!p0 p2, p1  }
0x240: {  	p0 =	por p1, p0  }
0x241: {  	s0 =	sadd.s32 @!p0 $0x98, s0;
	s1 =	simm.s32 @!p0 $0x30;
	s2 =	simm.s32 @!p0 $0x13680  }
0x242: {  	[tilespmem:s2], [sflag:$0x4] =	stream.indirect.gather @!p0 [hbm4b:s3+s1], $0x80, s0, s1, $0xb8;
	[tilespmem:$0x1B280] =	vst v63  }
0x243: {  	v1 =	vld [tilespmem:s31+$0xC880];
	_ =	sdelay $0x4  }
0x244: {  	(v2sf) =	vpush v1, $0x0;
	_ =	sdelay $0xe  }
0x245: {  	s0 =	spop (v2sf)  }
0x246: {  	p0 =	slt.s32 s0, $0x39  }
.Ltmp31:
0x247: {  	_ = 	snop;
	(pc) =	sbr.rel @p0 .LBB2_55-.Ltmp31, $4  }
0x248: {  	_ = 	snop  }
0x249: {  	_ =	swait.ge [sflag:s17], $0x1C00  }
0x24a: {  	[sflag:s17] =	ssyncset.done $0x0  }
0x24b: {  	[sflag:s17] =	ssyncadd.s32 $0xFFFFE400  }
0x24c: {  	s1 =	simm.s32 $0x6  }
0x24d: {  	_ =	swait.ge [sflag:s1], $0x1800  }
0x24e: {  	p0 =	slt.u32 s0, $0x69;
	[sflag:s1] =	ssyncset.done $0x0  }
0x24f: {  	[sflag:s1] =	ssyncadd.s32 $0xFFFFE800;
	s1 =	simm.s32 @!p0 $0x7  }
0x250: {  	p1 =	slt.u32 @!p0 s0, $0x99;
	_ =	swait.ge @!p0 [sflag:s1], $0x1800  }
.Ltmp32:
0x251: {  	p2 =	por p1, p0;
	[sflag:s1] =	ssyncset.done @!p0 $0x0;
	(pc) =	sbr.rel .LBB2_53-.Ltmp32, $4  }
0x252: {  	[sflag:s1] =	ssyncadd.s32 @!p0 $0xFFFFE800;
	s1 =	simm.s32 @!p2 $0x8  }
0x253: {  	s2 =	simm.s32 @!p0 $0x38;
	p1 =	por !p1, p0;
	_ =	swait.ge @!p2 [sflag:s1], $0x1800  }
0x254: {  	s2 =	simm.s32 @p1 $0x38;
	[sflag:s1] =	ssyncset.done @!p2 $0x0  }
0x255: {  	s2 =	simm.s32 @p0 $0x38;
	[sflag:s1] =	ssyncadd.s32 @!p2 $0xFFFFE800  }
.LBB2_55:
0x256: {  	p0 =	slt.s32 s0, $0x1  }
.Ltmp33:
0x257: {  	_ = 	snop;
	(pc) =	sbr.rel @p0 .LBB2_56-.Ltmp33, $2  }
0x258: {  	_ =	sdelay $0x2  }
0x259: {  	s2 =	smov.u32 s0  }
.LBB2_53:
0x25a: {  	p3 =	sne.s32 s2, $0x1  }
.Ltmp34:
0x25b: {  	_ = 	snop;
	(pc) =	sbr.rel @!p3 .LBB2_54-.Ltmp34, $3  }
0x25c: {  	_ =	sdelay $0x1  }
0x25d: {  	s1 =	simm.s32 $0x14E80;
	s2 =	sadd.s32 $0xFFFFFFFF, s2  }
0x25e: {  	v2 =	vimm.f32 $0.0e+00;
	v8 =	vld [tilespmem:s26+$0x0];
	p0 =	por $0x0, $0x0;
	p1 =	por $0x0, $0x0;
	p2 =	por $0x0, $0x0  }
0x25f: {  	p3 =	sne.s32 s2, $0x1  }
.Ltmp35:
0x260: {  	_ = 	snop;
	(pc) =	sbr.rel @!p3 .LBB2_58-.Ltmp35, $3  }
0x261: {  	_ =	sdelay $0x1  }
0x262: {  	s4 =	sadd.s32 $0x1, s26  }
0x263: {  	s2 =	sadd.s32 $0xFFFFFFFF, s2;
	p0 =	por $0x1, $0x1;
	(v2sf) =	vpush v8, $0x0;
	v8 =	vld [tilespmem:s4+$0x0]  }
0x264: {  	_ =	sdelay $0xc  }
0x265: {  	p3 =	sne.s32 s2, $0x1  }
.Ltmp36:
0x266: {  	s9 =	sadd.s32 $0x1, s4;
	s10 =	spop (v2sf);
	(pc) =	sbr.rel @!p3 .LBB2_60-.Ltmp36, $4  }
0x267: {  	p1 =	por $0x1, $0x1;
	s5 =	sadd.s32 $0x10, s10;
	s6 =	sadd.s32 $0x30, s10  }
0x268: {  	s11 =	sadd.s32 $0x20, s10;
	s7 =	sand.u32 $0x7F, s6;
	s6 =	sshll.u32 s6, $0x2  }
0x269: {  	s13 =	sand.u32 $0x7F, s5;
	s8 =	sand.u32 $0xFFFFFE00, s6;
	s7 =	sshll.u32 s7, $0x2  }
0x26a: {  	(v2sf) =	vpush v8, $0x0;
	v8 =	vld [tilespmem:s9+$0x0];
	s4 =	sshll.u32 s5, $0x2;
	s6 =	sadd.s32 $0xFFFFFFFF, s2;
	s5 =	sor.u32 s7, s8  }
0x26b: {  	_ =	sdelay $0x7  }
0x26c: {  	p3 =	sne.s32 s6, $0x1;
	s2 =	sshra.s32 s5, $0x2  }
0x26d: {  	s7 =	sand.u32 $0x7F, s11;
	s8 =	sshll.u32 s11, $0x2;
	s12 =	sand.u32 $0x7F, s10  }
0x26e: {  	s14 =	sshll.u32 s10, $0x2;
	s16 =	sand.u32 $0xFFFFFE00, s4;
	s18 =	sshll.u32 s13, $0x2  }
0x26f: {  	s9 =	sadd.s32 $0x1, s9;
	p2 =	por $0x1, $0x1;
	s2 =	sadd.s32 $0x14E80, s2  }
0x270: {  	s8 =	sand.u32 $0xFFFFFE00, s8;
	s14 =	sand.u32 $0xFFFFFE00, s14;
	s12 =	sshll.u32 s12, $0x2  }
0x271: {  	s16 =	sor.u32 s18, s16;
	s7 =	sshll.u32 s7, $0x2;
	s12 =	sor.u32 s12, s14  }
0x272: {  	s16 =	sshra.s32 s16, $0x2;
	s18 =	sor.u32 s7, s8;
	s7 =	spop (v2sf);
	(v2sf) =	vpush v8, $0x0  }
0x273: {  	v1 =	vld [tilespmem:s2+$0x0];
	s19 =	sshra.s32 s12, $0x2;
	s20 =	sadd.s32 $0x14E80, s16;
	s2 =	sshra.s32 s18, $0x2  }
.Ltmp37:
0x274: {  	s12 =	sadd.s32 $0xFFFFFFFF, s6;
	s6 =	simm.s32 $0x14E80;
	(pc) =	sbr.rel @!p3 .LBB2_62-.Ltmp37, $4  }
0x275: {  	s14 =	sadd.s32 $0x14E80, s19;
	s16 =	sadd.s32 $0x14E80, s2;
	v4 =	vld [tilespmem:s20+$0x0];
	s19 =	sadd.s32 $0x30, s7  }
0x276: {  	v7 =	vld [tilespmem:s16+$0x0];
	s18 =	sadd.s32 $0x10, s7;
	s20 =	sshll.u32 s19, $0x2;
	s19 =	sand.u32 $0x7F, s19  }
0x277: {  	v3 =	vimm.f32 $0.0e+00;
	v9 =	vld [tilespmem:s14+$0x0];
	s8 =	sadd.s32 $0x20, s7;
	s20 =	sand.u32 $0xFFFFFE00, s20;
	s16 =	sshll.u32 s19, $0x2  }
0x278: {  	v6 =	vimm.f32 $0.0e+00;
	v5 =	vadd.f32 v1, v2;
	v1 =	vimm.f32 $0.0e+00;
	v8 =	vld [tilespmem:s9+$0x0];
	s2 =	sand.u32 $0x7F, s18;
	s19 =	sshll.u32 s18, $0x2;
	s14 =	sor.u32 s16, s20  }
.LBB2_63:
0x279: {  	p3 =	sne.s32 s12, $0x1;
	s14 =	sshra.s32 s14, $0x2  }
0x27a: {  	v1 =	vadd.f32 v4, v1;
	s6 =	sadd.s32 $0x80, s6;
	s16 =	sand.u32 $0x7F, s8;
	s8 =	sshll.u32 s8, $0x2  }
0x27b: {  	s18 =	sand.u32 $0x7F, s7;
	s7 =	sshll.u32 s7, $0x2;
	s14 =	sadd.s32 s14, s6;
	v3 =	vadd.f32 v7, v3  }
0x27c: {  	s19 =	sand.u32 $0xFFFFFE00, s19;
	s2 =	sshll.u32 s2, $0x2;
	s8 =	sand.u32 $0xFFFFFE00, s8;
	v7 =	vld [tilespmem:s14+$0x0];
	v6 =	vadd.f32 v9, v6  }
0x27d: {  	s7 =	sand.u32 $0xFFFFFE00, s7;
	s14 =	sshll.u32 s16, $0x2;
	s16 =	sshll.u32 s18, $0x2  }
0x27e: {  	s2 =	sor.u32 s2, s19;
	s7 =	sor.u32 s16, s7;
	(v2sf) =	vpush v8, $0x0  }
0x27f: {  	s2 =	sshra.s32 s2, $0x2;
	s8 =	sor.u32 s14, s8;
	s14 =	sshra.s32 s7, $0x2  }
0x280: {  	s2 =	sadd.s32 s2, s6;
	s8 =	sshra.s32 s8, $0x2;
	s14 =	sadd.s32 s14, s6  }
.Ltmp38:
0x281: {  	s7 =	spop (v2sf);
	v4 =	vld [tilespmem:s2+$0x0];
	s2 =	sadd.s32 s8, s6;
	v5 =	vadd.f32 v7, v5;
	(pc) =	sbr.rel @p3 .LBB2_63-.Ltmp38, $4  }
0x282: {  	s16 =	sadd.s32 $0x10, s7;
	s8 =	sadd.s32 $0x20, s7;
	s18 =	sadd.s32 $0x30, s7;
	v7 =	vld [tilespmem:s2+$0x0]  }
0x283: {  	s2 =	sand.u32 $0x7F, s16;
	s19 =	sand.u32 $0x7F, s18;
	s18 =	sshll.u32 s18, $0x2;
	v9 =	vld [tilespmem:s14+$0x0]  }
0x284: {  	s9 =	sadd.s32 $0x1, s9;
	s14 =	sand.u32 $0xFFFFFE00, s18;
	s18 =	sshll.u32 s19, $0x2  }
0x285: {  	s12 =	sadd.s32 $0xFFFFFFFF, s12;
	s19 =	sshll.u32 s16, $0x2;
	v8 =	vld [tilespmem:s9+$0x0];
	s14 =	sor.u32 s18, s14  }
.LBB2_64:
0x286: {  	_ = 	snop  }
0x287: {  	s6 =	sadd.s32 @p2 $0x80, s6;
	s9 =	simm.s32 $0x14E80;
	s12 =	sshra.s32 @p1 s14, $0x2  }
0x288: {  	s14 =	sand.u32 @p1 $0x7F, s8;
	s8 =	sshll.u32 @p1 s8, $0x2;
	s16 =	sand.u32 @p1 $0xFFFFFE00, s19  }
0x289: {  	s2 =	sshll.u32 @p1 s2, $0x2;
	s9 =	smov.u32 @p2 s6;
	s8 =	sand.u32 @p1 $0xFFFFFE00, s8  }
0x28a: {  	s14 =	sshll.u32 @p1 s14, $0x2;
	s2 =	sor.u32 @p1 s2, s16;
	s6 =	sadd.s32 @p1 s12, s9  }
0x28b: {  	s12 =	sand.u32 @p1 $0x7F, s7;
	s7 =	sshll.u32 @p1 s7, $0x2;
	s2 =	sshra.s32 @p1 s2, $0x2  }
0x28c: {  	s8 =	sor.u32 @p1 s14, s8;
	s7 =	sand.u32 @p1 $0xFFFFFE00, s7;
	s12 =	sshll.u32 @p1 s12, $0x2  }
0x28d: {  	s8 =	sshra.s32 @p1 s8, $0x2;
	(v2sf) =	vpush v8, $0x0;
	s7 =	sor.u32 @p1 s12, s7;
	s12 =	spop @p0 (v2sf)  }
0x28e: {  	s2 =	sadd.s32 @p1 s2, s9;
	s8 =	sadd.s32 @p1 s8, s9;
	s14 =	sadd.s32 @p0 $0x30, s12  }
0x28f: {  	s7 =	sshra.s32 @p1 s7, $0x2;
	s16 =	sand.u32 @p0 $0x7F, s14;
	s14 =	sshll.u32 @p0 s14, $0x2  }
0x290: {  	s7 =	sadd.s32 @p1 s7, s9;
	s14 =	sand.u32 @p0 $0xFFFFFE00, s14;
	s16 =	sshll.u32 @p0 s16, $0x2  }
0x291: {  	s9 =	sadd.s32 @p1 $0x80, s9;
	s10 =	smov.u32 @p0 s12;
	s14 =	sor.u32 @p0 s16, s14  }
0x292: {  	s16 =	sadd.s32 @p0 $0x20, s12;
	s5 =	smov.u32 @p0 s14;
	s14 =	sadd.s32 @p0 $0x10, s12  }
0x293: {  	s11 =	smov.u32 @p0 s16;
	s12 =	simm.s32 $0x14E80;
	s16 =	sand.u32 @p0 $0x7F, s14  }
0x294: {  	s14 =	sshll.u32 @p0 s14, $0x2;
	s5 =	sshra.s32 @p0 s5, $0x2;
	s12 =	smov.u32 @p1 s9  }
0x295: {  	s9 =	sand.u32 @p0 $0x7F, s11;
	s11 =	sshll.u32 @p0 s11, $0x2;
	s4 =	smov.u32 @p0 s14  }
0x296: {  	s13 =	smov.u32 @p0 s16;
	s5 =	sadd.s32 @p0 s5, s12;
	s14 =	sand.u32 @p0 $0x7F, s10  }
0x297: {  	s10 =	sshll.u32 @p0 s10, $0x2;
	s11 =	sand.u32 @p0 $0xFFFFFE00, s11;
	s9 =	sshll.u32 @p0 s9, $0x2  }
0x298: {  	s4 =	sand.u32 @p0 $0xFFFFFE00, s4;
	s13 =	sshll.u32 @p0 s13, $0x2;
	s10 =	sand.u32 @p0 $0xFFFFFE00, s10  }
0x299: {  	s14 =	sshll.u32 @p0 s14, $0x2;
	s9 =	sor.u32 @p0 s9, s11;
	s4 =	sor.u32 @p0 s13, s4  }
0x29a: {  	s10 =	sor.u32 @p0 s14, s10;
	s9 =	sshra.s32 @p0 s9, $0x2;
	s4 =	sshra.s32 @p0 s4, $0x2  }
0x29b: {  	s10 =	sshra.s32 @p0 s10, $0x2;
	s9 =	sadd.s32 @p0 s9, s12;
	s4 =	sadd.s32 @p0 s4, s12  }
0x29c: {  	s10 =	sadd.s32 @p0 s10, s12;
	s12 =	sadd.s32 @p0 $0x80, s12;
	s11 =	spop (v2sf)  }
0x29d: {  	s1 =	smov.u32 @p0 s12;
	s18 =	sadd.s32 $0x30, s11  }
0x29e: {  	v8 =	vld @p1 [tilespmem:s6+$0x0];
	s20 =	sadd.s32 $0x10, s11;
	s16 =	sadd.s32 $0x20, s11;
	s19 =	sand.u32 $0x7F, s18  }
0x29f: {  	v10 =	vld @p1 [tilespmem:s2+$0x0];
	s13 =	sshll.u32 s18, $0x2;
	s18 =	sand.u32 $0x7F, s20;
	s6 =	sshll.u32 s20, $0x2  }
0x2a0: {  	v11 =	vld @p1 [tilespmem:s8+$0x0];
	s20 =	sand.u32 $0x7F, s16;
	s2 =	sshll.u32 s16, $0x2;
	s13 =	sand.u32 $0xFFFFFE00, s13  }
0x2a1: {  	v1 =	vadd.f32 @p2 v4, v1;
	v12 =	vld @p1 [tilespmem:s7+$0x0];
	s14 =	sshll.u32 s19, $0x2;
	s16 =	sshll.u32 s18, $0x2;
	s2 =	sand.u32 $0xFFFFFE00, s2  }
0x2a2: {  	v3 =	vadd.f32 @p2 v7, v3;
	v6 =	vadd.f32 @p2 v9, v6;
	v13 =	vld @p0 [tilespmem:s5+$0x0];
	s7 =	sshll.u32 s20, $0x2;
	s13 =	sor.u32 s14, s13;
	s14 =	sand.u32 $0xFFFFFE00, s6  }
0x2a3: {  	v4 =	vld @p0 [tilespmem:s4+$0x0];
	s2 =	sor.u32 s7, s2;
	s19 =	sshra.s32 s13, $0x2;
	s13 =	sand.u32 $0x7F, s11  }
0x2a4: {  	v1 =	vpsel p2, v1, v2;
	v3 =	vpsel p2, v3, v2;
	v6 =	vpsel p2, v6, v2;
	v7 =	vld @p0 [tilespmem:s9+$0x0];
	s11 =	sshll.u32 s11, $0x2;
	s4 =	sor.u32 s16, s14;
	s2 =	sshra.s32 s2, $0x2  }
0x2a5: {  	v5 =	vadd.f32 @p1 v8, v5;
	v8 =	vpsel p1, v10, v0;
	v10 =	vpsel p1, v11, v0;
	v9 =	vld @p0 [tilespmem:s10+$0x0];
	s12 =	sadd.s32 s19, s1;
	s18 =	sand.u32 $0xFFFFFE00, s11;
	s19 =	sshll.u32 s13, $0x2  }
0x2a6: {  	v1 =	vadd.f32 @p1 v8, v1;
	v3 =	vadd.f32 @p1 v10, v3;
	v11 =	vpsel p1, v12, v0;
	s4 =	sshra.s32 s4, $0x2;
	s2 =	sadd.s32 s2, s1;
	v60 =	vld [tilespmem:s12+$0x0];
	s20 =	sor.u32 s19, s18  }
0x2a7: {  	v5 =	vpsel p1, v5, v2;
	v6 =	vadd.f32 @p1 v11, v6;
	s4 =	sadd.s32 s4, s1;
	v62 =	vld [tilespmem:s2+$0x0];
	s5 =	sshra.s32 s20, $0x2  }
0x2a8: {  	v1 =	vpsel p1, v1, v2;
	v3 =	vpsel p1, v3, v2;
	v4 =	vpsel p0, v4, v0;
	v61 =	vld [tilespmem:s4+$0x0];
	s1 =	sadd.s32 s5, s1  }
0x2a9: {  	v6 =	vpsel p1, v6, v2;
	v4 =	vadd.f32 @p0 v4, v1;
	v1 =	vpsel p0, v7, v0;
	v63 =	vld [tilespmem:s1+$0x0]  }
0x2aa: {  	v5 =	vadd.f32 @p0 v13, v5;
	v7 =	vpsel p0, v9, v0;
	v3 =	vadd.f32 @p0 v1, v3  }
0x2ab: {  	v6 =	vadd.f32 @p0 v7, v6  }
0x2ac: {  	v1 =	vpsel p0, v5, v2;
	v4 =	vpsel p0, v4, v2;
	v5 =	vpsel p0, v3, v2  }
0x2ad: {  	v6 =	vpsel p0, v6, v2;
	v1 =	vadd.f32 v60, v1;
	v2 =	vadd.f32 v62, v5  }
0x2ae: {  	v3 =	vadd.f32 v61, v4;
	v4 =	vadd.f32 v63, v6  }
.LBB2_65:
0x2af: {  	s1 =	sadd.s32 $0xFFFFFFC8, s0  }
0x2b0: {  	p0 =	slt.s32 s1, $0x1  }
.Ltmp39:
0x2b1: {  	_ = 	snop;
	(pc) =	sbr.rel @p0 .LBB2_76-.Ltmp39, $1  }
0x2b2: {  	_ =	sdelay $0x3  }
0x2b3: {  	p0 =	sgt.s32 s1, $0x0  }
0x2b4: {  	s1 =	simm.s32 @!p0 $0x0  }
0x2b5: {  	s2 =	smin.u32 s1, $0x30  }
0x2b6: {  	p3 =	sne.s32 s2, $0x1  }
.Ltmp40:
0x2b7: {  	_ = 	snop;
	(pc) =	sbr.rel @!p3 .LBB2_67-.Ltmp40, $3  }
0x2b8: {  	_ =	sdelay $0x1  }
0x2b9: {  	p1 =	por $0x0, $0x0;
	p2 =	por $0x0, $0x0  }
0x2ba: {  	v11 =	vld [tilespmem:s28+$0x0];
	p0 =	por $0x0, $0x0;
	s1 =	simm.s32 $0x16A80;
	s2 =	sadd.s32 $0xFFFFFFFF, s2  }
0x2bb: {  	p3 =	sne.s32 s2, $0x1  }
.Ltmp41:
0x2bc: {  	_ = 	snop;
	(pc) =	sbr.rel @!p3 .LBB2_69-.Ltmp41, $3  }
0x2bd: {  	_ =	sdelay $0x1  }
0x2be: {  	s4 =	sadd.s32 $0x1, s28  }
0x2bf: {  	s2 =	sadd.s32 $0xFFFFFFFF, s2;
	p0 =	por $0x1, $0x1;
	(v2sf) =	vpush v11, $0x0;
	v11 =	vld [tilespmem:s4+$0x0]  }
0x2c0: {  	_ =	sdelay $0xc  }
0x2c1: {  	p3 =	sne.s32 s2, $0x1  }
.Ltmp42:
0x2c2: {  	s9 =	sadd.s32 $0x1, s4;
	s10 =	spop (v2sf);
	(pc) =	sbr.rel @!p3 .LBB2_71-.Ltmp42, $4  }
0x2c3: {  	p1 =	por $0x1, $0x1;
	s5 =	sadd.s32 $0x10, s10;
	s6 =	sadd.s32 $0x30, s10  }
0x2c4: {  	s11 =	sadd.s32 $0x20, s10;
	s7 =	sand.u32 $0x7F, s6;
	s6 =	sshll.u32 s6, $0x2  }
0x2c5: {  	s13 =	sand.u32 $0x7F, s5;
	s8 =	sand.u32 $0xFFFFFE00, s6;
	s7 =	sshll.u32 s7, $0x2  }
0x2c6: {  	(v2sf) =	vpush v11, $0x0;
	v11 =	vld [tilespmem:s9+$0x0];
	s4 =	sshll.u32 s5, $0x2;
	s6 =	sadd.s32 $0xFFFFFFFF, s2;
	s5 =	sor.u32 s7, s8  }
0x2c7: {  	_ =	sdelay $0x7  }
0x2c8: {  	p3 =	sne.s32 s6, $0x1;
	s2 =	sshra.s32 s5, $0x2  }
0x2c9: {  	s7 =	sand.u32 $0x7F, s11;
	s8 =	sshll.u32 s11, $0x2;
	s12 =	sand.u32 $0x7F, s10  }
0x2ca: {  	s14 =	sshll.u32 s10, $0x2;
	s16 =	sand.u32 $0xFFFFFE00, s4;
	s18 =	sshll.u32 s13, $0x2  }
0x2cb: {  	p2 =	por $0x1, $0x1;
	s2 =	sadd.s32 $0x16A80, s2;
	s8 =	sand.u32 $0xFFFFFE00, s8  }
0x2cc: {  	s14 =	sand.u32 $0xFFFFFE00, s14;
	s12 =	sshll.u32 s12, $0x2;
	s7 =	sshll.u32 s7, $0x2  }
0x2cd: {  	s16 =	sor.u32 s18, s16;
	s12 =	sor.u32 s12, s14;
	s7 =	sor.u32 s7, s8  }
0x2ce: {  	s16 =	sshra.s32 s16, $0x2;
	s19 =	sshra.s32 s7, $0x2;
	s7 =	spop (v2sf);
	(v2sf) =	vpush v11, $0x0  }
0x2cf: {  	v5 =	vld [tilespmem:s2+$0x0];
	s18 =	sshra.s32 s12, $0x2;
	s20 =	sadd.s32 $0x16A80, s16;
	s12 =	sadd.s32 $0xFFFFFFFF, s6  }
.Ltmp43:
0x2d0: {  	s6 =	simm.s32 $0x16A80;
	s14 =	sadd.s32 $0x16A80, s18;
	(pc) =	sbr.rel @!p3 .LBB2_73-.Ltmp43, $4  }
0x2d1: {  	s16 =	sadd.s32 $0x16A80, s19;
	v7 =	vld [tilespmem:s20+$0x0];
	s18 =	sadd.s32 $0x10, s7;
	s19 =	sadd.s32 $0x30, s7  }
0x2d2: {  	v10 =	vld [tilespmem:s16+$0x0];
	s8 =	sadd.s32 $0x20, s7;
	s20 =	sshll.u32 s19, $0x2;
	s16 =	sand.u32 $0x7F, s19  }
0x2d3: {  	v12 =	vld [tilespmem:s14+$0x0];
	s19 =	sadd.s32 $0x1, s9;
	s20 =	sand.u32 $0xFFFFFE00, s20;
	s16 =	sshll.u32 s16, $0x2  }
0x2d4: {  	v6 =	vmovc v2;
	v9 =	vmov v4;
	v8 =	vadd.f32 v5, v1;
	v5 =	vmov v3;
	s2 =	sand.u32 $0x7F, s18;
	s14 =	sshll.u32 s18, $0x2;
	v11 =	vld [tilespmem:s19+$0x0];
	s9 =	sor.u32 s16, s20  }
.LBB2_74:
0x2d5: {  	p3 =	sne.s32 s12, $0x1;
	s9 =	sshra.s32 s9, $0x2  }
0x2d6: {  	v5 =	vadd.f32 v7, v5;
	s6 =	sadd.s32 $0x80, s6;
	s16 =	sand.u32 $0x7F, s8;
	s8 =	sshll.u32 s8, $0x2  }
0x2d7: {  	s18 =	sand.u32 $0x7F, s7;
	s7 =	sshll.u32 s7, $0x2;
	s9 =	sadd.s32 s9, s6;
	v6 =	vadd.f32 v10, v6  }
0x2d8: {  	s14 =	sand.u32 $0xFFFFFE00, s14;
	s2 =	sshll.u32 s2, $0x2;
	s8 =	sand.u32 $0xFFFFFE00, s8;
	v10 =	vld [tilespmem:s9+$0x0];
	v9 =	vadd.f32 v12, v9  }
0x2d9: {  	s7 =	sand.u32 $0xFFFFFE00, s7;
	s9 =	sshll.u32 s16, $0x2;
	s16 =	sshll.u32 s18, $0x2  }
0x2da: {  	s2 =	sor.u32 s2, s14;
	s7 =	sor.u32 s16, s7;
	(v2sf) =	vpush v11, $0x0  }
0x2db: {  	s2 =	sshra.s32 s2, $0x2;
	s8 =	sor.u32 s9, s8;
	s9 =	sshra.s32 s7, $0x2  }
0x2dc: {  	s2 =	sadd.s32 s2, s6;
	s8 =	sshra.s32 s8, $0x2;
	s9 =	sadd.s32 s9, s6  }
.Ltmp44:
0x2dd: {  	s7 =	spop (v2sf);
	v7 =	vld [tilespmem:s2+$0x0];
	s2 =	sadd.s32 s8, s6;
	v8 =	vadd.f32 v10, v8;
	(pc) =	sbr.rel @p3 .LBB2_74-.Ltmp44, $4  }
0x2de: {  	s14 =	sadd.s32 $0x10, s7;
	s8 =	sadd.s32 $0x20, s7;
	s16 =	sadd.s32 $0x30, s7;
	v10 =	vld [tilespmem:s2+$0x0]  }
0x2df: {  	s2 =	sand.u32 $0x7F, s14;
	s18 =	sand.u32 $0x7F, s16;
	s16 =	sshll.u32 s16, $0x2;
	v12 =	vld [tilespmem:s9+$0x0]  }
0x2e0: {  	s19 =	sadd.s32 $0x1, s19;
	s9 =	sand.u32 $0xFFFFFE00, s16;
	s16 =	sshll.u32 s18, $0x2  }
0x2e1: {  	s12 =	sadd.s32 $0xFFFFFFFF, s12;
	s14 =	sshll.u32 s14, $0x2;
	v11 =	vld [tilespmem:s19+$0x0];
	s9 =	sor.u32 s16, s9  }
.LBB2_75:
0x2e2: {  	_ = 	snop  }
0x2e3: {  	s6 =	sadd.s32 @p2 $0x80, s6;
	s12 =	simm.s32 $0x16A80;
	s9 =	sshra.s32 @p1 s9, $0x2  }
0x2e4: {  	s16 =	sand.u32 @p1 $0x7F, s8;
	s8 =	sshll.u32 @p1 s8, $0x2;
	s14 =	sand.u32 @p1 $0xFFFFFE00, s14  }
0x2e5: {  	s2 =	sshll.u32 @p1 s2, $0x2;
	s12 =	smov.u32 @p2 s6;
	s8 =	sand.u32 @p1 $0xFFFFFE00, s8  }
0x2e6: {  	s16 =	sshll.u32 @p1 s16, $0x2;
	s2 =	sor.u32 @p1 s2, s14;
	s6 =	sadd.s32 @p1 s9, s12  }
0x2e7: {  	s9 =	sand.u32 @p1 $0x7F, s7;
	s7 =	sshll.u32 @p1 s7, $0x2;
	s2 =	sshra.s32 @p1 s2, $0x2  }
0x2e8: {  	s8 =	sor.u32 @p1 s16, s8;
	s7 =	sand.u32 @p1 $0xFFFFFE00, s7;
	s9 =	sshll.u32 @p1 s9, $0x2  }
0x2e9: {  	s8 =	sshra.s32 @p1 s8, $0x2;
	(v2sf) =	vpush v11, $0x0;
	s7 =	sor.u32 @p1 s9, s7;
	s9 =	spop @p0 (v2sf)  }
0x2ea: {  	s2 =	sadd.s32 @p1 s2, s12;
	s8 =	sadd.s32 @p1 s8, s12;
	s14 =	sadd.s32 @p0 $0x30, s9  }
0x2eb: {  	s7 =	sshra.s32 @p1 s7, $0x2;
	s16 =	sand.u32 @p0 $0x7F, s14;
	s14 =	sshll.u32 @p0 s14, $0x2  }
0x2ec: {  	s7 =	sadd.s32 @p1 s7, s12;
	s14 =	sand.u32 @p0 $0xFFFFFE00, s14;
	s16 =	sshll.u32 @p0 s16, $0x2  }
0x2ed: {  	s10 =	smov.u32 @p0 s9;
	s14 =	sor.u32 @p0 s16, s14;
	s16 =	sadd.s32 @p0 $0x20, s9  }
0x2ee: {  	s5 =	smov.u32 @p0 s14;
	s14 =	sadd.s32 @p0 $0x10, s9;
	s11 =	smov.u32 @p0 s16  }
0x2ef: {  	s9 =	sadd.s32 @p1 $0x80, s12;
	s12 =	simm.s32 $0x16A80;
	s16 =	sand.u32 @p0 $0x7F, s14  }
0x2f0: {  	s14 =	sshll.u32 @p0 s14, $0x2;
	s5 =	sshra.s32 @p0 s5, $0x2;
	s12 =	smov.u32 @p1 s9  }
0x2f1: {  	s9 =	sand.u32 @p0 $0x7F, s11;
	s11 =	sshll.u32 @p0 s11, $0x2;
	s4 =	smov.u32 @p0 s14  }
0x2f2: {  	s13 =	smov.u32 @p0 s16;
	s5 =	sadd.s32 @p0 s5, s12;
	s14 =	sand.u32 @p0 $0x7F, s10  }
0x2f3: {  	s10 =	sshll.u32 @p0 s10, $0x2;
	s11 =	sand.u32 @p0 $0xFFFFFE00, s11;
	s9 =	sshll.u32 @p0 s9, $0x2  }
0x2f4: {  	s4 =	sand.u32 @p0 $0xFFFFFE00, s4;
	s13 =	sshll.u32 @p0 s13, $0x2;
	s10 =	sand.u32 @p0 $0xFFFFFE00, s10  }
0x2f5: {  	s14 =	sshll.u32 @p0 s14, $0x2;
	s9 =	sor.u32 @p0 s9, s11;
	s4 =	sor.u32 @p0 s13, s4  }
0x2f6: {  	s10 =	sor.u32 @p0 s14, s10;
	s9 =	sshra.s32 @p0 s9, $0x2;
	s4 =	sshra.s32 @p0 s4, $0x2  }
0x2f7: {  	s10 =	sshra.s32 @p0 s10, $0x2;
	s9 =	sadd.s32 @p0 s9, s12;
	s4 =	sadd.s32 @p0 s4, s12  }
0x2f8: {  	s10 =	sadd.s32 @p0 s10, s12;
	s12 =	sadd.s32 @p0 $0x80, s12;
	s11 =	spop (v2sf)  }
0x2f9: {  	s1 =	smov.u32 @p0 s12;
	s18 =	sadd.s32 $0x30, s11  }
0x2fa: {  	v11 =	vld @p1 [tilespmem:s6+$0x0];
	s20 =	sadd.s32 $0x10, s11;
	s16 =	sadd.s32 $0x20, s11;
	s19 =	sand.u32 $0x7F, s18  }
0x2fb: {  	v13 =	vld @p1 [tilespmem:s2+$0x0];
	s13 =	sshll.u32 s18, $0x2;
	s18 =	sand.u32 $0x7F, s20;
	s6 =	sshll.u32 s20, $0x2  }
0x2fc: {  	v14 =	vld @p1 [tilespmem:s8+$0x0];
	s20 =	sand.u32 $0x7F, s16;
	s2 =	sshll.u32 s16, $0x2;
	s13 =	sand.u32 $0xFFFFFE00, s13  }
0x2fd: {  	v15 =	vld @p1 [tilespmem:s7+$0x0];
	s14 =	sshll.u32 s19, $0x2;
	s16 =	sshll.u32 s18, $0x2;
	s2 =	sand.u32 $0xFFFFFE00, s2  }
0x2fe: {  	v5 =	vadd.f32 @p2 v7, v5;
	v16 =	vld @p0 [tilespmem:s5+$0x0];
	s7 =	sshll.u32 s20, $0x2;
	s13 =	sor.u32 s14, s13;
	s14 =	sand.u32 $0xFFFFFE00, s6  }
0x2ff: {  	v6 =	vadd.f32 @p2 v10, v6;
	v9 =	vadd.f32 @p2 v12, v9;
	v7 =	vld @p0 [tilespmem:s4+$0x0];
	s2 =	sor.u32 s7, s2;
	s19 =	sshra.s32 s13, $0x2;
	s13 =	sand.u32 $0x7F, s11  }
0x300: {  	v5 =	vpsel p2, v5, v3;
	v8 =	vadd.f32 @p1 v11, v8;
	v11 =	vpsel p1, v13, v0;
	v10 =	vld @p0 [tilespmem:s9+$0x0];
	s11 =	sshll.u32 s11, $0x2;
	s4 =	sor.u32 s16, s14;
	s2 =	sshra.s32 s2, $0x2  }
0x301: {  	v6 =	vpsel p2, v6, v2;
	v13 =	vpsel p1, v14, v0;
	v5 =	vadd.f32 @p1 v11, v5;
	v12 =	vld @p0 [tilespmem:s10+$0x0];
	s12 =	sadd.s32 s19, s1;
	s18 =	sand.u32 $0xFFFFFE00, s11;
	s19 =	sshll.u32 s13, $0x2  }
0x302: {  	v9 =	vpsel p2, v9, v4;
	v6 =	vadd.f32 @p1 v13, v6;
	s4 =	sshra.s32 s4, $0x2;
	s2 =	sadd.s32 s2, s1;
	v61 =	vld [tilespmem:s12+$0x0];
	s20 =	sor.u32 s19, s18  }
0x303: {  	v8 =	vpsel p1, v8, v1;
	v14 =	vpsel p1, v15, v0;
	v5 =	vpsel p1, v5, v3;
	s4 =	sadd.s32 s4, s1;
	v63 =	vld [tilespmem:s2+$0x0];
	s5 =	sshra.s32 s20, $0x2  }
0x304: {  	v9 =	vadd.f32 @p1 v14, v9;
	v6 =	vpsel p1, v6, v2;
	v7 =	vpsel p0, v7, v0;
	v62 =	vld [tilespmem:s4+$0x0];
	s1 =	sadd.s32 s5, s1  }
0x305: {  	v8 =	vadd.f32 @p0 v16, v8;
	v10 =	vpsel p0, v10, v0;
	v5 =	vadd.f32 @p0 v7, v5;
	v7 =	vld [tilespmem:s1+$0x0]  }
0x306: {  	v9 =	vpsel p1, v9, v4;
	v12 =	vpsel p0, v12, v0;
	v6 =	vadd.f32 @p0 v10, v6  }
0x307: {  	v1 =	vpsel p0, v8, v1;
	v8 =	vadd.f32 @p0 v12, v9  }
0x308: {  	v2 =	vpsel p0, v6, v2;
	v3 =	vpsel p0, v5, v3  }
0x309: {  	v4 =	vpsel p0, v8, v4;
	v1 =	vadd.f32 v61, v1;
	v2 =	vadd.f32 v63, v2  }
0x30a: {  	v3 =	vadd.f32 v62, v3;
	v4 =	vadd.f32 v7, v4  }
.LBB2_76:
0x30b: {  	s1 =	sadd.s32 $0xFFFFFF98, s0  }
0x30c: {  	p0 =	slt.s32 s1, $0x1  }
.Ltmp45:
0x30d: {  	_ = 	snop;
	(pc) =	sbr.rel @p0 .LBB2_87-.Ltmp45, $1  }
0x30e: {  	_ =	sdelay $0x3  }
0x30f: {  	p0 =	sgt.s32 s1, $0x0  }
0x310: {  	s1 =	simm.s32 @!p0 $0x0  }
0x311: {  	s2 =	smin.u32 s1, $0x30  }
0x312: {  	p3 =	sne.s32 s2, $0x1  }
.Ltmp46:
0x313: {  	_ = 	snop;
	(pc) =	sbr.rel @!p3 .LBB2_78-.Ltmp46, $3  }
0x314: {  	_ =	sdelay $0x1  }
0x315: {  	p1 =	por $0x0, $0x0;
	p2 =	por $0x0, $0x0  }
0x316: {  	v11 =	vld [tilespmem:s29+$0x0];
	p0 =	por $0x0, $0x0;
	s1 =	simm.s32 $0x18280;
	s2 =	sadd.s32 $0xFFFFFFFF, s2  }
0x317: {  	p3 =	sne.s32 s2, $0x1  }
.Ltmp47:
0x318: {  	_ = 	snop;
	(pc) =	sbr.rel @!p3 .LBB2_80-.Ltmp47, $3  }
0x319: {  	_ =	sdelay $0x1  }
0x31a: {  	s4 =	sadd.s32 $0x1, s29  }
0x31b: {  	s2 =	sadd.s32 $0xFFFFFFFF, s2;
	p0 =	por $0x1, $0x1;
	(v2sf) =	vpush v11, $0x0;
	v11 =	vld [tilespmem:s4+$0x0]  }
0x31c: {  	_ =	sdelay $0xc  }
0x31d: {  	p3 =	sne.s32 s2, $0x1  }
.Ltmp48:
0x31e: {  	s9 =	sadd.s32 $0x1, s4;
	s10 =	spop (v2sf);
	(pc) =	sbr.rel @!p3 .LBB2_82-.Ltmp48, $4  }
0x31f: {  	p1 =	por $0x1, $0x1;
	s5 =	sadd.s32 $0x10, s10;
	s6 =	sadd.s32 $0x30, s10  }
0x320: {  	s11 =	sadd.s32 $0x20, s10;
	s7 =	sand.u32 $0x7F, s6;
	s6 =	sshll.u32 s6, $0x2  }
0x321: {  	s13 =	sand.u32 $0x7F, s5;
	s8 =	sand.u32 $0xFFFFFE00, s6;
	s7 =	sshll.u32 s7, $0x2  }
0x322: {  	(v2sf) =	vpush v11, $0x0;
	v11 =	vld [tilespmem:s9+$0x0];
	s4 =	sshll.u32 s5, $0x2;
	s6 =	sadd.s32 $0xFFFFFFFF, s2;
	s5 =	sor.u32 s7, s8  }
0x323: {  	_ =	sdelay $0x7  }
0x324: {  	p3 =	sne.s32 s6, $0x1;
	s2 =	sshra.s32 s5, $0x2  }
0x325: {  	s7 =	sand.u32 $0x7F, s11;
	s8 =	sshll.u32 s11, $0x2;
	s12 =	sand.u32 $0x7F, s10  }
0x326: {  	s14 =	sshll.u32 s10, $0x2;
	s16 =	sand.u32 $0xFFFFFE00, s4;
	s18 =	sshll.u32 s13, $0x2  }
0x327: {  	p2 =	por $0x1, $0x1;
	s2 =	sadd.s32 $0x18280, s2;
	s8 =	sand.u32 $0xFFFFFE00, s8  }
0x328: {  	s14 =	sand.u32 $0xFFFFFE00, s14;
	s12 =	sshll.u32 s12, $0x2;
	s7 =	sshll.u32 s7, $0x2  }
0x329: {  	s16 =	sor.u32 s18, s16;
	s12 =	sor.u32 s12, s14;
	s7 =	sor.u32 s7, s8  }
0x32a: {  	s16 =	sshra.s32 s16, $0x2;
	s19 =	sshra.s32 s7, $0x2;
	s7 =	spop (v2sf);
	(v2sf) =	vpush v11, $0x0  }
0x32b: {  	v5 =	vld [tilespmem:s2+$0x0];
	s18 =	sshra.s32 s12, $0x2;
	s20 =	sadd.s32 $0x18280, s16;
	s12 =	sadd.s32 $0xFFFFFFFF, s6  }
.Ltmp49:
0x32c: {  	s6 =	simm.s32 $0x18280;
	s14 =	sadd.s32 $0x18280, s18;
	(pc) =	sbr.rel @!p3 .LBB2_84-.Ltmp49, $4  }
0x32d: {  	s16 =	sadd.s32 $0x18280, s19;
	v7 =	vld [tilespmem:s20+$0x0];
	s18 =	sadd.s32 $0x10, s7;
	s19 =	sadd.s32 $0x30, s7  }
0x32e: {  	v10 =	vld [tilespmem:s16+$0x0];
	s8 =	sadd.s32 $0x20, s7;
	s20 =	sshll.u32 s19, $0x2;
	s16 =	sand.u32 $0x7F, s19  }
0x32f: {  	v12 =	vld [tilespmem:s14+$0x0];
	s19 =	sadd.s32 $0x1, s9;
	s20 =	sand.u32 $0xFFFFFE00, s20;
	s16 =	sshll.u32 s16, $0x2  }
0x330: {  	v6 =	vmovc v2;
	v9 =	vmov v4;
	v8 =	vadd.f32 v5, v1;
	v5 =	vmov v3;
	s2 =	sand.u32 $0x7F, s18;
	s14 =	sshll.u32 s18, $0x2;
	v11 =	vld [tilespmem:s19+$0x0];
	s9 =	sor.u32 s16, s20  }
.LBB2_85:
0x331: {  	p3 =	sne.s32 s12, $0x1;
	s9 =	sshra.s32 s9, $0x2  }
0x332: {  	v5 =	vadd.f32 v7, v5;
	s6 =	sadd.s32 $0x80, s6;
	s16 =	sand.u32 $0x7F, s8;
	s8 =	sshll.u32 s8, $0x2  }
0x333: {  	s18 =	sand.u32 $0x7F, s7;
	s7 =	sshll.u32 s7, $0x2;
	s9 =	sadd.s32 s9, s6;
	v6 =	vadd.f32 v10, v6  }
0x334: {  	s14 =	sand.u32 $0xFFFFFE00, s14;
	s2 =	sshll.u32 s2, $0x2;
	s8 =	sand.u32 $0xFFFFFE00, s8;
	v10 =	vld [tilespmem:s9+$0x0];
	v9 =	vadd.f32 v12, v9  }
0x335: {  	s7 =	sand.u32 $0xFFFFFE00, s7;
	s9 =	sshll.u32 s16, $0x2;
	s16 =	sshll.u32 s18, $0x2  }
0x336: {  	s2 =	sor.u32 s2, s14;
	s7 =	sor.u32 s16, s7;
	(v2sf) =	vpush v11, $0x0  }
0x337: {  	s2 =	sshra.s32 s2, $0x2;
	s8 =	sor.u32 s9, s8;
	s9 =	sshra.s32 s7, $0x2  }
0x338: {  	s2 =	sadd.s32 s2, s6;
	s8 =	sshra.s32 s8, $0x2;
	s9 =	sadd.s32 s9, s6  }
.Ltmp50:
0x339: {  	s7 =	spop (v2sf);
	v7 =	vld [tilespmem:s2+$0x0];
	s2 =	sadd.s32 s8, s6;
	v8 =	vadd.f32 v10, v8;
	(pc) =	sbr.rel @p3 .LBB2_85-.Ltmp50, $4  }
0x33a: {  	s14 =	sadd.s32 $0x10, s7;
	s8 =	sadd.s32 $0x20, s7;
	s16 =	sadd.s32 $0x30, s7;
	v10 =	vld [tilespmem:s2+$0x0]  }
0x33b: {  	s2 =	sand.u32 $0x7F, s14;
	s18 =	sand.u32 $0x7F, s16;
	s16 =	sshll.u32 s16, $0x2;
	v12 =	vld [tilespmem:s9+$0x0]  }
0x33c: {  	s19 =	sadd.s32 $0x1, s19;
	s9 =	sand.u32 $0xFFFFFE00, s16;
	s16 =	sshll.u32 s18, $0x2  }
0x33d: {  	s12 =	sadd.s32 $0xFFFFFFFF, s12;
	s14 =	sshll.u32 s14, $0x2;
	v11 =	vld [tilespmem:s19+$0x0];
	s9 =	sor.u32 s16, s9  }
.LBB2_86:
0x33e: {  	_ = 	snop  }
0x33f: {  	s6 =	sadd.s32 @p2 $0x80, s6;
	s12 =	simm.s32 $0x18280;
	s9 =	sshra.s32 @p1 s9, $0x2  }
0x340: {  	s16 =	sand.u32 @p1 $0x7F, s8;
	s8 =	sshll.u32 @p1 s8, $0x2;
	s14 =	sand.u32 @p1 $0xFFFFFE00, s14  }
0x341: {  	s2 =	sshll.u32 @p1 s2, $0x2;
	s12 =	smov.u32 @p2 s6;
	s8 =	sand.u32 @p1 $0xFFFFFE00, s8  }
0x342: {  	s16 =	sshll.u32 @p1 s16, $0x2;
	s2 =	sor.u32 @p1 s2, s14;
	s6 =	sadd.s32 @p1 s9, s12  }
0x343: {  	s9 =	sand.u32 @p1 $0x7F, s7;
	s7 =	sshll.u32 @p1 s7, $0x2;
	s2 =	sshra.s32 @p1 s2, $0x2  }
0x344: {  	s8 =	sor.u32 @p1 s16, s8;
	s7 =	sand.u32 @p1 $0xFFFFFE00, s7;
	s9 =	sshll.u32 @p1 s9, $0x2  }
0x345: {  	s8 =	sshra.s32 @p1 s8, $0x2;
	(v2sf) =	vpush v11, $0x0;
	s7 =	sor.u32 @p1 s9, s7;
	s9 =	spop @p0 (v2sf)  }
0x346: {  	s2 =	sadd.s32 @p1 s2, s12;
	s8 =	sadd.s32 @p1 s8, s12;
	s14 =	sadd.s32 @p0 $0x30, s9  }
0x347: {  	s7 =	sshra.s32 @p1 s7, $0x2;
	s16 =	sand.u32 @p0 $0x7F, s14;
	s14 =	sshll.u32 @p0 s14, $0x2  }
0x348: {  	s7 =	sadd.s32 @p1 s7, s12;
	s14 =	sand.u32 @p0 $0xFFFFFE00, s14;
	s16 =	sshll.u32 @p0 s16, $0x2  }
0x349: {  	s10 =	smov.u32 @p0 s9;
	s14 =	sor.u32 @p0 s16, s14;
	s16 =	sadd.s32 @p0 $0x20, s9  }
0x34a: {  	s5 =	smov.u32 @p0 s14;
	s14 =	sadd.s32 @p0 $0x10, s9;
	s11 =	smov.u32 @p0 s16  }
0x34b: {  	s9 =	sadd.s32 @p1 $0x80, s12;
	s12 =	simm.s32 $0x18280;
	s16 =	sand.u32 @p0 $0x7F, s14  }
0x34c: {  	s14 =	sshll.u32 @p0 s14, $0x2;
	s5 =	sshra.s32 @p0 s5, $0x2;
	s12 =	smov.u32 @p1 s9  }
0x34d: {  	s9 =	sand.u32 @p0 $0x7F, s11;
	s11 =	sshll.u32 @p0 s11, $0x2;
	s4 =	smov.u32 @p0 s14  }
0x34e: {  	s13 =	smov.u32 @p0 s16;
	s5 =	sadd.s32 @p0 s5, s12;
	s14 =	sand.u32 @p0 $0x7F, s10  }
0x34f: {  	s10 =	sshll.u32 @p0 s10, $0x2;
	s11 =	sand.u32 @p0 $0xFFFFFE00, s11;
	s9 =	sshll.u32 @p0 s9, $0x2  }
0x350: {  	s4 =	sand.u32 @p0 $0xFFFFFE00, s4;
	s13 =	sshll.u32 @p0 s13, $0x2;
	s10 =	sand.u32 @p0 $0xFFFFFE00, s10  }
0x351: {  	s14 =	sshll.u32 @p0 s14, $0x2;
	s9 =	sor.u32 @p0 s9, s11;
	s4 =	sor.u32 @p0 s13, s4  }
0x352: {  	s10 =	sor.u32 @p0 s14, s10;
	s9 =	sshra.s32 @p0 s9, $0x2;
	s4 =	sshra.s32 @p0 s4, $0x2  }
0x353: {  	s10 =	sshra.s32 @p0 s10, $0x2;
	s9 =	sadd.s32 @p0 s9, s12;
	s4 =	sadd.s32 @p0 s4, s12  }
0x354: {  	s10 =	sadd.s32 @p0 s10, s12;
	s12 =	sadd.s32 @p0 $0x80, s12;
	s11 =	spop (v2sf)  }
0x355: {  	s1 =	smov.u32 @p0 s12;
	s18 =	sadd.s32 $0x30, s11  }
0x356: {  	v11 =	vld @p1 [tilespmem:s6+$0x0];
	s20 =	sadd.s32 $0x10, s11;
	s16 =	sadd.s32 $0x20, s11;
	s19 =	sand.u32 $0x7F, s18  }
0x357: {  	v13 =	vld @p1 [tilespmem:s2+$0x0];
	s13 =	sshll.u32 s18, $0x2;
	s18 =	sand.u32 $0x7F, s20;
	s6 =	sshll.u32 s20, $0x2  }
0x358: {  	v14 =	vld @p1 [tilespmem:s8+$0x0];
	s20 =	sand.u32 $0x7F, s16;
	s2 =	sshll.u32 s16, $0x2;
	s13 =	sand.u32 $0xFFFFFE00, s13  }
0x359: {  	v15 =	vld @p1 [tilespmem:s7+$0x0];
	s14 =	sshll.u32 s19, $0x2;
	s16 =	sshll.u32 s18, $0x2;
	s2 =	sand.u32 $0xFFFFFE00, s2  }
0x35a: {  	v5 =	vadd.f32 @p2 v7, v5;
	v16 =	vld @p0 [tilespmem:s5+$0x0];
	s7 =	sshll.u32 s20, $0x2;
	s13 =	sor.u32 s14, s13;
	s14 =	sand.u32 $0xFFFFFE00, s6  }
0x35b: {  	v6 =	vadd.f32 @p2 v10, v6;
	v9 =	vadd.f32 @p2 v12, v9;
	v7 =	vld @p0 [tilespmem:s4+$0x0];
	s2 =	sor.u32 s7, s2;
	s19 =	sshra.s32 s13, $0x2;
	s13 =	sand.u32 $0x7F, s11  }
0x35c: {  	v5 =	vpsel p2, v5, v3;
	v8 =	vadd.f32 @p1 v11, v8;
	v11 =	vpsel p1, v13, v0;
	v10 =	vld @p0 [tilespmem:s9+$0x0];
	s11 =	sshll.u32 s11, $0x2;
	s4 =	sor.u32 s16, s14;
	s2 =	sshra.s32 s2, $0x2  }
0x35d: {  	v6 =	vpsel p2, v6, v2;
	v13 =	vpsel p1, v14, v0;
	v5 =	vadd.f32 @p1 v11, v5;
	v12 =	vld @p0 [tilespmem:s10+$0x0];
	s12 =	sadd.s32 s19, s1;
	s18 =	sand.u32 $0xFFFFFE00, s11;
	s19 =	sshll.u32 s13, $0x2  }
0x35e: {  	v9 =	vpsel p2, v9, v4;
	v6 =	vadd.f32 @p1 v13, v6;
	s4 =	sshra.s32 s4, $0x2;
	s2 =	sadd.s32 s2, s1;
	v61 =	vld [tilespmem:s12+$0x0];
	s20 =	sor.u32 s19, s18  }
0x35f: {  	v8 =	vpsel p1, v8, v1;
	v14 =	vpsel p1, v15, v0;
	v5 =	vpsel p1, v5, v3;
	s4 =	sadd.s32 s4, s1;
	v63 =	vld [tilespmem:s2+$0x0];
	s5 =	sshra.s32 s20, $0x2  }
0x360: {  	v9 =	vadd.f32 @p1 v14, v9;
	v6 =	vpsel p1, v6, v2;
	v7 =	vpsel p0, v7, v0;
	v62 =	vld [tilespmem:s4+$0x0];
	s1 =	sadd.s32 s5, s1  }
0x361: {  	v8 =	vadd.f32 @p0 v16, v8;
	v10 =	vpsel p0, v10, v0;
	v5 =	vadd.f32 @p0 v7, v5;
	v7 =	vld [tilespmem:s1+$0x0]  }
0x362: {  	v9 =	vpsel p1, v9, v4;
	v12 =	vpsel p0, v12, v0;
	v6 =	vadd.f32 @p0 v10, v6  }
0x363: {  	v1 =	vpsel p0, v8, v1;
	v8 =	vadd.f32 @p0 v12, v9  }
0x364: {  	v2 =	vpsel p0, v6, v2;
	v3 =	vpsel p0, v5, v3  }
0x365: {  	v4 =	vpsel p0, v8, v4;
	v1 =	vadd.f32 v61, v1;
	v2 =	vadd.f32 v63, v2  }
0x366: {  	v3 =	vadd.f32 v62, v3;
	v4 =	vadd.f32 v7, v4  }
.LBB2_87:
0x367: {  	s0 =	sadd.s32 $0xFFFFFF68, s0  }
0x368: {  	p0 =	slt.s32 s0, $0x1  }
.Ltmp51:
0x369: {  	_ = 	snop;
	(pc) =	sbr.rel @p0 .LBB2_98-.Ltmp51, $1  }
0x36a: {  	_ =	sdelay $0x3  }
0x36b: {  	p0 =	sgt.s32 s0, $0x0  }
0x36c: {  	s0 =	simm.s32 @!p0 $0x0  }
0x36d: {  	s1 =	smin.u32 s0, $0x30  }
0x36e: {  	p3 =	sne.s32 s1, $0x1  }
.Ltmp52:
0x36f: {  	_ = 	snop;
	(pc) =	sbr.rel @!p3 .LBB2_89-.Ltmp52, $3  }
0x370: {  	_ =	sdelay $0x1  }
0x371: {  	p1 =	por $0x0, $0x0;
	p2 =	por $0x0, $0x0  }
0x372: {  	v11 =	vld [tilespmem:s30+$0x0];
	p0 =	por $0x0, $0x0;
	s0 =	simm.s32 $0x19A80;
	s1 =	sadd.s32 $0xFFFFFFFF, s1  }
0x373: {  	_ =	sdelay $0x3  }
0x374: {  	(v2sf) =	vpush v11, $0x0;
	_ =	sdelay $0x2  }
0x375: {  	p3 =	sne.s32 s1, $0x1  }
.Ltmp53:
0x376: {  	_ = 	snop;
	(pc) =	sbr.rel @!p3 .LBB2_91-.Ltmp53, $3  }
0x377: {  	_ =	sdelay $0x1  }
0x378: {  	s4 =	sadd.s32 $0x1, s30  }
0x379: {  	s2 =	sadd.s32 $0xFFFFFFFF, s1;
	p0 =	por $0x1, $0x1;
	v11 =	vld [tilespmem:s4+$0x0]  }
0x37a: {  	_ =	sdelay $0x5  }
0x37b: {  	s1 =	spop (v2sf);
	(v2sf) =	vpush v11, $0x0;
	_ =	sdelay $0x2  }
0x37c: {  	p3 =	sne.s32 s2, $0x1  }
.Ltmp54:
0x37d: {  	s9 =	sadd.s32 $0x1, s4;
	(pc) =	sbr.rel @!p3 .LBB2_93-.Ltmp54, $4  }
0x37e: {  	p1 =	por $0x1, $0x1;
	s5 =	sadd.s32 $0x10, s1;
	s6 =	sadd.s32 $0x30, s1  }
0x37f: {  	s10 =	sadd.s32 $0x20, s1;
	s7 =	sand.u32 $0x7F, s6;
	s6 =	sshll.u32 s6, $0x2  }
0x380: {  	s11 =	sand.u32 $0x7F, s5;
	s8 =	sand.u32 $0xFFFFFE00, s6;
	s7 =	sshll.u32 s7, $0x2  }
0x381: {  	v11 =	vld [tilespmem:s9+$0x0];
	s4 =	sshll.u32 s5, $0x2;
	s6 =	sadd.s32 $0xFFFFFFFF, s2;
	s5 =	sor.u32 s7, s8  }
0x382: {  	_ =	sdelay $0x1  }
0x383: {  	p3 =	sne.s32 s6, $0x1;
	s7 =	sand.u32 $0x7F, s10  }
0x384: {  	s8 =	sshll.u32 s10, $0x2;
	s12 =	sand.u32 $0x7F, s1;
	s13 =	sshll.u32 s1, $0x2  }
0x385: {  	s14 =	sand.u32 $0xFFFFFE00, s4;
	s8 =	sand.u32 $0xFFFFFE00, s8;
	s7 =	sshll.u32 s7, $0x2  }
0x386: {  	s16 =	sshll.u32 s11, $0x2;
	s13 =	sand.u32 $0xFFFFFE00, s13;
	s7 =	sor.u32 s7, s8  }
0x387: {  	s12 =	sshll.u32 s12, $0x2;
	s19 =	sshra.s32 s7, $0x2;
	s7 =	spop (v2sf);
	(v2sf) =	vpush v11, $0x0  }
0x388: {  	s2 =	sshra.s32 s5, $0x2;
	s14 =	sor.u32 s16, s14;
	s12 =	sor.u32 s12, s13  }
0x389: {  	s2 =	sadd.s32 $0x19A80, s2;
	s20 =	sshra.s32 s14, $0x2;
	s12 =	sshra.s32 s12, $0x2  }
0x38a: {  	p2 =	por $0x1, $0x1;
	v5 =	vld [tilespmem:s2+$0x0];
	s13 =	sadd.s32 $0x19A80, s20;
	s14 =	sadd.s32 $0x19A80, s12  }
.Ltmp55:
0x38b: {  	s20 =	sadd.s32 $0x19A80, s19;
	v7 =	vld [tilespmem:s13+$0x0];
	s13 =	sadd.s32 $0x1, s9;
	(pc) =	sbr.rel @!p3 .LBB2_95-.Ltmp55, $4  }
0x38c: {  	s12 =	sadd.s32 $0xFFFFFFFF, s6;
	s6 =	simm.s32 $0x19A80;
	s18 =	sadd.s32 $0x30, s7  }
0x38d: {  	v10 =	vld [tilespmem:s20+$0x0];
	s16 =	sadd.s32 $0x10, s7;
	s19 =	sshll.u32 s18, $0x2;
	s18 =	sand.u32 $0x7F, s18  }
0x38e: {  	v12 =	vld [tilespmem:s14+$0x0];
	s8 =	sadd.s32 $0x20, s7;
	s20 =	sand.u32 $0xFFFFFE00, s19;
	s18 =	sshll.u32 s18, $0x2  }
0x38f: {  	v6 =	vmovc v2;
	v9 =	vmov v4;
	v11 =	vld [tilespmem:s13+$0x0];
	v8 =	vadd.f32 v5, v1;
	v5 =	vmov v3;
	s2 =	sand.u32 $0x7F, s16;
	s14 =	sshll.u32 s16, $0x2;
	s9 =	sor.u32 s18, s20  }
.LBB2_96:
0x390: {  	p3 =	sne.s32 s12, $0x1;
	s9 =	sshra.s32 s9, $0x2  }
0x391: {  	v5 =	vadd.f32 v7, v5;
	s6 =	sadd.s32 $0x80, s6;
	s16 =	sand.u32 $0x7F, s8;
	s8 =	sshll.u32 s8, $0x2  }
0x392: {  	v6 =	vadd.f32 v10, v6;
	s18 =	sand.u32 $0x7F, s7;
	s7 =	sshll.u32 s7, $0x2;
	s9 =	sadd.s32 s9, s6  }
0x393: {  	s14 =	sand.u32 $0xFFFFFE00, s14;
	v9 =	vadd.f32 v12, v9;
	s2 =	sshll.u32 s2, $0x2;
	s8 =	sand.u32 $0xFFFFFE00, s8;
	v10 =	vld [tilespmem:s9+$0x0]  }
0x394: {  	s7 =	sand.u32 $0xFFFFFE00, s7;
	s9 =	sshll.u32 s16, $0x2;
	s16 =	sshll.u32 s18, $0x2  }
0x395: {  	s2 =	sor.u32 s2, s14;
	s7 =	sor.u32 s16, s7;
	(v2sf) =	vpush v11, $0x0  }
0x396: {  	s2 =	sshra.s32 s2, $0x2;
	s8 =	sor.u32 s9, s8;
	s9 =	sshra.s32 s7, $0x2  }
0x397: {  	s2 =	sadd.s32 s2, s6;
	s8 =	sshra.s32 s8, $0x2;
	s9 =	sadd.s32 s9, s6  }
.Ltmp56:
0x398: {  	s7 =	spop (v2sf);
	v7 =	vld [tilespmem:s2+$0x0];
	s2 =	sadd.s32 s8, s6;
	v8 =	vadd.f32 v10, v8;
	(pc) =	sbr.rel @p3 .LBB2_96-.Ltmp56, $4  }
0x399: {  	s14 =	sadd.s32 $0x10, s7;
	s8 =	sadd.s32 $0x20, s7;
	s16 =	sadd.s32 $0x30, s7;
	v10 =	vld [tilespmem:s2+$0x0]  }
0x39a: {  	s2 =	sand.u32 $0x7F, s14;
	s18 =	sand.u32 $0x7F, s16;
	s16 =	sshll.u32 s16, $0x2;
	v12 =	vld [tilespmem:s9+$0x0]  }
0x39b: {  	s13 =	sadd.s32 $0x1, s13;
	s9 =	sand.u32 $0xFFFFFE00, s16;
	s16 =	sshll.u32 s18, $0x2  }
0x39c: {  	s12 =	sadd.s32 $0xFFFFFFFF, s12;
	s14 =	sshll.u32 s14, $0x2;
	v11 =	vld [tilespmem:s13+$0x0];
	s9 =	sor.u32 s16, s9  }
.Ltmp57:
0x39d: {  	_ = 	snop;
	(pc) =	sbr.rel .LBB2_97-.Ltmp57, $1  }
0x39e: {  	_ =	sdelay $0x3  }
.LBB2_9:
.Ltmp58:
0x39f: {  	(pc) =	sbr.rel .LBB2_18-.Ltmp58, $3  }
0x3a0: {  	_ =	sdelay $0x1  }
0x3a1: {  	v4 =	vimm.f32 $0.0e+00  }
0x3a2: {  	v2 =	vimm.f32 $0.0e+00;
	v3 =	vimm.f32 $0.0e+00;
	v1 =	vimm.f32 $0.0e+00  }
.LBB2_56:
.Ltmp59:
0x3a3: {  	(pc) =	sbr.rel .LBB2_65-.Ltmp59, $3  }
0x3a4: {  	_ =	sdelay $0x1  }
0x3a5: {  	v4 =	vimm.f32 $0.0e+00  }
0x3a6: {  	v3 =	vimm.f32 $0.0e+00;
	v2 =	vimm.f32 $0.0e+00;
	v1 =	vimm.f32 $0.0e+00  }
.LBB2_7:
.Ltmp60:
0x3a7: {  	(pc) =	sbr.rel .LBB2_17-.Ltmp60, $3  }
0x3a8: {  	_ =	sdelay $0x1  }
0x3a9: {  	v1 =	vimm.f32 $0.0e+00  }
0x3aa: {  	s6 =	simm.s32 $0xEA80;
	v3 =	vimm.f32 $0.0e+00;
	v6 =	vimm.f32 $0.0e+00;
	v5 =	vimm.f32 $0.0e+00  }
.LBB2_54:
.Ltmp61:
0x3ab: {  	(pc) =	sbr.rel .LBB2_64-.Ltmp61, $3  }
0x3ac: {  	_ =	sdelay $0x1  }
0x3ad: {  	v1 =	vimm.f32 $0.0e+00  }
0x3ae: {  	s6 =	simm.s32 $0x14E80;
	v3 =	vimm.f32 $0.0e+00;
	v6 =	vimm.f32 $0.0e+00;
	v5 =	vimm.f32 $0.0e+00  }
.LBB2_11:
.Ltmp62:
0x3af: {  	(pc) =	sbr.rel .LBB2_17-.Ltmp62, $3  }
0x3b0: {  	_ =	sdelay $0x1  }
0x3b1: {  	v1 =	vimm.f32 $0.0e+00  }
0x3b2: {  	s6 =	simm.s32 $0xEA80;
	v3 =	vimm.f32 $0.0e+00;
	v6 =	vimm.f32 $0.0e+00;
	v5 =	vimm.f32 $0.0e+00  }
.LBB2_58:
.Ltmp63:
0x3b3: {  	(pc) =	sbr.rel .LBB2_64-.Ltmp63, $3  }
0x3b4: {  	_ =	sdelay $0x1  }
0x3b5: {  	v1 =	vimm.f32 $0.0e+00  }
0x3b6: {  	s6 =	simm.s32 $0x14E80;
	v3 =	vimm.f32 $0.0e+00;
	v6 =	vimm.f32 $0.0e+00;
	v5 =	vimm.f32 $0.0e+00  }
.LBB2_13:
.Ltmp64:
0x3b7: {  	(pc) =	sbr.rel .LBB2_17-.Ltmp64, $3  }
0x3b8: {  	_ =	sdelay $0x1  }
0x3b9: {  	v1 =	vimm.f32 $0.0e+00;
	s14 =	smov.u32 s5;
	s6 =	simm.s32 $0xEA80;
	s13 =	smov.u32 s8  }
0x3ba: {  	v3 =	vimm.f32 $0.0e+00;
	s11 =	smov.u32 s7;
	s20 =	smov.u32 s4;
	v6 =	vimm.f32 $0.0e+00;
	s19 =	smov.u32 s2;
	v5 =	vimm.f32 $0.0e+00  }
.LBB2_60:
.Ltmp65:
0x3bb: {  	(pc) =	sbr.rel .LBB2_64-.Ltmp65, $3  }
0x3bc: {  	_ =	sdelay $0x1  }
0x3bd: {  	v1 =	vimm.f32 $0.0e+00;
	s14 =	smov.u32 s5;
	s6 =	simm.s32 $0x14E80;
	s8 =	smov.u32 s11  }
0x3be: {  	v3 =	vimm.f32 $0.0e+00;
	s7 =	smov.u32 s10;
	s19 =	smov.u32 s4;
	v6 =	vimm.f32 $0.0e+00;
	s2 =	smov.u32 s13;
	v5 =	vimm.f32 $0.0e+00  }
.LBB2_15:
.Ltmp66:
0x3bf: {  	(pc) =	sbr.rel .LBB2_17-.Ltmp66, $2  }
0x3c0: {  	_ =	sdelay $0x2  }
0x3c1: {  	v1 =	vimm.f32 $0.0e+00;
	s6 =	simm.s32 $0xEA80;
	v3 =	vimm.f32 $0.0e+00;
	v6 =	vimm.f32 $0.0e+00  }
.LBB2_62:
.Ltmp67:
0x3c2: {  	(pc) =	sbr.rel .LBB2_64-.Ltmp67, $2  }
0x3c3: {  	_ =	sdelay $0x2  }
0x3c4: {  	v1 =	vimm.f32 $0.0e+00;
	s6 =	simm.s32 $0x14E80;
	v3 =	vimm.f32 $0.0e+00;
	v6 =	vimm.f32 $0.0e+00  }
.LBB2_20:
.Ltmp68:
0x3c5: {  	(pc) =	sbr.rel .LBB2_28-.Ltmp68, $2  }
0x3c6: {  	_ =	sdelay $0x2  }
0x3c7: {  	v5 =	vmovc v2;
	s6 =	simm.s32 $0x10680;
	v6 =	vmov v3;
	v9 =	vmov v4;
	v8 =	vmov v1  }
.LBB2_31:
.Ltmp69:
0x3c8: {  	(pc) =	sbr.rel .LBB2_39-.Ltmp69, $2  }
0x3c9: {  	_ =	sdelay $0x2  }
0x3ca: {  	v5 =	vmovc v2;
	s6 =	simm.s32 $0x11E80;
	v6 =	vmov v3;
	v9 =	vmov v4;
	v8 =	vmov v1  }
.LBB2_42:
.Ltmp70:
0x3cb: {  	(pc) =	sbr.rel .LBB2_50-.Ltmp70, $2  }
0x3cc: {  	_ =	sdelay $0x2  }
0x3cd: {  	v5 =	vmovc v2;
	s6 =	simm.s32 $0x13680;
	v6 =	vmov v3;
	v9 =	vmov v4;
	v8 =	vmov v1  }
.LBB2_67:
.Ltmp71:
0x3ce: {  	(pc) =	sbr.rel .LBB2_75-.Ltmp71, $2  }
0x3cf: {  	_ =	sdelay $0x2  }
0x3d0: {  	v5 =	vmovc v3;
	s6 =	simm.s32 $0x16A80;
	v6 =	vmov v2;
	v9 =	vmov v4;
	v8 =	vmov v1  }
.LBB2_78:
.Ltmp72:
0x3d1: {  	(pc) =	sbr.rel .LBB2_86-.Ltmp72, $2  }
0x3d2: {  	_ =	sdelay $0x2  }
0x3d3: {  	v5 =	vmovc v3;
	s6 =	simm.s32 $0x18280;
	v6 =	vmov v2;
	v9 =	vmov v4;
	v8 =	vmov v1  }
.LBB2_22:
.Ltmp73:
0x3d4: {  	(pc) =	sbr.rel .LBB2_28-.Ltmp73, $2  }
0x3d5: {  	_ =	sdelay $0x2  }
0x3d6: {  	v5 =	vmovc v2;
	s6 =	simm.s32 $0x10680;
	v6 =	vmov v3;
	v9 =	vmov v4;
	v8 =	vmov v1  }
.LBB2_33:
.Ltmp74:
0x3d7: {  	(pc) =	sbr.rel .LBB2_39-.Ltmp74, $2  }
0x3d8: {  	_ =	sdelay $0x2  }
0x3d9: {  	v5 =	vmovc v2;
	s6 =	simm.s32 $0x11E80;
	v6 =	vmov v3;
	v9 =	vmov v4;
	v8 =	vmov v1  }
.LBB2_44:
.Ltmp75:
0x3da: {  	(pc) =	sbr.rel .LBB2_50-.Ltmp75, $2  }
0x3db: {  	_ =	sdelay $0x2  }
0x3dc: {  	v5 =	vmovc v2;
	s6 =	simm.s32 $0x13680;
	v6 =	vmov v3;
	v9 =	vmov v4;
	v8 =	vmov v1  }
.LBB2_69:
.Ltmp76:
0x3dd: {  	(pc) =	sbr.rel .LBB2_75-.Ltmp76, $2  }
0x3de: {  	_ =	sdelay $0x2  }
0x3df: {  	v5 =	vmovc v3;
	s6 =	simm.s32 $0x16A80;
	v6 =	vmov v2;
	v9 =	vmov v4;
	v8 =	vmov v1  }
.LBB2_80:
.Ltmp77:
0x3e0: {  	(pc) =	sbr.rel .LBB2_86-.Ltmp77, $2  }
0x3e1: {  	_ =	sdelay $0x2  }
0x3e2: {  	v5 =	vmovc v3;
	s6 =	simm.s32 $0x18280;
	v6 =	vmov v2;
	v9 =	vmov v4;
	v8 =	vmov v1  }
.LBB2_91:
.Ltmp78:
0x3e3: {  	(pc) =	sbr.rel .LBB2_97-.Ltmp78, $2  }
0x3e4: {  	_ =	sdelay $0x2  }
0x3e5: {  	v5 =	vmovc v3;
	s6 =	simm.s32 $0x19A80;
	v6 =	vmov v2;
	v9 =	vmov v4;
	v8 =	vmov v1  }
.LBB2_24:
.Ltmp79:
0x3e6: {  	(pc) =	sbr.rel .LBB2_28-.Ltmp79, $3  }
0x3e7: {  	_ =	sdelay $0x1  }
0x3e8: {  	s5 =	smov.u32 s9;
	s6 =	simm.s32 $0x10680;
	s8 =	smov.u32 s13  }
0x3e9: {  	v5 =	vmovc v2;
	v6 =	vmov v3;
	s7 =	smov.u32 s11;
	s4 =	smov.u32 s14;
	v9 =	vmov v4;
	s2 =	smov.u32 s19;
	v8 =	vmov v1  }
.LBB2_35:
.Ltmp80:
0x3ea: {  	(pc) =	sbr.rel .LBB2_39-.Ltmp80, $3  }
0x3eb: {  	_ =	sdelay $0x1  }
0x3ec: {  	s9 =	smov.u32 s5;
	s6 =	simm.s32 $0x11E80;
	s8 =	smov.u32 s13  }
0x3ed: {  	v5 =	vmovc v2;
	v6 =	vmov v3;
	s7 =	smov.u32 s11;
	s14 =	smov.u32 s4;
	v9 =	vmov v4;
	s2 =	smov.u32 s19;
	v8 =	vmov v1  }
.LBB2_46:
.Ltmp81:
0x3ee: {  	(pc) =	sbr.rel .LBB2_50-.Ltmp81, $3  }
0x3ef: {  	_ =	sdelay $0x1  }
0x3f0: {  	s9 =	smov.u32 s5;
	s6 =	simm.s32 $0x13680;
	s8 =	smov.u32 s11  }
0x3f1: {  	v5 =	vmovc v2;
	v6 =	vmov v3;
	s7 =	smov.u32 s10;
	s14 =	smov.u32 s4;
	v9 =	vmov v4;
	s2 =	smov.u32 s13;
	v8 =	vmov v1  }
.LBB2_71:
.Ltmp82:
0x3f2: {  	(pc) =	sbr.rel .LBB2_75-.Ltmp82, $3  }
0x3f3: {  	_ =	sdelay $0x1  }
0x3f4: {  	s9 =	smov.u32 s5;
	s6 =	simm.s32 $0x16A80;
	s8 =	smov.u32 s11  }
0x3f5: {  	v5 =	vmovc v3;
	v6 =	vmov v2;
	s7 =	smov.u32 s10;
	s14 =	smov.u32 s4;
	v9 =	vmov v4;
	s2 =	smov.u32 s13;
	v8 =	vmov v1  }
.LBB2_82:
.Ltmp83:
0x3f6: {  	(pc) =	sbr.rel .LBB2_86-.Ltmp83, $3  }
0x3f7: {  	_ =	sdelay $0x1  }
0x3f8: {  	s9 =	smov.u32 s5;
	s6 =	simm.s32 $0x18280;
	s8 =	smov.u32 s11  }
0x3f9: {  	v5 =	vmovc v3;
	v6 =	vmov v2;
	s7 =	smov.u32 s10;
	s14 =	smov.u32 s4;
	v9 =	vmov v4;
	s2 =	smov.u32 s13;
	v8 =	vmov v1  }
.LBB2_93:
.Ltmp84:
0x3fa: {  	(pc) =	sbr.rel .LBB2_97-.Ltmp84, $3  }
0x3fb: {  	_ =	sdelay $0x1  }
0x3fc: {  	s9 =	smov.u32 s5;
	s6 =	simm.s32 $0x19A80;
	s8 =	smov.u32 s10  }
0x3fd: {  	v5 =	vmovc v3;
	v6 =	vmov v2;
	s7 =	smov.u32 s1;
	s14 =	smov.u32 s4;
	v9 =	vmov v4;
	s2 =	smov.u32 s11;
	v8 =	vmov v1  }
.LBB2_26:
.Ltmp85:
0x3fe: {  	(pc) =	sbr.rel .LBB2_28-.Ltmp85, $2  }
0x3ff: {  	_ =	sdelay $0x2  }
0x400: {  	v5 =	vmov v2;
	s6 =	simm.s32 $0x10680;
	v6 =	vmov v3;
	v9 =	vmov v4  }
.LBB2_37:
.Ltmp86:
0x401: {  	(pc) =	sbr.rel .LBB2_39-.Ltmp86, $2  }
0x402: {  	_ =	sdelay $0x2  }
0x403: {  	v5 =	vmov v2;
	s6 =	simm.s32 $0x11E80;
	v6 =	vmov v3;
	v9 =	vmov v4  }
.LBB2_48:
.Ltmp87:
0x404: {  	(pc) =	sbr.rel .LBB2_50-.Ltmp87, $2  }
0x405: {  	_ =	sdelay $0x2  }
0x406: {  	v5 =	vmov v2;
	s6 =	simm.s32 $0x13680;
	v6 =	vmov v3;
	v9 =	vmov v4  }
.LBB2_73:
.Ltmp88:
0x407: {  	(pc) =	sbr.rel .LBB2_75-.Ltmp88, $2  }
0x408: {  	_ =	sdelay $0x2  }
0x409: {  	v5 =	vmov v3;
	s6 =	simm.s32 $0x16A80;
	v6 =	vmov v2;
	v9 =	vmov v4  }
.LBB2_84:
.Ltmp89:
0x40a: {  	(pc) =	sbr.rel .LBB2_86-.Ltmp89, $2  }
0x40b: {  	_ =	sdelay $0x2  }
0x40c: {  	v5 =	vmov v3;
	s6 =	simm.s32 $0x18280;
	v6 =	vmov v2;
	v9 =	vmov v4  }
.LBB2_95:
.Ltmp90:
0x40d: {  	(pc) =	sbr.rel .LBB2_97-.Ltmp90, $2  }
0x40e: {  	_ =	sdelay $0x2  }
0x40f: {  	v5 =	vmov v3;
	s6 =	simm.s32 $0x19A80;
	v6 =	vmov v2;
	v9 =	vmov v4  }
.LBB2_100:
0x410: {  	_ =	sfence.sel $0x180000  }
0x411: {  	[bflag:$0x0] =	sbarrier.arrive $0xFFFF  }
0x412: {  	_ =	strace $0x90000047  }
0x413: {  	s0 =	stileid.u32;
	[bflag:$0x2] =	sbarrier.arrive $0xFFFF  }
0x414: {  	p0 =	sne.s32 s0, $0x0;
	s0 =	rddreg [dreg:$0x3]  }
0x415: {  	s0 =	sadd.s32 @!p0 $0x100000, s0  }
0x416: {  	[sflag:s0] =	ssyncadd.tile.s32 @!p0 $0x1;
	_ =	shalt  }
.Lfunc_end2:
_tile_overlayer_lowered:
.L_overlay_start_2:
0x417: {  	(tag) =	ssettag $0x2  }
0x418: {  	s0 =	rddreg [dreg:$0x0];
	s2 =	stileid.u32  }
0x419: {  	s1 =	rddreg [dreg:$0x1];
	p0 =	sne.s32 s2, $0x0  }
0x41a: {  	s3 =	rddreg [dreg:$0x2];
	[bflag:$0x3] =	sbarrier.arrive $0xFFFF;
	s2 =	simm.s32 @!p0 $0x1C09  }
0x41b: {  	[timem:s3], [sflag:s2] =	dma.local @!p0 [hbm:s0], s1  }
0x41c: {  	s0 =	simm.s32 @!p0 $0x9  }
0x41d: {  	_ =	swait.ge @!p0 [sflag:s0], s1  }
0x41e: {  	s1 =	ssub.s32 @!p0 $0x0, s1;
	[sflag:s0] =	ssyncset.done @!p0 $0x0  }
0x41f: {  	[sflag:s0] =	ssyncadd.s32 @!p0 s1  }
0x420: {  	[bflag:$0x3] =	sbarrier.arrive $0xFFFF  }
0x421: {  	_ =	shalt  }

</sc_bundles>
